<compile_context>
chip_gen: v7x
topology: tpu7x:2x2x1
jax: 0.10.2.dev20260603
libtpu: 0.0.44.dev20260713+nightly
codegen_flags: <defaults>
</compile_context>

<pallas_src>
import functools

import jax
import jax.numpy as jnp
from jax import lax
from jax.experimental import pallas as pl
from jax.experimental.pallas import tpu as pltpu
from jax.experimental.pallas import tpu_sc as plsc

NUM_CAT = 3
CAT_VOCAB = 100000
NUM_HASH = 3
HASH_BINS = 100000
NUM_CONT_EMB = 2
CONT_BINS = 1000
NUM_CONT_NORM = 2
EMB = 32
BATCH = 16384
OUT_COLS = NUM_CAT * EMB + NUM_HASH * EMB + NUM_CONT_EMB * EMB + NUM_CONT_NORM

_info = plsc.get_sparse_core_info()
NC = _info.num_cores
NS = _info.num_subcores
L = _info.num_lanes
NW = NC * NS
CHUNK = BATCH // NW
NSLOT = 6
BPAD = 1024


def _tower_body(cat_idx_t, hash_idx_t, cont_vals_t, norm_flat,
                cat_tab, hash_tab, cont_tab, bpad, sparams,
                out,
                ci_cat, ci_hash, ci_cont, valsb, bndb, prmb, normb,
                rb0, rb1, rb2, rb3, rb4, rb5, gsems, osems):
    rb = [rb0, rb1, rb2, rb3, rb4, rb5]
    wid = lax.axis_index("s") * NC + lax.axis_index("c")
    base = wid * CHUNK
    lane = lax.iota(jnp.int32, L)

    g = [None] * 8
    o = [None] * 9
    for f in range(NUM_CAT):
        pltpu.sync_copy(cat_idx_t.at[f, pl.ds(base, CHUNK)],
                        ci_cat.at[pl.ds(f * CHUNK, CHUNK)])
        g[f] = pltpu.async_copy(
            cat_tab.at[f].at[ci_cat.at[pl.ds(f * CHUNK, CHUNK)]], rb[f],
            gsems.at[f])
    for f in range(NUM_HASH):
        pltpu.sync_copy(hash_idx_t.at[f, pl.ds(base, CHUNK)],
                        ci_hash.at[pl.ds(f * CHUNK, CHUNK)])
        g[NUM_CAT + f] = pltpu.async_copy(
            hash_tab.at[f].at[ci_hash.at[pl.ds(f * CHUNK, CHUNK)]],
            rb[NUM_CAT + f], gsems.at[NUM_CAT + f])

    pltpu.sync_copy(sparams, prmb)
    for f in range(NUM_CONT_EMB):
        pltpu.sync_copy(cont_vals_t.at[f, pl.ds(base, CHUNK)],
                        valsb.at[pl.ds(f * CHUNK, CHUNK)])
        pltpu.sync_copy(bpad.at[f], bndb.at[pl.ds(f * BPAD, BPAD)])
    neg_big = jnp.full((L,), -jnp.inf, jnp.float32)
    pos_big = jnp.full((L,), jnp.inf, jnp.float32)
    for f in range(NUM_CONT_EMB):
        fb = f * BPAD
        b0 = prmb[f]
        ist = prmb[2 + f]

        def body(j, _, f=f, fb=fb, b0=b0, ist=ist):
            x = valsb[pl.ds(f * CHUNK + j * L, L)]
            est = (x - b0) * ist
            est = jnp.minimum(jnp.maximum(est, -2.0), float(CONT_BINS + 1))
            c = est.astype(jnp.int32) + 1
            c = jnp.minimum(jnp.maximum(c, 0), CONT_BINS)
            for _ in range(2):
                lo = plsc.load_gather(bndb, [fb + c])
                lo = jnp.where(c == 0, neg_big, lo)
                hi = plsc.load_gather(bndb, [fb + c + 1])
                hi = jnp.where(c == CONT_BINS, pos_big, hi)
                c = (c - (x < lo).astype(jnp.int32)
                     + (x >= hi).astype(jnp.int32))
            ci_cont[pl.ds(f * CHUNK + j * L, L)] = c
            return 0

        lax.fori_loop(0, CHUNK // L, body, 0)

    tail = [(cont_tab, ci_cont, 0), (cont_tab, ci_cont, 1)]
    for k in range(8):
        slot = k % NSLOT
        g[k].wait()
        o[k] = pltpu.async_copy(
            rb[slot],
            out.at[pl.ds(base, CHUNK), pl.ds(k * EMB, EMB)],
            osems.at[slot])
        if k + NSLOT < 8:
            o[k].wait()
            tab, cidx, f = tail[k]
            g[k + NSLOT] = pltpu.async_copy(
                tab.at[f].at[cidx.at[pl.ds(f * CHUNK, CHUNK)]],
                rb[slot], gsems.at[slot])
        if k == 3:
            pltpu.sync_copy(norm_flat.at[pl.ds(base * NUM_CONT_NORM,
                                               CHUNK * NUM_CONT_NORM)],
                            valsb.at[pl.ds(0, CHUNK * NUM_CONT_NORM)])
            mean_pat = prmb[4]
            std_pat = prmb[5]
            col_idx = lane & 1
            for i in range(CHUNK * NUM_CONT_NORM // L):
                x = valsb[pl.ds(i * L, L)]
                y = (x - mean_pat) / std_pat
                row_idx = (lane + i * L) >> 1
                plsc.store_scatter(normb, [row_idx, col_idx], y)
            o[8] = pltpu.async_copy(
                normb,
                out.at[pl.ds(base, CHUNK),
                       pl.ds((NUM_CAT + NUM_HASH + NUM_CONT_EMB) * EMB,
                             NUM_CONT_NORM)],
                osems.at[NSLOT])
    for k in range(4, 9):
        o[k].wait()


_tower = functools.partial(
    pl.kernel,
    mesh=plsc.VectorSubcoreMesh(core_axis_name="c", subcore_axis_name="s"),
    out_type=jax.ShapeDtypeStruct((BATCH, OUT_COLS), jnp.float32),
    scratch_types=[
        pltpu.VMEM((NUM_CAT * CHUNK,), jnp.int32),
        pltpu.VMEM((NUM_HASH * CHUNK,), jnp.int32),
        pltpu.VMEM((NUM_CONT_EMB * CHUNK,), jnp.int32),
        pltpu.VMEM((NUM_CONT_EMB * CHUNK,), jnp.float32),
        pltpu.VMEM((NUM_CONT_EMB * BPAD,), jnp.float32),
        pltpu.VMEM((6, L), jnp.float32),
        pltpu.VMEM((CHUNK, NUM_CONT_NORM), jnp.float32),
        pltpu.VMEM((CHUNK, EMB), jnp.float32),
        pltpu.VMEM((CHUNK, EMB), jnp.float32),
        pltpu.VMEM((CHUNK, EMB), jnp.float32),
        pltpu.VMEM((CHUNK, EMB), jnp.float32),
        pltpu.VMEM((CHUNK, EMB), jnp.float32),
        pltpu.VMEM((CHUNK, EMB), jnp.float32),
        pltpu.SemaphoreType.DMA((NSLOT,)),
        pltpu.SemaphoreType.DMA((NSLOT + 1,)),
    ],
    compiler_params=pltpu.CompilerParams(
        use_tc_tiling_on_sc=False, needs_layout_passes=False),
)(_tower_body)


def kernel(cat_idx, hash_idx, cont_embed_vals, cont_norm_vals, cat_tables,
           hash_tables, cont_tables, cont_boundaries, norm_mean, norm_std):
    cat_idx_t = cat_idx.astype(jnp.int32).T
    hash_idx_t = hash_idx.astype(jnp.int32).T
    cont_vals_t = cont_embed_vals.T
    norm_flat = cont_norm_vals.reshape(-1)

    neg = jnp.full((NUM_CONT_EMB, 1), -jnp.inf, jnp.float32)
    pos = jnp.full((NUM_CONT_EMB, BPAD - CONT_BINS - 1), jnp.inf, jnp.float32)
    bpad = jnp.concatenate([neg, cont_boundaries, pos], axis=1)

    b0 = cont_boundaries[:, 0]
    inv_step = (CONT_BINS - 1) / (cont_boundaries[:, -1] - b0)
    sparams = jnp.stack([
        jnp.full((L,), b0[0], jnp.float32),
        jnp.full((L,), b0[1], jnp.float32),
        jnp.full((L,), inv_step[0], jnp.float32),
        jnp.full((L,), inv_step[1], jnp.float32),
        jnp.tile(norm_mean.astype(jnp.float32), L // NUM_CONT_NORM),
        jnp.tile(norm_std.astype(jnp.float32), L // NUM_CONT_NORM),
    ])

    return _tower(cat_idx_t, hash_idx_t, cont_vals_t, norm_flat,
                  cat_tables, hash_tables, cont_tables, bpad, sparams)

# --- scband reference (transcript-rebuilt; emitter-appended) ---
"""Pipeline reference for scband-feature-extraction-tower-83777632075916 (READ-ONLY COPY).

The authoritative reference and input builder live on the scoring server;
editing this copy changes nothing except your own understanding.
"""

import jax, jax.numpy as jnp
import numpy as np

NUM_CAT = 3
CAT_VOCAB = 100000
NUM_HASH = 3
HASH_BINS = 100000
NUM_CONT_EMB = 2
CONT_BINS = 1000
NUM_CONT_NORM = 2
EMB = 32
BATCH = 16384


def setup_inputs(seed: int = 0) -> dict:
    key = jax.random.key(seed)
    ks = jax.random.split(key, 9)
    cat_idx = jax.random.randint(ks[0], (BATCH, NUM_CAT), 0, CAT_VOCAB)
    hash_idx = jax.random.randint(ks[1], (BATCH, NUM_HASH), 0, HASH_BINS)
    cont_embed_vals = jax.random.normal(ks[2], (BATCH, NUM_CONT_EMB), dtype=jnp.float32)
    cont_norm_vals = jax.random.normal(ks[3], (BATCH, NUM_CONT_NORM), dtype=jnp.float32)
    # learned params: one embedding table per categorical / hashed / discretized-continuous feature
    cat_tables = jax.random.normal(ks[4], (NUM_CAT, CAT_VOCAB, EMB), dtype=jnp.float32) * 0.05
    hash_tables = jax.random.normal(ks[5], (NUM_HASH, HASH_BINS, EMB), dtype=jnp.float32) * 0.05
    cont_tables = jax.random.normal(ks[6], (NUM_CONT_EMB, CONT_BINS + 1, EMB), dtype=jnp.float32) * 0.05
    # Discretization bin boundaries (np.linspace over adapted min/max in the original)
    cont_boundaries = jnp.broadcast_to(
        jnp.linspace(-3.0, 3.0, CONT_BINS, dtype=jnp.float32), (NUM_CONT_EMB, CONT_BINS)
    )
    # Normalization layer adapted mean/std
    norm_mean = jax.random.normal(ks[7], (NUM_CONT_NORM,), dtype=jnp.float32)
    norm_std = jnp.abs(jax.random.normal(ks[8], (NUM_CONT_NORM,), dtype=jnp.float32)) + 0.5
    return {
        "cat_idx": cat_idx,
        "hash_idx": hash_idx,
        "cont_embed_vals": cont_embed_vals,
        "cont_norm_vals": cont_norm_vals,
        "cat_tables": cat_tables,
        "hash_tables": hash_tables,
        "cont_tables": cont_tables,
        "cont_boundaries": cont_boundaries,
        "norm_mean": norm_mean,
        "norm_std": norm_std,
    }


def reference(cat_idx, hash_idx, cont_embed_vals, cont_norm_vals, cat_tables, hash_tables,
              cont_tables, cont_boundaries, norm_mean, norm_std):
    out = []
    # cats_to_embedding: StringLookup (ids precomputed) -> Embedding
    for i in range(cat_tables.shape[0]):
        out.append(jnp.take(cat_tables[i], cat_idx[:, i], axis=0))
    # cats_to_hash_embedding: Hashing (ids precomputed, < num_bins) -> Embedding
    for i in range(hash_tables.shape[0]):
        out.append(jnp.take(hash_tables[i], hash_idx[:, i], axis=0))
    # cont_to_embedding: Discretization -> Embedding
    for i in range(cont_tables.shape[0]):
        b = jnp.searchsorted(cont_boundaries[i], jax.lax.stop_gradient(cont_embed_vals[:, i]), side="right")
        out.append(jnp.take(cont_tables[i], b, axis=0))
    # cont_to_normalized: Normalization, reshaped to (-1, 1)
    for i in range(norm_mean.shape[0]):
        out.append(((cont_norm_vals[:, i] - norm_mean[i]) / norm_std[i]).reshape(-1, 1))
    return jnp.concatenate(out, axis=1)

if __name__ == "__main__":
    import jax
    _d = setup_inputs()
    print(jax.jit(kernel)(*tuple(_d.values())))

</pallas_src>

<mosaic_0001>
#map = affine_map<(d0, d1) -> (0, 0)>
#map1 = affine_map<(d0, d1) -> (0)>
#map2 = affine_map<(d0, d1) -> (0, 0, 0)>
module attributes {stable_mosaic.version = 14 : i64} {
  func.func @_tower_body(%arg0: i32, %arg1: i32, %arg2: memref<3x16384xi32, #tpu.memory_space<hbm>>, %arg3: memref<3x16384xi32, #tpu.memory_space<hbm>>, %arg4: memref<2x16384xf32, #tpu.memory_space<hbm>>, %arg5: memref<32768xf32, #tpu.memory_space<hbm>>, %arg6: memref<3x100000x32xf32, #tpu.memory_space<hbm>>, %arg7: memref<3x100000x32xf32, #tpu.memory_space<hbm>>, %arg8: memref<2x1001x32xf32, #tpu.memory_space<hbm>>, %arg9: memref<2x1024xf32, #tpu.memory_space<hbm>>, %arg10: memref<6x16xf32, #tpu.memory_space<hbm>>, %arg11: memref<16384x258xf32, #tpu.memory_space<hbm>>, %arg12: memref<1536xi32, #tpu.memory_space<vmem>>, %arg13: memref<1536xi32, #tpu.memory_space<vmem>>, %arg14: memref<1024xi32, #tpu.memory_space<vmem>>, %arg15: memref<1024xf32, #tpu.memory_space<vmem>>, %arg16: memref<2048xf32, #tpu.memory_space<vmem>>, %arg17: memref<6x16xf32, #tpu.memory_space<vmem>>, %arg18: memref<512x2xf32, #tpu.memory_space<vmem>>, %arg19: memref<512x32xf32, #tpu.memory_space<vmem>>, %arg20: memref<512x32xf32, #tpu.memory_space<vmem>>, %arg21: memref<512x32xf32, #tpu.memory_space<vmem>>, %arg22: memref<512x32xf32, #tpu.memory_space<vmem>>, %arg23: memref<512x32xf32, #tpu.memory_space<vmem>>, %arg24: memref<512x32xf32, #tpu.memory_space<vmem>>, %arg25: memref<6x!tpu.dma_semaphore, #tpu.memory_space<semaphore_mem>>, %arg26: memref<7x!tpu.dma_semaphore, #tpu.memory_space<semaphore_mem>>) attributes {dimension_semantics = [#tpu.dimension_semantics<core_parallel>, #tpu.dimension_semantics<subcore_parallel>], iteration_bounds = array<i64: 2, 16>, scalar_prefetch = 0 : i64, scratch_operands = 15 : i64, tpu.core_type = #tpu.core_type<sc_vector_subcore>, window_params = [{transform_indices = #map}, {transform_indices = #map}, {transform_indices = #map}, {transform_indices = #map1}, {transform_indices = #map2}, {transform_indices = #map2}, {transform_indices = #map2}, {transform_indices = #map}, {transform_indices = #map}, {transform_indices = #map}]} {
    %mul3A = arith.constant 2 : i32
    %mul3A_0 = arith.muli %arg1, %mul3A : i32
    %add3A = arith.addi %mul3A_0, %arg0 : i32
    %mul3A_1 = arith.constant 512 : i32
    %mul3A_2 = arith.muli %add3A, %mul3A_1 : i32
    %iota3A = tpu.iota {dimensions = array<i32: 0>} : vector<16xi32>
    %run_scoped3A = arith.constant 0 : i32
    "tpu.region"() ({
      %run_scoped3A_1010 = tpu.sem_alloc : memref<!tpu.dma_semaphore, #tpu.memory_space<semaphore_mem>>
      %dma_start3A_1011 = arith.constant 0 : i32
      %dma_start3A_1012 = tpu.memref_slice %arg12[%dma_start3A_1011] : memref<1536xi32, #tpu.memory_space<vmem>> -> memref<512xi32, #tpu.memory_space<vmem>>
      %dma_start3A_1013 = tpu.memref_slice %arg2[%run_scoped3A, %mul3A_2] : memref<3x16384xi32, #tpu.memory_space<hbm>> -> memref<1x512xi32, #tpu.memory_space<hbm>>
      %dma_start3A_1014 = tpu.memref_squeeze %dma_start3A_1013 : memref<1x512xi32, #tpu.memory_space<hbm>> -> memref<512xi32, #tpu.memory_space<hbm>>
      %dma_start3A_1015 = arith.constant 0 : i32
      %dma_start3A_1016 = tpu.memref_slice %arg12[%dma_start3A_1015] : memref<1536xi32, #tpu.memory_space<vmem>> -> memref<512xi32, #tpu.memory_space<vmem>>
      %dma_start3A_1017 = tpu.memref_slice %arg2[%run_scoped3A, %mul3A_2] : memref<3x16384xi32, #tpu.memory_space<hbm>> -> memref<1x512xi32, #tpu.memory_space<hbm>>
      %dma_start3A_1018 = tpu.memref_squeeze %dma_start3A_1017 : memref<1x512xi32, #tpu.memory_space<hbm>> -> memref<512xi32, #tpu.memory_space<hbm>>
      tpu.enqueue_dma source(%dma_start3A_1018 : memref<512xi32, #tpu.memory_space<hbm>>) target(%dma_start3A_1016 : memref<512xi32, #tpu.memory_space<vmem>>) target_semaphore(%run_scoped3A_1010 : memref<!tpu.dma_semaphore, #tpu.memory_space<semaphore_mem>>)
      %dma_wait3A_1019 = arith.constant 0 : i32
      %dma_wait3A_1020 = tpu.memref_slice %arg12[%dma_wait3A_1019] : memref<1536xi32, #tpu.memory_space<vmem>> -> memref<512xi32, #tpu.memory_space<vmem>>
      %dma_wait3A_1021 = tpu.memref_slice %arg2[%run_scoped3A, %mul3A_2] : memref<3x16384xi32, #tpu.memory_space<hbm>> -> memref<1x512xi32, #tpu.memory_space<hbm>>
      %dma_wait3A_1022 = tpu.memref_squeeze %dma_wait3A_1021 : memref<1x512xi32, #tpu.memory_space<hbm>> -> memref<512xi32, #tpu.memory_space<hbm>>
      %dma_wait3A_1023 = arith.constant 0 : i32
      %dma_wait3A_1024 = tpu.memref_slice %arg12[%dma_wait3A_1023] : memref<1536xi32, #tpu.memory_space<vmem>> -> memref<512xi32, #tpu.memory_space<vmem>>
      %dma_wait3A_1025 = tpu.memref_slice %arg2[%run_scoped3A, %mul3A_2] : memref<3x16384xi32, #tpu.memory_space<hbm>> -> memref<1x512xi32, #tpu.memory_space<hbm>>
      %dma_wait3A_1026 = tpu.memref_squeeze %dma_wait3A_1025 : memref<1x512xi32, #tpu.memory_space<hbm>> -> memref<512xi32, #tpu.memory_space<hbm>>
      tpu.wait_dma2 semaphore(%run_scoped3A_1010 : memref<!tpu.dma_semaphore, #tpu.memory_space<semaphore_mem>>) src(%dma_wait3A_1026 : memref<512xi32, #tpu.memory_space<hbm>>) dst(%dma_wait3A_1024 : memref<512xi32, #tpu.memory_space<vmem>>)
      tpu.yield
    }) : () -> ()
    %dma_start3A = arith.constant 0 : i32
    %dma_start3A_3 = arith.constant 0 : i32
    %dma_start3A_4 = arith.constant 0 : i32
    %dma_start3A_5 = tpu.memref_slice %arg12[%dma_start3A_4] : memref<1536xi32, #tpu.memory_space<vmem>> -> memref<512xi32, #tpu.memory_space<vmem>>
    %dma_start3A_6 = arith.constant 0 : i32
    %dma_start3A_7 = arith.constant 0 : i32
    %dma_start3A_8 = tpu.memref_slice %arg6[%dma_start3A, %dma_start3A_6, %dma_start3A_7] : memref<3x100000x32xf32, #tpu.memory_space<hbm>> -> memref<1x100000x32xf32, #tpu.memory_space<hbm>>
    %dma_start3A_9 = tpu.memref_squeeze %dma_start3A_8 : memref<1x100000x32xf32, #tpu.memory_space<hbm>> -> memref<100000x32xf32, #tpu.memory_space<hbm>>
    %dma_start3A_10 = arith.constant 0 : i32
    %dma_start3A_11 = arith.constant 0 : i32
    %dma_start3A_12 = tpu.memref_slice %dma_start3A_9[%dma_start3A_10, %dma_start3A_11] : memref<100000x32xf32, #tpu.memory_space<hbm>> -> memref<100000x32xf32, #tpu.memory_space<hbm>>
    %dma_start3A_13 = tpu.memref_slice %arg25[%dma_start3A_3] : memref<6x!tpu.dma_semaphore, #tpu.memory_space<semaphore_mem>> -> memref<1x!tpu.dma_semaphore, #tpu.memory_space<semaphore_mem>>
    %dma_start3A_14 = tpu.memref_squeeze %dma_start3A_13 : memref<1x!tpu.dma_semaphore, #tpu.memory_space<semaphore_mem>> -> memref<!tpu.dma_semaphore, #tpu.memory_space<semaphore_mem>>
    tpu.enqueue_indirect_dma source(%dma_start3A_12 : memref<100000x32xf32, #tpu.memory_space<hbm>>) target(%arg19 : memref<512x32xf32, #tpu.memory_space<vmem>>) offsets(%dma_start3A_5 : memref<512xi32, #tpu.memory_space<vmem>>) semaphore(%dma_start3A_14 : memref<!tpu.dma_semaphore, #tpu.memory_space<semaphore_mem>>)
    %run_scoped3A_15 = arith.constant 1 : i32
    "tpu.region"() ({
      %run_scoped3A_1010 = tpu.sem_alloc : memref<!tpu.dma_semaphore, #tpu.memory_space<semaphore_mem>>
      %dma_start3A_1011 = arith.constant 512 : i32
      %dma_start3A_1012 = tpu.memref_slice %arg12[%dma_start3A_1011] : memref<1536xi32, #tpu.memory_space<vmem>> -> memref<512xi32, #tpu.memory_space<vmem>>
      %dma_start3A_1013 = tpu.memref_slice %arg2[%run_scoped3A_15, %mul3A_2] : memref<3x16384xi32, #tpu.memory_space<hbm>> -> memref<1x512xi32, #tpu.memory_space<hbm>>
      %dma_start3A_1014 = tpu.memref_squeeze %dma_start3A_1013 : memref<1x512xi32, #tpu.memory_space<hbm>> -> memref<512xi32, #tpu.memory_space<hbm>>
      %dma_start3A_1015 = arith.constant 512 : i32
      %dma_start3A_1016 = tpu.memref_slice %arg12[%dma_start3A_1015] : memref<1536xi32, #tpu.memory_space<vmem>> -> memref<512xi32, #tpu.memory_space<vmem>>
      %dma_start3A_1017 = tpu.memref_slice %arg2[%run_scoped3A_15, %mul3A_2] : memref<3x16384xi32, #tpu.memory_space<hbm>> -> memref<1x512xi32, #tpu.memory_space<hbm>>
      %dma_start3A_1018 = tpu.memref_squeeze %dma_start3A_1017 : memref<1x512xi32, #tpu.memory_space<hbm>> -> memref<512xi32, #tpu.memory_space<hbm>>
      tpu.enqueue_dma source(%dma_start3A_1018 : memref<512xi32, #tpu.memory_space<hbm>>) target(%dma_start3A_1016 : memref<512xi32, #tpu.memory_space<vmem>>) target_semaphore(%run_scoped3A_1010 : memref<!tpu.dma_semaphore, #tpu.memory_space<semaphore_mem>>)
      %dma_wait3A_1019 = arith.constant 512 : i32
      %dma_wait3A_1020 = tpu.memref_slice %arg12[%dma_wait3A_1019] : memref<1536xi32, #tpu.memory_space<vmem>> -> memref<512xi32, #tpu.memory_space<vmem>>
      %dma_wait3A_1021 = tpu.memref_slice %arg2[%run_scoped3A_15, %mul3A_2] : memref<3x16384xi32, #tpu.memory_space<hbm>> -> memref<1x512xi32, #tpu.memory_space<hbm>>
      %dma_wait3A_1022 = tpu.memref_squeeze %dma_wait3A_1021 : memref<1x512xi32, #tpu.memory_space<hbm>> -> memref<512xi32, #tpu.memory_space<hbm>>
      %dma_wait3A_1023 = arith.constant 512 : i32
      %dma_wait3A_1024 = tpu.memref_slice %arg12[%dma_wait3A_1023] : memref<1536xi32, #tpu.memory_space<vmem>> -> memref<512xi32, #tpu.memory_space<vmem>>
      %dma_wait3A_1025 = tpu.memref_slice %arg2[%run_scoped3A_15, %mul3A_2] : memref<3x16384xi32, #tpu.memory_space<hbm>> -> memref<1x512xi32, #tpu.memory_space<hbm>>
      %dma_wait3A_1026 = tpu.memref_squeeze %dma_wait3A_1025 : memref<1x512xi32, #tpu.memory_space<hbm>> -> memref<512xi32, #tpu.memory_space<hbm>>
      tpu.wait_dma2 semaphore(%run_scoped3A_1010 : memref<!tpu.dma_semaphore, #tpu.memory_space<semaphore_mem>>) src(%dma_wait3A_1026 : memref<512xi32, #tpu.memory_space<hbm>>) dst(%dma_wait3A_1024 : memref<512xi32, #tpu.memory_space<vmem>>)
      tpu.yield
    }) : () -> ()
    %dma_start3A_16 = arith.constant 1 : i32
    %dma_start3A_17 = arith.constant 1 : i32
    %dma_start3A_18 = arith.constant 512 : i32
    %dma_start3A_19 = tpu.memref_slice %arg12[%dma_start3A_18] : memref<1536xi32, #tpu.memory_space<vmem>> -> memref<512xi32, #tpu.memory_space<vmem>>
    %dma_start3A_20 = arith.constant 0 : i32
    %dma_start3A_21 = arith.constant 0 : i32
    %dma_start3A_22 = tpu.memref_slice %arg6[%dma_start3A_16, %dma_start3A_20, %dma_start3A_21] : memref<3x100000x32xf32, #tpu.memory_space<hbm>> -> memref<1x100000x32xf32, #tpu.memory_space<hbm>>
    %dma_start3A_23 = tpu.memref_squeeze %dma_start3A_22 : memref<1x100000x32xf32, #tpu.memory_space<hbm>> -> memref<100000x32xf32, #tpu.memory_space<hbm>>
    %dma_start3A_24 = arith.constant 0 : i32
    %dma_start3A_25 = arith.constant 0 : i32
    %dma_start3A_26 = tpu.memref_slice %dma_start3A_23[%dma_start3A_24, %dma_start3A_25] : memref<100000x32xf32, #tpu.memory_space<hbm>> -> memref<100000x32xf32, #tpu.memory_space<hbm>>
    %dma_start3A_27 = tpu.memref_slice %arg25[%dma_start3A_17] : memref<6x!tpu.dma_semaphore, #tpu.memory_space<semaphore_mem>> -> memref<1x!tpu.dma_semaphore, #tpu.memory_space<semaphore_mem>>
    %dma_start3A_28 = tpu.memref_squeeze %dma_start3A_27 : memref<1x!tpu.dma_semaphore, #tpu.memory_space<semaphore_mem>> -> memref<!tpu.dma_semaphore, #tpu.memory_space<semaphore_mem>>
    tpu.enqueue_indirect_dma source(%dma_start3A_26 : memref<100000x32xf32, #tpu.memory_space<hbm>>) target(%arg20 : memref<512x32xf32, #tpu.memory_space<vmem>>) offsets(%dma_start3A_19 : memref<512xi32, #tpu.memory_space<vmem>>) semaphore(%dma_start3A_28 : memref<!tpu.dma_semaphore, #tpu.memory_space<semaphore_mem>>)
    %run_scoped3A_29 = arith.constant 2 : i32
    "tpu.region"() ({
      %run_scoped3A_1010 = tpu.sem_alloc : memref<!tpu.dma_semaphore, #tpu.memory_space<semaphore_mem>>
      %dma_start3A_1011 = arith.constant 1024 : i32
      %dma_start3A_1012 = tpu.memref_slice %arg12[%dma_start3A_1011] : memref<1536xi32, #tpu.memory_space<vmem>> -> memref<512xi32, #tpu.memory_space<vmem>>
      %dma_start3A_1013 = tpu.memref_slice %arg2[%run_scoped3A_29, %mul3A_2] : memref<3x16384xi32, #tpu.memory_space<hbm>> -> memref<1x512xi32, #tpu.memory_space<hbm>>
      %dma_start3A_1014 = tpu.memref_squeeze %dma_start3A_1013 : memref<1x512xi32, #tpu.memory_space<hbm>> -> memref<512xi32, #tpu.memory_space<hbm>>
      %dma_start3A_1015 = arith.constant 1024 : i32
      %dma_start3A_1016 = tpu.memref_slice %arg12[%dma_start3A_1015] : memref<1536xi32, #tpu.memory_space<vmem>> -> memref<512xi32, #tpu.memory_space<vmem>>
      %dma_start3A_1017 = tpu.memref_slice %arg2[%run_scoped3A_29, %mul3A_2] : memref<3x16384xi32, #tpu.memory_space<hbm>> -> memref<1x512xi32, #tpu.memory_space<hbm>>
      %dma_start3A_1018 = tpu.memref_squeeze %dma_start3A_1017 : memref<1x512xi32, #tpu.memory_space<hbm>> -> memref<512xi32, #tpu.memory_space<hbm>>
      tpu.enqueue_dma source(%dma_start3A_1018 : memref<512xi32, #tpu.memory_space<hbm>>) target(%dma_start3A_1016 : memref<512xi32, #tpu.memory_space<vmem>>) target_semaphore(%run_scoped3A_1010 : memref<!tpu.dma_semaphore, #tpu.memory_space<semaphore_mem>>)
      %dma_wait3A_1019 = arith.constant 1024 : i32
      %dma_wait3A_1020 = tpu.memref_slice %arg12[%dma_wait3A_1019] : memref<1536xi32, #tpu.memory_space<vmem>> -> memref<512xi32, #tpu.memory_space<vmem>>
      %dma_wait3A_1021 = tpu.memref_slice %arg2[%run_scoped3A_29, %mul3A_2] : memref<3x16384xi32, #tpu.memory_space<hbm>> -> memref<1x512xi32, #tpu.memory_space<hbm>>
      %dma_wait3A_1022 = tpu.memref_squeeze %dma_wait3A_1021 : memref<1x512xi32, #tpu.memory_space<hbm>> -> memref<512xi32, #tpu.memory_space<hbm>>
      %dma_wait3A_1023 = arith.constant 1024 : i32
      %dma_wait3A_1024 = tpu.memref_slice %arg12[%dma_wait3A_1023] : memref<1536xi32, #tpu.memory_space<vmem>> -> memref<512xi32, #tpu.memory_space<vmem>>
      %dma_wait3A_1025 = tpu.memref_slice %arg2[%run_scoped3A_29, %mul3A_2] : memref<3x16384xi32, #tpu.memory_space<hbm>> -> memref<1x512xi32, #tpu.memory_space<hbm>>
      %dma_wait3A_1026 = tpu.memref_squeeze %dma_wait3A_1025 : memref<1x512xi32, #tpu.memory_space<hbm>> -> memref<512xi32, #tpu.memory_space<hbm>>
      tpu.wait_dma2 semaphore(%run_scoped3A_1010 : memref<!tpu.dma_semaphore, #tpu.memory_space<semaphore_mem>>) src(%dma_wait3A_1026 : memref<512xi32, #tpu.memory_space<hbm>>) dst(%dma_wait3A_1024 : memref<512xi32, #tpu.memory_space<vmem>>)
      tpu.yield
    }) : () -> ()
    %dma_start3A_30 = arith.constant 2 : i32
    %dma_start3A_31 = arith.constant 2 : i32
    %dma_start3A_32 = arith.constant 1024 : i32
    %dma_start3A_33 = tpu.memref_slice %arg12[%dma_start3A_32] : memref<1536xi32, #tpu.memory_space<vmem>> -> memref<512xi32, #tpu.memory_space<vmem>>
    %dma_start3A_34 = arith.constant 0 : i32
    %dma_start3A_35 = arith.constant 0 : i32
    %dma_start3A_36 = tpu.memref_slice %arg6[%dma_start3A_30, %dma_start3A_34, %dma_start3A_35] : memref<3x100000x32xf32, #tpu.memory_space<hbm>> -> memref<1x100000x32xf32, #tpu.memory_space<hbm>>
    %dma_start3A_37 = tpu.memref_squeeze %dma_start3A_36 : memref<1x100000x32xf32, #tpu.memory_space<hbm>> -> memref<100000x32xf32, #tpu.memory_space<hbm>>
    %dma_start3A_38 = arith.constant 0 : i32
    %dma_start3A_39 = arith.constant 0 : i32
    %dma_start3A_40 = tpu.memref_slice %dma_start3A_37[%dma_start3A_38, %dma_start3A_39] : memref<100000x32xf32, #tpu.memory_space<hbm>> -> memref<100000x32xf32, #tpu.memory_space<hbm>>
    %dma_start3A_41 = tpu.memref_slice %arg25[%dma_start3A_31] : memref<6x!tpu.dma_semaphore, #tpu.memory_space<semaphore_mem>> -> memref<1x!tpu.dma_semaphore, #tpu.memory_space<semaphore_mem>>
    %dma_start3A_42 = tpu.memref_squeeze %dma_start3A_41 : memref<1x!tpu.dma_semaphore, #tpu.memory_space<semaphore_mem>> -> memref<!tpu.dma_semaphore, #tpu.memory_space<semaphore_mem>>
    tpu.enqueue_indirect_dma source(%dma_start3A_40 : memref<100000x32xf32, #tpu.memory_space<hbm>>) target(%arg21 : memref<512x32xf32, #tpu.memory_space<vmem>>) offsets(%dma_start3A_33 : memref<512xi32, #tpu.memory_space<vmem>>) semaphore(%dma_start3A_42 : memref<!tpu.dma_semaphore, #tpu.memory_space<semaphore_mem>>)
    %run_scoped3A_43 = arith.constant 0 : i32
    "tpu.region"() ({
      %run_scoped3A_1010 = tpu.sem_alloc : memref<!tpu.dma_semaphore, #tpu.memory_space<semaphore_mem>>
      %dma_start3A_1011 = arith.constant 0 : i32
      %dma_start3A_1012 = tpu.memref_slice %arg13[%dma_start3A_1011] : memref<1536xi32, #tpu.memory_space<vmem>> -> memref<512xi32, #tpu.memory_space<vmem>>
      %dma_start3A_1013 = tpu.memref_slice %arg3[%run_scoped3A_43, %mul3A_2] : memref<3x16384xi32, #tpu.memory_space<hbm>> -> memref<1x512xi32, #tpu.memory_space<hbm>>
      %dma_start3A_1014 = tpu.memref_squeeze %dma_start3A_1013 : memref<1x512xi32, #tpu.memory_space<hbm>> -> memref<512xi32, #tpu.memory_space<hbm>>
      %dma_start3A_1015 = arith.constant 0 : i32
      %dma_start3A_1016 = tpu.memref_slice %arg13[%dma_start3A_1015] : memref<1536xi32, #tpu.memory_space<vmem>> -> memref<512xi32, #tpu.memory_space<vmem>>
      %dma_start3A_1017 = tpu.memref_slice %arg3[%run_scoped3A_43, %mul3A_2] : memref<3x16384xi32, #tpu.memory_space<hbm>> -> memref<1x512xi32, #tpu.memory_space<hbm>>
      %dma_start3A_1018 = tpu.memref_squeeze %dma_start3A_1017 : memref<1x512xi32, #tpu.memory_space<hbm>> -> memref<512xi32, #tpu.memory_space<hbm>>
      tpu.enqueue_dma source(%dma_start3A_1018 : memref<512xi32, #tpu.memory_space<hbm>>) target(%dma_start3A_1016 : memref<512xi32, #tpu.memory_space<vmem>>) target_semaphore(%run_scoped3A_1010 : memref<!tpu.dma_semaphore, #tpu.memory_space<semaphore_mem>>)
      %dma_wait3A_1019 = arith.constant 0 : i32
      %dma_wait3A_1020 = tpu.memref_slice %arg13[%dma_wait3A_1019] : memref<1536xi32, #tpu.memory_space<vmem>> -> memref<512xi32, #tpu.memory_space<vmem>>
      %dma_wait3A_1021 = tpu.memref_slice %arg3[%run_scoped3A_43, %mul3A_2] : memref<3x16384xi32, #tpu.memory_space<hbm>> -> memref<1x512xi32, #tpu.memory_space<hbm>>
      %dma_wait3A_1022 = tpu.memref_squeeze %dma_wait3A_1021 : memref<1x512xi32, #tpu.memory_space<hbm>> -> memref<512xi32, #tpu.memory_space<hbm>>
      %dma_wait3A_1023 = arith.constant 0 : i32
      %dma_wait3A_1024 = tpu.memref_slice %arg13[%dma_wait3A_1023] : memref<1536xi32, #tpu.memory_space<vmem>> -> memref<512xi32, #tpu.memory_space<vmem>>
      %dma_wait3A_1025 = tpu.memref_slice %arg3[%run_scoped3A_43, %mul3A_2] : memref<3x16384xi32, #tpu.memory_space<hbm>> -> memref<1x512xi32, #tpu.memory_space<hbm>>
      %dma_wait3A_1026 = tpu.memref_squeeze %dma_wait3A_1025 : memref<1x512xi32, #tpu.memory_space<hbm>> -> memref<512xi32, #tpu.memory_space<hbm>>
      tpu.wait_dma2 semaphore(%run_scoped3A_1010 : memref<!tpu.dma_semaphore, #tpu.memory_space<semaphore_mem>>) src(%dma_wait3A_1026 : memref<512xi32, #tpu.memory_space<hbm>>) dst(%dma_wait3A_1024 : memref<512xi32, #tpu.memory_space<vmem>>)
      tpu.yield
    }) : () -> ()
    %dma_start3A_44 = arith.constant 0 : i32
    %dma_start3A_45 = arith.constant 3 : i32
    %dma_start3A_46 = arith.constant 0 : i32
    %dma_start3A_47 = tpu.memref_slice %arg13[%dma_start3A_46] : memref<1536xi32, #tpu.memory_space<vmem>> -> memref<512xi32, #tpu.memory_space<vmem>>
    %dma_start3A_48 = arith.constant 0 : i32
    %dma_start3A_49 = arith.constant 0 : i32
    %dma_start3A_50 = tpu.memref_slice %arg7[%dma_start3A_44, %dma_start3A_48, %dma_start3A_49] : memref<3x100000x32xf32, #tpu.memory_space<hbm>> -> memref<1x100000x32xf32, #tpu.memory_space<hbm>>
    %dma_start3A_51 = tpu.memref_squeeze %dma_start3A_50 : memref<1x100000x32xf32, #tpu.memory_space<hbm>> -> memref<100000x32xf32, #tpu.memory_space<hbm>>
    %dma_start3A_52 = arith.constant 0 : i32
    %dma_start3A_53 = arith.constant 0 : i32
    %dma_start3A_54 = tpu.memref_slice %dma_start3A_51[%dma_start3A_52, %dma_start3A_53] : memref<100000x32xf32, #tpu.memory_space<hbm>> -> memref<100000x32xf32, #tpu.memory_space<hbm>>
    %dma_start3A_55 = tpu.memref_slice %arg25[%dma_start3A_45] : memref<6x!tpu.dma_semaphore, #tpu.memory_space<semaphore_mem>> -> memref<1x!tpu.dma_semaphore, #tpu.memory_space<semaphore_mem>>
    %dma_start3A_56 = tpu.memref_squeeze %dma_start3A_55 : memref<1x!tpu.dma_semaphore, #tpu.memory_space<semaphore_mem>> -> memref<!tpu.dma_semaphore, #tpu.memory_space<semaphore_mem>>
    tpu.enqueue_indirect_dma source(%dma_start3A_54 : memref<100000x32xf32, #tpu.memory_space<hbm>>) target(%arg22 : memref<512x32xf32, #tpu.memory_space<vmem>>) offsets(%dma_start3A_47 : memref<512xi32, #tpu.memory_space<vmem>>) semaphore(%dma_start3A_56 : memref<!tpu.dma_semaphore, #tpu.memory_space<semaphore_mem>>)
    %run_scoped3A_57 = arith.constant 1 : i32
    "tpu.region"() ({
      %run_scoped3A_1010 = tpu.sem_alloc : memref<!tpu.dma_semaphore, #tpu.memory_space<semaphore_mem>>
      %dma_start3A_1011 = arith.constant 512 : i32
      %dma_start3A_1012 = tpu.memref_slice %arg13[%dma_start3A_1011] : memref<1536xi32, #tpu.memory_space<vmem>> -> memref<512xi32, #tpu.memory_space<vmem>>
      %dma_start3A_1013 = tpu.memref_slice %arg3[%run_scoped3A_57, %mul3A_2] : memref<3x16384xi32, #tpu.memory_space<hbm>> -> memref<1x512xi32, #tpu.memory_space<hbm>>
      %dma_start3A_1014 = tpu.memref_squeeze %dma_start3A_1013 : memref<1x512xi32, #tpu.memory_space<hbm>> -> memref<512xi32, #tpu.memory_space<hbm>>
      %dma_start3A_1015 = arith.constant 512 : i32
      %dma_start3A_1016 = tpu.memref_slice %arg13[%dma_start3A_1015] : memref<1536xi32, #tpu.memory_space<vmem>> -> memref<512xi32, #tpu.memory_space<vmem>>
      %dma_start3A_1017 = tpu.memref_slice %arg3[%run_scoped3A_57, %mul3A_2] : memref<3x16384xi32, #tpu.memory_space<hbm>> -> memref<1x512xi32, #tpu.memory_space<hbm>>
      %dma_start3A_1018 = tpu.memref_squeeze %dma_start3A_1017 : memref<1x512xi32, #tpu.memory_space<hbm>> -> memref<512xi32, #tpu.memory_space<hbm>>
      tpu.enqueue_dma source(%dma_start3A_1018 : memref<512xi32, #tpu.memory_space<hbm>>) target(%dma_start3A_1016 : memref<512xi32, #tpu.memory_space<vmem>>) target_semaphore(%run_scoped3A_1010 : memref<!tpu.dma_semaphore, #tpu.memory_space<semaphore_mem>>)
      %dma_wait3A_1019 = arith.constant 512 : i32
      %dma_wait3A_1020 = tpu.memref_slice %arg13[%dma_wait3A_1019] : memref<1536xi32, #tpu.memory_space<vmem>> -> memref<512xi32, #tpu.memory_space<vmem>>
      %dma_wait3A_1021 = tpu.memref_slice %arg3[%run_scoped3A_57, %mul3A_2] : memref<3x16384xi32, #tpu.memory_space<hbm>> -> memref<1x512xi32, #tpu.memory_space<hbm>>
      %dma_wait3A_1022 = tpu.memref_squeeze %dma_wait3A_1021 : memref<1x512xi32, #tpu.memory_space<hbm>> -> memref<512xi32, #tpu.memory_space<hbm>>
      %dma_wait3A_1023 = arith.constant 512 : i32
      %dma_wait3A_1024 = tpu.memref_slice %arg13[%dma_wait3A_1023] : memref<1536xi32, #tpu.memory_space<vmem>> -> memref<512xi32, #tpu.memory_space<vmem>>
      %dma_wait3A_1025 = tpu.memref_slice %arg3[%run_scoped3A_57, %mul3A_2] : memref<3x16384xi32, #tpu.memory_space<hbm>> -> memref<1x512xi32, #tpu.memory_space<hbm>>
      %dma_wait3A_1026 = tpu.memref_squeeze %dma_wait3A_1025 : memref<1x512xi32, #tpu.memory_space<hbm>> -> memref<512xi32, #tpu.memory_space<hbm>>
      tpu.wait_dma2 semaphore(%run_scoped3A_1010 : memref<!tpu.dma_semaphore, #tpu.memory_space<semaphore_mem>>) src(%dma_wait3A_1026 : memref<512xi32, #tpu.memory_space<hbm>>) dst(%dma_wait3A_1024 : memref<512xi32, #tpu.memory_space<vmem>>)
      tpu.yield
    }) : () -> ()
    %dma_start3A_58 = arith.constant 1 : i32
    %dma_start3A_59 = arith.constant 4 : i32
    %dma_start3A_60 = arith.constant 512 : i32
    %dma_start3A_61 = tpu.memref_slice %arg13[%dma_start3A_60] : memref<1536xi32, #tpu.memory_space<vmem>> -> memref<512xi32, #tpu.memory_space<vmem>>
    %dma_start3A_62 = arith.constant 0 : i32
    %dma_start3A_63 = arith.constant 0 : i32
    %dma_start3A_64 = tpu.memref_slice %arg7[%dma_start3A_58, %dma_start3A_62, %dma_start3A_63] : memref<3x100000x32xf32, #tpu.memory_space<hbm>> -> memref<1x100000x32xf32, #tpu.memory_space<hbm>>
    %dma_start3A_65 = tpu.memref_squeeze %dma_start3A_64 : memref<1x100000x32xf32, #tpu.memory_space<hbm>> -> memref<100000x32xf32, #tpu.memory_space<hbm>>
    %dma_start3A_66 = arith.constant 0 : i32
    %dma_start3A_67 = arith.constant 0 : i32
    %dma_start3A_68 = tpu.memref_slice %dma_start3A_65[%dma_start3A_66, %dma_start3A_67] : memref<100000x32xf32, #tpu.memory_space<hbm>> -> memref<100000x32xf32, #tpu.memory_space<hbm>>
    %dma_start3A_69 = tpu.memref_slice %arg25[%dma_start3A_59] : memref<6x!tpu.dma_semaphore, #tpu.memory_space<semaphore_mem>> -> memref<1x!tpu.dma_semaphore, #tpu.memory_space<semaphore_mem>>
    %dma_start3A_70 = tpu.memref_squeeze %dma_start3A_69 : memref<1x!tpu.dma_semaphore, #tpu.memory_space<semaphore_mem>> -> memref<!tpu.dma_semaphore, #tpu.memory_space<semaphore_mem>>
    tpu.enqueue_indirect_dma source(%dma_start3A_68 : memref<100000x32xf32, #tpu.memory_space<hbm>>) target(%arg23 : memref<512x32xf32, #tpu.memory_space<vmem>>) offsets(%dma_start3A_61 : memref<512xi32, #tpu.memory_space<vmem>>) semaphore(%dma_start3A_70 : memref<!tpu.dma_semaphore, #tpu.memory_space<semaphore_mem>>)
    %run_scoped3A_71 = arith.constant 2 : i32
    "tpu.region"() ({
      %run_scoped3A_1010 = tpu.sem_alloc : memref<!tpu.dma_semaphore, #tpu.memory_space<semaphore_mem>>
      %dma_start3A_1011 = arith.constant 1024 : i32
      %dma_start3A_1012 = tpu.memref_slice %arg13[%dma_start3A_1011] : memref<1536xi32, #tpu.memory_space<vmem>> -> memref<512xi32, #tpu.memory_space<vmem>>
      %dma_start3A_1013 = tpu.memref_slice %arg3[%run_scoped3A_71, %mul3A_2] : memref<3x16384xi32, #tpu.memory_space<hbm>> -> memref<1x512xi32, #tpu.memory_space<hbm>>
      %dma_start3A_1014 = tpu.memref_squeeze %dma_start3A_1013 : memref<1x512xi32, #tpu.memory_space<hbm>> -> memref<512xi32, #tpu.memory_space<hbm>>
      %dma_start3A_1015 = arith.constant 1024 : i32
      %dma_start3A_1016 = tpu.memref_slice %arg13[%dma_start3A_1015] : memref<1536xi32, #tpu.memory_space<vmem>> -> memref<512xi32, #tpu.memory_space<vmem>>
      %dma_start3A_1017 = tpu.memref_slice %arg3[%run_scoped3A_71, %mul3A_2] : memref<3x16384xi32, #tpu.memory_space<hbm>> -> memref<1x512xi32, #tpu.memory_space<hbm>>
      %dma_start3A_1018 = tpu.memref_squeeze %dma_start3A_1017 : memref<1x512xi32, #tpu.memory_space<hbm>> -> memref<512xi32, #tpu.memory_space<hbm>>
      tpu.enqueue_dma source(%dma_start3A_1018 : memref<512xi32, #tpu.memory_space<hbm>>) target(%dma_start3A_1016 : memref<512xi32, #tpu.memory_space<vmem>>) target_semaphore(%run_scoped3A_1010 : memref<!tpu.dma_semaphore, #tpu.memory_space<semaphore_mem>>)
      %dma_wait3A_1019 = arith.constant 1024 : i32
      %dma_wait3A_1020 = tpu.memref_slice %arg13[%dma_wait3A_1019] : memref<1536xi32, #tpu.memory_space<vmem>> -> memref<512xi32, #tpu.memory_space<vmem>>
      %dma_wait3A_1021 = tpu.memref_slice %arg3[%run_scoped3A_71, %mul3A_2] : memref<3x16384xi32, #tpu.memory_space<hbm>> -> memref<1x512xi32, #tpu.memory_space<hbm>>
      %dma_wait3A_1022 = tpu.memref_squeeze %dma_wait3A_1021 : memref<1x512xi32, #tpu.memory_space<hbm>> -> memref<512xi32, #tpu.memory_space<hbm>>
      %dma_wait3A_1023 = arith.constant 1024 : i32
      %dma_wait3A_1024 = tpu.memref_slice %arg13[%dma_wait3A_1023] : memref<1536xi32, #tpu.memory_space<vmem>> -> memref<512xi32, #tpu.memory_space<vmem>>
      %dma_wait3A_1025 = tpu.memref_slice %arg3[%run_scoped3A_71, %mul3A_2] : memref<3x16384xi32, #tpu.memory_space<hbm>> -> memref<1x512xi32, #tpu.memory_space<hbm>>
      %dma_wait3A_1026 = tpu.memref_squeeze %dma_wait3A_1025 : memref<1x512xi32, #tpu.memory_space<hbm>> -> memref<512xi32, #tpu.memory_space<hbm>>
      tpu.wait_dma2 semaphore(%run_scoped3A_1010 : memref<!tpu.dma_semaphore, #tpu.memory_space<semaphore_mem>>) src(%dma_wait3A_1026 : memref<512xi32, #tpu.memory_space<hbm>>) dst(%dma_wait3A_1024 : memref<512xi32, #tpu.memory_space<vmem>>)
      tpu.yield
    }) : () -> ()
    %dma_start3A_72 = arith.constant 2 : i32
    %dma_start3A_73 = arith.constant 5 : i32
    %dma_start3A_74 = arith.constant 1024 : i32
    %dma_start3A_75 = tpu.memref_slice %arg13[%dma_start3A_74] : memref<1536xi32, #tpu.memory_space<vmem>> -> memref<512xi32, #tpu.memory_space<vmem>>
    %dma_start3A_76 = arith.constant 0 : i32
    %dma_start3A_77 = arith.constant 0 : i32
    %dma_start3A_78 = tpu.memref_slice %arg7[%dma_start3A_72, %dma_start3A_76, %dma_start3A_77] : memref<3x100000x32xf32, #tpu.memory_space<hbm>> -> memref<1x100000x32xf32, #tpu.memory_space<hbm>>
    %dma_start3A_79 = tpu.memref_squeeze %dma_start3A_78 : memref<1x100000x32xf32, #tpu.memory_space<hbm>> -> memref<100000x32xf32, #tpu.memory_space<hbm>>
    %dma_start3A_80 = arith.constant 0 : i32
    %dma_start3A_81 = arith.constant 0 : i32
    %dma_start3A_82 = tpu.memref_slice %dma_start3A_79[%dma_start3A_80, %dma_start3A_81] : memref<100000x32xf32, #tpu.memory_space<hbm>> -> memref<100000x32xf32, #tpu.memory_space<hbm>>
    %dma_start3A_83 = tpu.memref_slice %arg25[%dma_start3A_73] : memref<6x!tpu.dma_semaphore, #tpu.memory_space<semaphore_mem>> -> memref<1x!tpu.dma_semaphore, #tpu.memory_space<semaphore_mem>>
    %dma_start3A_84 = tpu.memref_squeeze %dma_start3A_83 : memref<1x!tpu.dma_semaphore, #tpu.memory_space<semaphore_mem>> -> memref<!tpu.dma_semaphore, #tpu.memory_space<semaphore_mem>>
    tpu.enqueue_indirect_dma source(%dma_start3A_82 : memref<100000x32xf32, #tpu.memory_space<hbm>>) target(%arg24 : memref<512x32xf32, #tpu.memory_space<vmem>>) offsets(%dma_start3A_75 : memref<512xi32, #tpu.memory_space<vmem>>) semaphore(%dma_start3A_84 : memref<!tpu.dma_semaphore, #tpu.memory_space<semaphore_mem>>)
    "tpu.region"() ({
      %run_scoped3A_1010 = tpu.sem_alloc : memref<!tpu.dma_semaphore, #tpu.memory_space<semaphore_mem>>
      tpu.enqueue_dma source(%arg10 : memref<6x16xf32, #tpu.memory_space<hbm>>) target(%arg17 : memref<6x16xf32, #tpu.memory_space<vmem>>) target_semaphore(%run_scoped3A_1010 : memref<!tpu.dma_semaphore, #tpu.memory_space<semaphore_mem>>)
      tpu.wait_dma2 semaphore(%run_scoped3A_1010 : memref<!tpu.dma_semaphore, #tpu.memory_space<semaphore_mem>>) src(%arg10 : memref<6x16xf32, #tpu.memory_space<hbm>>) dst(%arg17 : memref<6x16xf32, #tpu.memory_space<vmem>>)
      tpu.yield
    }) : () -> ()
    %run_scoped3A_85 = arith.constant 0 : i32
    "tpu.region"() ({
      %run_scoped3A_1010 = tpu.sem_alloc : memref<!tpu.dma_semaphore, #tpu.memory_space<semaphore_mem>>
      %dma_start3A_1011 = arith.constant 0 : i32
      %dma_start3A_1012 = tpu.memref_slice %arg15[%dma_start3A_1011] : memref<1024xf32, #tpu.memory_space<vmem>> -> memref<512xf32, #tpu.memory_space<vmem>>
      %dma_start3A_1013 = tpu.memref_slice %arg4[%run_scoped3A_85, %mul3A_2] : memref<2x16384xf32, #tpu.memory_space<hbm>> -> memref<1x512xf32, #tpu.memory_space<hbm>>
      %dma_start3A_1014 = tpu.memref_squeeze %dma_start3A_1013 : memref<1x512xf32, #tpu.memory_space<hbm>> -> memref<512xf32, #tpu.memory_space<hbm>>
      %dma_start3A_1015 = arith.constant 0 : i32
      %dma_start3A_1016 = tpu.memref_slice %arg15[%dma_start3A_1015] : memref<1024xf32, #tpu.memory_space<vmem>> -> memref<512xf32, #tpu.memory_space<vmem>>
      %dma_start3A_1017 = tpu.memref_slice %arg4[%run_scoped3A_85, %mul3A_2] : memref<2x16384xf32, #tpu.memory_space<hbm>> -> memref<1x512xf32, #tpu.memory_space<hbm>>
      %dma_start3A_1018 = tpu.memref_squeeze %dma_start3A_1017 : memref<1x512xf32, #tpu.memory_space<hbm>> -> memref<512xf32, #tpu.memory_space<hbm>>
      tpu.enqueue_dma source(%dma_start3A_1018 : memref<512xf32, #tpu.memory_space<hbm>>) target(%dma_start3A_1016 : memref<512xf32, #tpu.memory_space<vmem>>) target_semaphore(%run_scoped3A_1010 : memref<!tpu.dma_semaphore, #tpu.memory_space<semaphore_mem>>)
      %dma_wait3A_1019 = arith.constant 0 : i32
      %dma_wait3A_1020 = tpu.memref_slice %arg15[%dma_wait3A_1019] : memref<1024xf32, #tpu.memory_space<vmem>> -> memref<512xf32, #tpu.memory_space<vmem>>
      %dma_wait3A_1021 = tpu.memref_slice %arg4[%run_scoped3A_85, %mul3A_2] : memref<2x16384xf32, #tpu.memory_space<hbm>> -> memref<1x512xf32, #tpu.memory_space<hbm>>
      %dma_wait3A_1022 = tpu.memref_squeeze %dma_wait3A_1021 : memref<1x512xf32, #tpu.memory_space<hbm>> -> memref<512xf32, #tpu.memory_space<hbm>>
      %dma_wait3A_1023 = arith.constant 0 : i32
      %dma_wait3A_1024 = tpu.memref_slice %arg15[%dma_wait3A_1023] : memref<1024xf32, #tpu.memory_space<vmem>> -> memref<512xf32, #tpu.memory_space<vmem>>
      %dma_wait3A_1025 = tpu.memref_slice %arg4[%run_scoped3A_85, %mul3A_2] : memref<2x16384xf32, #tpu.memory_space<hbm>> -> memref<1x512xf32, #tpu.memory_space<hbm>>
      %dma_wait3A_1026 = tpu.memref_squeeze %dma_wait3A_1025 : memref<1x512xf32, #tpu.memory_space<hbm>> -> memref<512xf32, #tpu.memory_space<hbm>>
      tpu.wait_dma2 semaphore(%run_scoped3A_1010 : memref<!tpu.dma_semaphore, #tpu.memory_space<semaphore_mem>>) src(%dma_wait3A_1026 : memref<512xf32, #tpu.memory_space<hbm>>) dst(%dma_wait3A_1024 : memref<512xf32, #tpu.memory_space<vmem>>)
      tpu.yield
    }) : () -> ()
    %run_scoped3A_86 = arith.constant 0 : i32
    "tpu.region"() ({
      %run_scoped3A_1010 = tpu.sem_alloc : memref<!tpu.dma_semaphore, #tpu.memory_space<semaphore_mem>>
      %dma_start3A_1011 = arith.constant 0 : i32
      %dma_start3A_1012 = tpu.memref_slice %arg16[%dma_start3A_1011] : memref<2048xf32, #tpu.memory_space<vmem>> -> memref<1024xf32, #tpu.memory_space<vmem>>
      %dma_start3A_1013 = arith.constant 0 : i32
      %dma_start3A_1014 = tpu.memref_slice %arg9[%run_scoped3A_86, %dma_start3A_1013] : memref<2x1024xf32, #tpu.memory_space<hbm>> -> memref<1x1024xf32, #tpu.memory_space<hbm>>
      %dma_start3A_1015 = tpu.memref_squeeze %dma_start3A_1014 : memref<1x1024xf32, #tpu.memory_space<hbm>> -> memref<1024xf32, #tpu.memory_space<hbm>>
      %dma_start3A_1016 = arith.constant 0 : i32
      %dma_start3A_1017 = tpu.memref_slice %arg16[%dma_start3A_1016] : memref<2048xf32, #tpu.memory_space<vmem>> -> memref<1024xf32, #tpu.memory_space<vmem>>
      %dma_start3A_1018 = arith.constant 0 : i32
      %dma_start3A_1019 = tpu.memref_slice %arg9[%run_scoped3A_86, %dma_start3A_1018] : memref<2x1024xf32, #tpu.memory_space<hbm>> -> memref<1x1024xf32, #tpu.memory_space<hbm>>
      %dma_start3A_1020 = tpu.memref_squeeze %dma_start3A_1019 : memref<1x1024xf32, #tpu.memory_space<hbm>> -> memref<1024xf32, #tpu.memory_space<hbm>>
      tpu.enqueue_dma source(%dma_start3A_1020 : memref<1024xf32, #tpu.memory_space<hbm>>) target(%dma_start3A_1017 : memref<1024xf32, #tpu.memory_space<vmem>>) target_semaphore(%run_scoped3A_1010 : memref<!tpu.dma_semaphore, #tpu.memory_space<semaphore_mem>>)
      %dma_wait3A_1021 = arith.constant 0 : i32
      %dma_wait3A_1022 = tpu.memref_slice %arg16[%dma_wait3A_1021] : memref<2048xf32, #tpu.memory_space<vmem>> -> memref<1024xf32, #tpu.memory_space<vmem>>
      %dma_wait3A_1023 = arith.constant 0 : i32
      %dma_wait3A_1024 = tpu.memref_slice %arg9[%run_scoped3A_86, %dma_wait3A_1023] : memref<2x1024xf32, #tpu.memory_space<hbm>> -> memref<1x1024xf32, #tpu.memory_space<hbm>>
      %dma_wait3A_1025 = tpu.memref_squeeze %dma_wait3A_1024 : memref<1x1024xf32, #tpu.memory_space<hbm>> -> memref<1024xf32, #tpu.memory_space<hbm>>
      %dma_wait3A_1026 = arith.constant 0 : i32
      %dma_wait3A_1027 = tpu.memref_slice %arg16[%dma_wait3A_1026] : memref<2048xf32, #tpu.memory_space<vmem>> -> memref<1024xf32, #tpu.memory_space<vmem>>
      %dma_wait3A_1028 = arith.constant 0 : i32
      %dma_wait3A_1029 = tpu.memref_slice %arg9[%run_scoped3A_86, %dma_wait3A_1028] : memref<2x1024xf32, #tpu.memory_space<hbm>> -> memref<1x1024xf32, #tpu.memory_space<hbm>>
      %dma_wait3A_1030 = tpu.memref_squeeze %dma_wait3A_1029 : memref<1x1024xf32, #tpu.memory_space<hbm>> -> memref<1024xf32, #tpu.memory_space<hbm>>
      tpu.wait_dma2 semaphore(%run_scoped3A_1010 : memref<!tpu.dma_semaphore, #tpu.memory_space<semaphore_mem>>) src(%dma_wait3A_1030 : memref<1024xf32, #tpu.memory_space<hbm>>) dst(%dma_wait3A_1027 : memref<1024xf32, #tpu.memory_space<vmem>>)
      tpu.yield
    }) : () -> ()
    %run_scoped3A_87 = arith.constant 1 : i32
    "tpu.region"() ({
      %run_scoped3A_1010 = tpu.sem_alloc : memref<!tpu.dma_semaphore, #tpu.memory_space<semaphore_mem>>
      %dma_start3A_1011 = arith.constant 512 : i32
      %dma_start3A_1012 = tpu.memref_slice %arg15[%dma_start3A_1011] : memref<1024xf32, #tpu.memory_space<vmem>> -> memref<512xf32, #tpu.memory_space<vmem>>
      %dma_start3A_1013 = tpu.memref_slice %arg4[%run_scoped3A_87, %mul3A_2] : memref<2x16384xf32, #tpu.memory_space<hbm>> -> memref<1x512xf32, #tpu.memory_space<hbm>>
      %dma_start3A_1014 = tpu.memref_squeeze %dma_start3A_1013 : memref<1x512xf32, #tpu.memory_space<hbm>> -> memref<512xf32, #tpu.memory_space<hbm>>
      %dma_start3A_1015 = arith.constant 512 : i32
      %dma_start3A_1016 = tpu.memref_slice %arg15[%dma_start3A_1015] : memref<1024xf32, #tpu.memory_space<vmem>> -> memref<512xf32, #tpu.memory_space<vmem>>
      %dma_start3A_1017 = tpu.memref_slice %arg4[%run_scoped3A_87, %mul3A_2] : memref<2x16384xf32, #tpu.memory_space<hbm>> -> memref<1x512xf32, #tpu.memory_space<hbm>>
      %dma_start3A_1018 = tpu.memref_squeeze %dma_start3A_1017 : memref<1x512xf32, #tpu.memory_space<hbm>> -> memref<512xf32, #tpu.memory_space<hbm>>
      tpu.enqueue_dma source(%dma_start3A_1018 : memref<512xf32, #tpu.memory_space<hbm>>) target(%dma_start3A_1016 : memref<512xf32, #tpu.memory_space<vmem>>) target_semaphore(%run_scoped3A_1010 : memref<!tpu.dma_semaphore, #tpu.memory_space<semaphore_mem>>)
      %dma_wait3A_1019 = arith.constant 512 : i32
      %dma_wait3A_1020 = tpu.memref_slice %arg15[%dma_wait3A_1019] : memref<1024xf32, #tpu.memory_space<vmem>> -> memref<512xf32, #tpu.memory_space<vmem>>
      %dma_wait3A_1021 = tpu.memref_slice %arg4[%run_scoped3A_87, %mul3A_2] : memref<2x16384xf32, #tpu.memory_space<hbm>> -> memref<1x512xf32, #tpu.memory_space<hbm>>
      %dma_wait3A_1022 = tpu.memref_squeeze %dma_wait3A_1021 : memref<1x512xf32, #tpu.memory_space<hbm>> -> memref<512xf32, #tpu.memory_space<hbm>>
      %dma_wait3A_1023 = arith.constant 512 : i32
      %dma_wait3A_1024 = tpu.memref_slice %arg15[%dma_wait3A_1023] : memref<1024xf32, #tpu.memory_space<vmem>> -> memref<512xf32, #tpu.memory_space<vmem>>
      %dma_wait3A_1025 = tpu.memref_slice %arg4[%run_scoped3A_87, %mul3A_2] : memref<2x16384xf32, #tpu.memory_space<hbm>> -> memref<1x512xf32, #tpu.memory_space<hbm>>
      %dma_wait3A_1026 = tpu.memref_squeeze %dma_wait3A_1025 : memref<1x512xf32, #tpu.memory_space<hbm>> -> memref<512xf32, #tpu.memory_space<hbm>>
      tpu.wait_dma2 semaphore(%run_scoped3A_1010 : memref<!tpu.dma_semaphore, #tpu.memory_space<semaphore_mem>>) src(%dma_wait3A_1026 : memref<512xf32, #tpu.memory_space<hbm>>) dst(%dma_wait3A_1024 : memref<512xf32, #tpu.memory_space<vmem>>)
      tpu.yield
    }) : () -> ()
    %run_scoped3A_88 = arith.constant 1 : i32
    "tpu.region"() ({
      %run_scoped3A_1010 = tpu.sem_alloc : memref<!tpu.dma_semaphore, #tpu.memory_space<semaphore_mem>>
      %dma_start3A_1011 = arith.constant 1024 : i32
      %dma_start3A_1012 = tpu.memref_slice %arg16[%dma_start3A_1011] : memref<2048xf32, #tpu.memory_space<vmem>> -> memref<1024xf32, #tpu.memory_space<vmem>>
      %dma_start3A_1013 = arith.constant 0 : i32
      %dma_start3A_1014 = tpu.memref_slice %arg9[%run_scoped3A_88, %dma_start3A_1013] : memref<2x1024xf32, #tpu.memory_space<hbm>> -> memref<1x1024xf32, #tpu.memory_space<hbm>>
      %dma_start3A_1015 = tpu.memref_squeeze %dma_start3A_1014 : memref<1x1024xf32, #tpu.memory_space<hbm>> -> memref<1024xf32, #tpu.memory_space<hbm>>
      %dma_start3A_1016 = arith.constant 1024 : i32
      %dma_start3A_1017 = tpu.memref_slice %arg16[%dma_start3A_1016] : memref<2048xf32, #tpu.memory_space<vmem>> -> memref<1024xf32, #tpu.memory_space<vmem>>
      %dma_start3A_1018 = arith.constant 0 : i32
      %dma_start3A_1019 = tpu.memref_slice %arg9[%run_scoped3A_88, %dma_start3A_1018] : memref<2x1024xf32, #tpu.memory_space<hbm>> -> memref<1x1024xf32, #tpu.memory_space<hbm>>
      %dma_start3A_1020 = tpu.memref_squeeze %dma_start3A_1019 : memref<1x1024xf32, #tpu.memory_space<hbm>> -> memref<1024xf32, #tpu.memory_space<hbm>>
      tpu.enqueue_dma source(%dma_start3A_1020 : memref<1024xf32, #tpu.memory_space<hbm>>) target(%dma_start3A_1017 : memref<1024xf32, #tpu.memory_space<vmem>>) target_semaphore(%run_scoped3A_1010 : memref<!tpu.dma_semaphore, #tpu.memory_space<semaphore_mem>>)
      %dma_wait3A_1021 = arith.constant 1024 : i32
      %dma_wait3A_1022 = tpu.memref_slice %arg16[%dma_wait3A_1021] : memref<2048xf32, #tpu.memory_space<vmem>> -> memref<1024xf32, #tpu.memory_space<vmem>>
      %dma_wait3A_1023 = arith.constant 0 : i32
      %dma_wait3A_1024 = tpu.memref_slice %arg9[%run_scoped3A_88, %dma_wait3A_1023] : memref<2x1024xf32, #tpu.memory_space<hbm>> -> memref<1x1024xf32, #tpu.memory_space<hbm>>
      %dma_wait3A_1025 = tpu.memref_squeeze %dma_wait3A_1024 : memref<1x1024xf32, #tpu.memory_space<hbm>> -> memref<1024xf32, #tpu.memory_space<hbm>>
      %dma_wait3A_1026 = arith.constant 1024 : i32
      %dma_wait3A_1027 = tpu.memref_slice %arg16[%dma_wait3A_1026] : memref<2048xf32, #tpu.memory_space<vmem>> -> memref<1024xf32, #tpu.memory_space<vmem>>
      %dma_wait3A_1028 = arith.constant 0 : i32
      %dma_wait3A_1029 = tpu.memref_slice %arg9[%run_scoped3A_88, %dma_wait3A_1028] : memref<2x1024xf32, #tpu.memory_space<hbm>> -> memref<1x1024xf32, #tpu.memory_space<hbm>>
      %dma_wait3A_1030 = tpu.memref_squeeze %dma_wait3A_1029 : memref<1x1024xf32, #tpu.memory_space<hbm>> -> memref<1024xf32, #tpu.memory_space<hbm>>
      tpu.wait_dma2 semaphore(%run_scoped3A_1010 : memref<!tpu.dma_semaphore, #tpu.memory_space<semaphore_mem>>) src(%dma_wait3A_1030 : memref<1024xf32, #tpu.memory_space<hbm>>) dst(%dma_wait3A_1027 : memref<1024xf32, #tpu.memory_space<vmem>>)
      tpu.yield
    }) : () -> ()
    %broadcast_in_dim3A = arith.constant 0xFF800000 : f32
    %broadcast_in_dim3A_89 = vector.broadcast %broadcast_in_dim3A : f32 to vector<16xf32>
    %broadcast_in_dim3A_90 = arith.constant 0x7F800000 : f32
    %broadcast_in_dim3A_91 = vector.broadcast %broadcast_in_dim3A_90 : f32 to vector<16xf32>
    %get3A = arith.constant 0 : i32
    %get3A_92 = arith.index_cast %get3A : i32 to index
    %get3A_93 = arith.constant 0 : index
    %get3A_94 = tpu.vector_load %arg17[%get3A_92, %get3A_93] {strides = array<i32>} : memref<6x16xf32, #tpu.memory_space<vmem>>, vector<16xf32>,
    %get3A_95 = arith.constant 2 : i32
    %get3A_96 = arith.index_cast %get3A_95 : i32 to index
    %get3A_97 = arith.constant 0 : index
    %get3A_98 = tpu.vector_load %arg17[%get3A_96, %get3A_97] {strides = array<i32>} : memref<6x16xf32, #tpu.memory_space<vmem>>, vector<16xf32>,
    %scan3A = arith.constant 0 : i32
    %scan3A_99 = arith.constant 0 : i32
    %scan3A_100 = arith.constant 32 : i32
    %scan3A_101 = arith.addi %scan3A_99, %scan3A_100 : i32
    %scan3A_102 = arith.constant 1 : i32
    %scan3A_103 = scf.for %scan3A_1010 = %scan3A_99 to %scan3A_101 step %scan3A_102 iter_args(%scan3A_1011 = %scan3A) -> (i32)  : i32 {
      %mul3A_1012 = arith.constant 16 : i32
      %mul3A_1013 = arith.muli %scan3A_1010, %mul3A_1012 : i32
      %add3A_1014 = arith.constant 0 : i32
      %add3A_1015 = arith.addi %add3A_1014, %mul3A_1013 : i32
      %get3A_1016 = arith.index_cast %add3A_1015 : i32 to index
      %get3A_1017 = tpu.vector_load %arg15[%get3A_1016] {strides = array<i32>} : memref<1024xf32, #tpu.memory_space<vmem>>, vector<16xf32>,
      %sub3A_1018 = arith.subf %get3A_1017, %get3A_94 : vector<16xf32>
      %mul3A_1019 = arith.mulf %sub3A_1018, %get3A_98 : vector<16xf32>
      %max3A = arith.constant -2.000000e+00 : f32
      %max3A_1020 = vector.broadcast %max3A : f32 to vector<16xf32>
      %max3A_1021 = arith.maximumf %mul3A_1019, %max3A_1020 : vector<16xf32>
      %min3A = arith.constant 1.001000e+03 : f32
      %min3A_1022 = vector.broadcast %min3A : f32 to vector<16xf32>
      %min3A_1023 = arith.minimumf %max3A_1021, %min3A_1022 : vector<16xf32>
      %convert_element_type3A = arith.fptosi %min3A_1023 : vector<16xf32> to vector<16xi32>
      %add3A_1024 = arith.constant 1 : i32
      %add3A_1025 = vector.broadcast %add3A_1024 : i32 to vector<16xi32>
      %add3A_1026 = arith.addi %convert_element_type3A, %add3A_1025 : vector<16xi32>
      %max3A_1027 = arith.constant 0 : i32
      %max3A_1028 = vector.broadcast %max3A_1027 : i32 to vector<16xi32>
      %max3A_1029 = arith.maxsi %add3A_1026, %max3A_1028 : vector<16xi32>
      %min3A_1030 = arith.constant 1000 : i32
      %min3A_1031 = vector.broadcast %min3A_1030 : i32 to vector<16xi32>
      %min3A_1032 = arith.minsi %max3A_1029, %min3A_1031 : vector<16xi32>
      %add3A_1033 = arith.constant 0 : i32
      %add3A_1034 = vector.broadcast %add3A_1033 : i32 to vector<16xi32>
      %add3A_1035 = arith.addi %add3A_1034, %min3A_1032 : vector<16xi32>
      %gather3A = tpu.vector_load_idx %arg16[%add3A_1035] : memref<2048xf32, #tpu.memory_space<vmem>>[vector<16xi32>], vector<16xf32>,
      %eq3A = arith.constant 0 : i32
      %eq3A_1036 = vector.broadcast %eq3A : i32 to vector<16xi32>
      %eq3A_1037 = arith.cmpi eq, %min3A_1032, %eq3A_1036 : vector<16xi32>
      %select_n3A = arith.select %eq3A_1037, %broadcast_in_dim3A_89, %gather3A : vector<16xi1>, vector<16xf32>
      %add3A_1038 = arith.constant 0 : i32
      %add3A_1039 = vector.broadcast %add3A_1038 : i32 to vector<16xi32>
      %add3A_1040 = arith.addi %add3A_1039, %min3A_1032 : vector<16xi32>
      %add3A_1041 = arith.constant 1 : i32
      %add3A_1042 = vector.broadcast %add3A_1041 : i32 to vector<16xi32>
      %add3A_1043 = arith.addi %add3A_1040, %add3A_1042 : vector<16xi32>
      %gather3A_1044 = tpu.vector_load_idx %arg16[%add3A_1043] : memref<2048xf32, #tpu.memory_space<vmem>>[vector<16xi32>], vector<16xf32>,
      %eq3A_1045 = arith.constant 1000 : i32
      %eq3A_1046 = vector.broadcast %eq3A_1045 : i32 to vector<16xi32>
      %eq3A_1047 = arith.cmpi eq, %min3A_1032, %eq3A_1046 : vector<16xi32>
      %select_n3A_1048 = arith.select %eq3A_1047, %broadcast_in_dim3A_91, %gather3A_1044 : vector<16xi1>, vector<16xf32>
      %lt3A = arith.cmpf olt, %get3A_1017, %select_n3A : vector<16xf32>
      %convert_element_type3A_1049 = arith.extui %lt3A : vector<16xi1> to vector<16xi32>
      %sub3A_1050 = arith.subi %min3A_1032, %convert_element_type3A_1049 : vector<16xi32>
      %ge3A = arith.cmpf oge, %get3A_1017, %select_n3A_1048 : vector<16xf32>
      %convert_element_type3A_1051 = arith.extui %ge3A : vector<16xi1> to vector<16xi32>
      %add3A_1052 = arith.addi %sub3A_1050, %convert_element_type3A_1051 : vector<16xi32>
      %add3A_1053 = arith.constant 0 : i32
      %add3A_1054 = vector.broadcast %add3A_1053 : i32 to vector<16xi32>
      %add3A_1055 = arith.addi %add3A_1054, %add3A_1052 : vector<16xi32>
      %gather3A_1056 = tpu.vector_load_idx %arg16[%add3A_1055] : memref<2048xf32, #tpu.memory_space<vmem>>[vector<16xi32>], vector<16xf32>,
      %eq3A_1057 = arith.constant 0 : i32
      %eq3A_1058 = vector.broadcast %eq3A_1057 : i32 to vector<16xi32>
      %eq3A_1059 = arith.cmpi eq, %add3A_1052, %eq3A_1058 : vector<16xi32>
      %select_n3A_1060 = arith.select %eq3A_1059, %broadcast_in_dim3A_89, %gather3A_1056 : vector<16xi1>, vector<16xf32>
      %add3A_1061 = arith.constant 0 : i32
      %add3A_1062 = vector.broadcast %add3A_1061 : i32 to vector<16xi32>
      %add3A_1063 = arith.addi %add3A_1062, %add3A_1052 : vector<16xi32>
      %add3A_1064 = arith.constant 1 : i32
      %add3A_1065 = vector.broadcast %add3A_1064 : i32 to vector<16xi32>
      %add3A_1066 = arith.addi %add3A_1063, %add3A_1065 : vector<16xi32>
      %gather3A_1067 = tpu.vector_load_idx %arg16[%add3A_1066] : memref<2048xf32, #tpu.memory_space<vmem>>[vector<16xi32>], vector<16xf32>,
      %eq3A_1068 = arith.constant 1000 : i32
      %eq3A_1069 = vector.broadcast %eq3A_1068 : i32 to vector<16xi32>
      %eq3A_1070 = arith.cmpi eq, %add3A_1052, %eq3A_1069 : vector<16xi32>
      %select_n3A_1071 = arith.select %eq3A_1070, %broadcast_in_dim3A_91, %gather3A_1067 : vector<16xi1>, vector<16xf32>
      %lt3A_1072 = arith.cmpf olt, %get3A_1017, %select_n3A_1060 : vector<16xf32>
      %convert_element_type3A_1073 = arith.extui %lt3A_1072 : vector<16xi1> to vector<16xi32>
      %sub3A_1074 = arith.subi %add3A_1052, %convert_element_type3A_1073 : vector<16xi32>
      %ge3A_1075 = arith.cmpf oge, %get3A_1017, %select_n3A_1071 : vector<16xf32>
      %convert_element_type3A_1076 = arith.extui %ge3A_1075 : vector<16xi1> to vector<16xi32>
      %add3A_1077 = arith.addi %sub3A_1074, %convert_element_type3A_1076 : vector<16xi32>
      %mul3A_1078 = arith.constant 16 : i32
      %mul3A_1079 = arith.muli %scan3A_1010, %mul3A_1078 : i32
      %add3A_1080 = arith.constant 0 : i32
      %add3A_1081 = arith.addi %add3A_1080, %mul3A_1079 : i32
      %swap3A = arith.index_cast %add3A_1081 : i32 to index
      %swap3A_1082 = tpu.vector_load %arg14[%swap3A] {strides = array<i32>} : memref<1024xi32, #tpu.memory_space<vmem>>, vector<16xi32>,
      tpu.vector_store %arg14[%swap3A], %add3A_1077 {strides = array<i32>} : memref<1024xi32, #tpu.memory_space<vmem>>, vector<16xi32>,
      %scan3A_1083 = arith.constant 0 : i32
      scf.yield %scan3A_1083 : i32
    }
    %scan3A_104 = arith.constant 32 : i32
    %get3A_105 = arith.constant 1 : i32
    %get3A_106 = arith.index_cast %get3A_105 : i32 to index
    %get3A_107 = arith.constant 0 : index
    %get3A_108 = tpu.vector_load %arg17[%get3A_106, %get3A_107] {strides = array<i32>} : memref<6x16xf32, #tpu.memory_space<vmem>>, vector<16xf32>,
    %get3A_109 = arith.constant 3 : i32
    %get3A_110 = arith.index_cast %get3A_109 : i32 to index
    %get3A_111 = arith.constant 0 : index
    %get3A_112 = tpu.vector_load %arg17[%get3A_110, %get3A_111] {strides = array<i32>} : memref<6x16xf32, #tpu.memory_space<vmem>>, vector<16xf32>,
    %scan3A_113 = arith.constant 0 : i32
    %scan3A_114 = arith.constant 0 : i32
    %scan3A_115 = arith.constant 32 : i32
    %scan3A_116 = arith.addi %scan3A_114, %scan3A_115 : i32
    %scan3A_117 = arith.constant 1 : i32
    %scan3A_118 = scf.for %scan3A_1010 = %scan3A_114 to %scan3A_116 step %scan3A_117 iter_args(%scan3A_1011 = %scan3A_113) -> (i32)  : i32 {
      %mul3A_1012 = arith.constant 16 : i32
      %mul3A_1013 = arith.muli %scan3A_1010, %mul3A_1012 : i32
      %add3A_1014 = arith.constant 512 : i32
      %add3A_1015 = arith.addi %add3A_1014, %mul3A_1013 : i32
      %get3A_1016 = arith.index_cast %add3A_1015 : i32 to index
      %get3A_1017 = tpu.vector_load %arg15[%get3A_1016] {strides = array<i32>} : memref<1024xf32, #tpu.memory_space<vmem>>, vector<16xf32>,
      %sub3A_1018 = arith.subf %get3A_1017, %get3A_108 : vector<16xf32>
      %mul3A_1019 = arith.mulf %sub3A_1018, %get3A_112 : vector<16xf32>
      %max3A = arith.constant -2.000000e+00 : f32
      %max3A_1020 = vector.broadcast %max3A : f32 to vector<16xf32>
      %max3A_1021 = arith.maximumf %mul3A_1019, %max3A_1020 : vector<16xf32>
      %min3A = arith.constant 1.001000e+03 : f32
      %min3A_1022 = vector.broadcast %min3A : f32 to vector<16xf32>
      %min3A_1023 = arith.minimumf %max3A_1021, %min3A_1022 : vector<16xf32>
      %convert_element_type3A = arith.fptosi %min3A_1023 : vector<16xf32> to vector<16xi32>
      %add3A_1024 = arith.constant 1 : i32
      %add3A_1025 = vector.broadcast %add3A_1024 : i32 to vector<16xi32>
      %add3A_1026 = arith.addi %convert_element_type3A, %add3A_1025 : vector<16xi32>
      %max3A_1027 = arith.constant 0 : i32
      %max3A_1028 = vector.broadcast %max3A_1027 : i32 to vector<16xi32>
      %max3A_1029 = arith.maxsi %add3A_1026, %max3A_1028 : vector<16xi32>
      %min3A_1030 = arith.constant 1000 : i32
      %min3A_1031 = vector.broadcast %min3A_1030 : i32 to vector<16xi32>
      %min3A_1032 = arith.minsi %max3A_1029, %min3A_1031 : vector<16xi32>
      %add3A_1033 = arith.constant 1024 : i32
      %add3A_1034 = vector.broadcast %add3A_1033 : i32 to vector<16xi32>
      %add3A_1035 = arith.addi %add3A_1034, %min3A_1032 : vector<16xi32>
      %gather3A = tpu.vector_load_idx %arg16[%add3A_1035] : memref<2048xf32, #tpu.memory_space<vmem>>[vector<16xi32>], vector<16xf32>,
      %eq3A = arith.constant 0 : i32
      %eq3A_1036 = vector.broadcast %eq3A : i32 to vector<16xi32>
      %eq3A_1037 = arith.cmpi eq, %min3A_1032, %eq3A_1036 : vector<16xi32>
      %select_n3A = arith.select %eq3A_1037, %broadcast_in_dim3A_89, %gather3A : vector<16xi1>, vector<16xf32>
      %add3A_1038 = arith.constant 1024 : i32
      %add3A_1039 = vector.broadcast %add3A_1038 : i32 to vector<16xi32>
      %add3A_1040 = arith.addi %add3A_1039, %min3A_1032 : vector<16xi32>
      %add3A_1041 = arith.constant 1 : i32
      %add3A_1042 = vector.broadcast %add3A_1041 : i32 to vector<16xi32>
      %add3A_1043 = arith.addi %add3A_1040, %add3A_1042 : vector<16xi32>
      %gather3A_1044 = tpu.vector_load_idx %arg16[%add3A_1043] : memref<2048xf32, #tpu.memory_space<vmem>>[vector<16xi32>], vector<16xf32>,
      %eq3A_1045 = arith.constant 1000 : i32
      %eq3A_1046 = vector.broadcast %eq3A_1045 : i32 to vector<16xi32>
      %eq3A_1047 = arith.cmpi eq, %min3A_1032, %eq3A_1046 : vector<16xi32>
      %select_n3A_1048 = arith.select %eq3A_1047, %broadcast_in_dim3A_91, %gather3A_1044 : vector<16xi1>, vector<16xf32>
      %lt3A = arith.cmpf olt, %get3A_1017, %select_n3A : vector<16xf32>
      %convert_element_type3A_1049 = arith.extui %lt3A : vector<16xi1> to vector<16xi32>
      %sub3A_1050 = arith.subi %min3A_1032, %convert_element_type3A_1049 : vector<16xi32>
      %ge3A = arith.cmpf oge, %get3A_1017, %select_n3A_1048 : vector<16xf32>
      %convert_element_type3A_1051 = arith.extui %ge3A : vector<16xi1> to vector<16xi32>
      %add3A_1052 = arith.addi %sub3A_1050, %convert_element_type3A_1051 : vector<16xi32>
      %add3A_1053 = arith.constant 1024 : i32
      %add3A_1054 = vector.broadcast %add3A_1053 : i32 to vector<16xi32>
      %add3A_1055 = arith.addi %add3A_1054, %add3A_1052 : vector<16xi32>
      %gather3A_1056 = tpu.vector_load_idx %arg16[%add3A_1055] : memref<2048xf32, #tpu.memory_space<vmem>>[vector<16xi32>], vector<16xf32>,
      %eq3A_1057 = arith.constant 0 : i32
      %eq3A_1058 = vector.broadcast %eq3A_1057 : i32 to vector<16xi32>
      %eq3A_1059 = arith.cmpi eq, %add3A_1052, %eq3A_1058 : vector<16xi32>
      %select_n3A_1060 = arith.select %eq3A_1059, %broadcast_in_dim3A_89, %gather3A_1056 : vector<16xi1>, vector<16xf32>
      %add3A_1061 = arith.constant 1024 : i32
      %add3A_1062 = vector.broadcast %add3A_1061 : i32 to vector<16xi32>
      %add3A_1063 = arith.addi %add3A_1062, %add3A_1052 : vector<16xi32>
      %add3A_1064 = arith.constant 1 : i32
      %add3A_1065 = vector.broadcast %add3A_1064 : i32 to vector<16xi32>
      %add3A_1066 = arith.addi %add3A_1063, %add3A_1065 : vector<16xi32>
      %gather3A_1067 = tpu.vector_load_idx %arg16[%add3A_1066] : memref<2048xf32, #tpu.memory_space<vmem>>[vector<16xi32>], vector<16xf32>,
      %eq3A_1068 = arith.constant 1000 : i32
      %eq3A_1069 = vector.broadcast %eq3A_1068 : i32 to vector<16xi32>
      %eq3A_1070 = arith.cmpi eq, %add3A_1052, %eq3A_1069 : vector<16xi32>
      %select_n3A_1071 = arith.select %eq3A_1070, %broadcast_in_dim3A_91, %gather3A_1067 : vector<16xi1>, vector<16xf32>
      %lt3A_1072 = arith.cmpf olt, %get3A_1017, %select_n3A_1060 : vector<16xf32>
      %convert_element_type3A_1073 = arith.extui %lt3A_1072 : vector<16xi1> to vector<16xi32>
      %sub3A_1074 = arith.subi %add3A_1052, %convert_element_type3A_1073 : vector<16xi32>
      %ge3A_1075 = arith.cmpf oge, %get3A_1017, %select_n3A_1071 : vector<16xf32>
      %convert_element_type3A_1076 = arith.extui %ge3A_1075 : vector<16xi1> to vector<16xi32>
      %add3A_1077 = arith.addi %sub3A_1074, %convert_element_type3A_1076 : vector<16xi32>
      %mul3A_1078 = arith.constant 16 : i32
      %mul3A_1079 = arith.muli %scan3A_1010, %mul3A_1078 : i32
      %add3A_1080 = arith.constant 512 : i32
      %add3A_1081 = arith.addi %add3A_1080, %mul3A_1079 : i32
      %swap3A = arith.index_cast %add3A_1081 : i32 to index
      %swap3A_1082 = tpu.vector_load %arg14[%swap3A] {strides = array<i32>} : memref<1024xi32, #tpu.memory_space<vmem>>, vector<16xi32>,
      tpu.vector_store %arg14[%swap3A], %add3A_1077 {strides = array<i32>} : memref<1024xi32, #tpu.memory_space<vmem>>, vector<16xi32>,
      %scan3A_1083 = arith.constant 0 : i32
      scf.yield %scan3A_1083 : i32
    }
    %scan3A_119 = arith.constant 32 : i32
    %dma_wait3A = arith.constant 0 : i32
    %dma_wait3A_120 = arith.constant 0 : i32
    %dma_wait3A_121 = arith.constant 0 : i32
    %dma_wait3A_122 = tpu.memref_slice %arg12[%dma_wait3A_121] : memref<1536xi32, #tpu.memory_space<vmem>> -> memref<512xi32, #tpu.memory_space<vmem>>
    %dma_wait3A_123 = arith.constant 0 : i32
    %dma_wait3A_124 = arith.constant 0 : i32
    %dma_wait3A_125 = tpu.memref_slice %arg6[%dma_wait3A, %dma_wait3A_123, %dma_wait3A_124] : memref<3x100000x32xf32, #tpu.memory_space<hbm>> -> memref<1x100000x32xf32, #tpu.memory_space<hbm>>
    %dma_wait3A_126 = tpu.memref_squeeze %dma_wait3A_125 : memref<1x100000x32xf32, #tpu.memory_space<hbm>> -> memref<100000x32xf32, #tpu.memory_space<hbm>>
    %dma_wait3A_127 = arith.constant 0 : i32
    %dma_wait3A_128 = arith.constant 0 : i32
    %dma_wait3A_129 = tpu.memref_slice %dma_wait3A_126[%dma_wait3A_127, %dma_wait3A_128] : memref<100000x32xf32, #tpu.memory_space<hbm>> -> memref<100000x32xf32, #tpu.memory_space<hbm>>
    %dma_wait3A_130 = tpu.memref_slice %arg25[%dma_wait3A_120] : memref<6x!tpu.dma_semaphore, #tpu.memory_space<semaphore_mem>> -> memref<1x!tpu.dma_semaphore, #tpu.memory_space<semaphore_mem>>
    %dma_wait3A_131 = tpu.memref_squeeze %dma_wait3A_130 : memref<1x!tpu.dma_semaphore, #tpu.memory_space<semaphore_mem>> -> memref<!tpu.dma_semaphore, #tpu.memory_space<semaphore_mem>>
    tpu.wait_indirect_dma semaphore(%dma_wait3A_131 : memref<!tpu.dma_semaphore, #tpu.memory_space<semaphore_mem>>) src(%dma_wait3A_129 : memref<100000x32xf32, #tpu.memory_space<hbm>>) dst(%arg19 : memref<512x32xf32, #tpu.memory_space<vmem>>)
    %dma_start3A_132 = arith.constant 0 : i32
    %dma_start3A_133 = arith.constant 0 : i32
    %dma_start3A_134 = tpu.memref_slice %arg11[%mul3A_2, %dma_start3A_133] : memref<16384x258xf32, #tpu.memory_space<hbm>> -> memref<512x32xf32, #tpu.memory_space<hbm>>
    %dma_start3A_135 = tpu.memref_slice %arg26[%dma_start3A_132] : memref<7x!tpu.dma_semaphore, #tpu.memory_space<semaphore_mem>> -> memref<1x!tpu.dma_semaphore, #tpu.memory_space<semaphore_mem>>
    %dma_start3A_136 = tpu.memref_squeeze %dma_start3A_135 : memref<1x!tpu.dma_semaphore, #tpu.memory_space<semaphore_mem>> -> memref<!tpu.dma_semaphore, #tpu.memory_space<semaphore_mem>>
    %dma_start3A_137 = arith.constant 0 : i32
    %dma_start3A_138 = tpu.memref_slice %arg11[%mul3A_2, %dma_start3A_137] : memref<16384x258xf32, #tpu.memory_space<hbm>> -> memref<512x32xf32, #tpu.memory_space<hbm>>
    tpu.enqueue_dma source(%arg19 : memref<512x32xf32, #tpu.memory_space<vmem>>) target(%dma_start3A_138 : memref<512x32xf32, #tpu.memory_space<hbm>>) target_semaphore(%dma_start3A_136 : memref<!tpu.dma_semaphore, #tpu.memory_space<semaphore_mem>>)
    %dma_wait3A_139 = arith.constant 0 : i32
    %dma_wait3A_140 = arith.constant 0 : i32
    %dma_wait3A_141 = tpu.memref_slice %arg11[%mul3A_2, %dma_wait3A_140] : memref<16384x258xf32, #tpu.memory_space<hbm>> -> memref<512x32xf32, #tpu.memory_space<hbm>>
    %dma_wait3A_142 = tpu.memref_slice %arg26[%dma_wait3A_139] : memref<7x!tpu.dma_semaphore, #tpu.memory_space<semaphore_mem>> -> memref<1x!tpu.dma_semaphore, #tpu.memory_space<semaphore_mem>>
    %dma_wait3A_143 = tpu.memref_squeeze %dma_wait3A_142 : memref<1x!tpu.dma_semaphore, #tpu.memory_space<semaphore_mem>> -> memref<!tpu.dma_semaphore, #tpu.memory_space<semaphore_mem>>
    %dma_wait3A_144 = arith.constant 0 : i32
    %dma_wait3A_145 = tpu.memref_slice %arg11[%mul3A_2, %dma_wait3A_144] : memref<16384x258xf32, #tpu.memory_space<hbm>> -> memref<512x32xf32, #tpu.memory_space<hbm>>
    tpu.wait_dma2 semaphore(%dma_wait3A_143 : memref<!tpu.dma_semaphore, #tpu.memory_space<semaphore_mem>>) src(%arg19 : memref<512x32xf32, #tpu.memory_space<vmem>>) dst(%dma_wait3A_145 : memref<512x32xf32, #tpu.memory_space<hbm>>)
    %dma_start3A_146 = arith.constant 0 : i32
    %dma_start3A_147 = arith.constant 0 : i32
    %dma_start3A_148 = arith.constant 0 : i32
    %dma_start3A_149 = tpu.memref_slice %arg14[%dma_start3A_148] : memref<1024xi32, #tpu.memory_space<vmem>> -> memref<512xi32, #tpu.memory_space<vmem>>
    %dma_start3A_150 = arith.constant 0 : i32
    %dma_start3A_151 = arith.constant 0 : i32
    %dma_start3A_152 = tpu.memref_slice %arg8[%dma_start3A_146, %dma_start3A_150, %dma_start3A_151] : memref<2x1001x32xf32, #tpu.memory_space<hbm>> -> memref<1x1001x32xf32, #tpu.memory_space<hbm>>
    %dma_start3A_153 = tpu.memref_squeeze %dma_start3A_152 : memref<1x1001x32xf32, #tpu.memory_space<hbm>> -> memref<1001x32xf32, #tpu.memory_space<hbm>>
    %dma_start3A_154 = arith.constant 0 : i32
    %dma_start3A_155 = arith.constant 0 : i32
    %dma_start3A_156 = tpu.memref_slice %dma_start3A_153[%dma_start3A_154, %dma_start3A_155] : memref<1001x32xf32, #tpu.memory_space<hbm>> -> memref<1001x32xf32, #tpu.memory_space<hbm>>
    %dma_start3A_157 = tpu.memref_slice %arg25[%dma_start3A_147] : memref<6x!tpu.dma_semaphore, #tpu.memory_space<semaphore_mem>> -> memref<1x!tpu.dma_semaphore, #tpu.memory_space<semaphore_mem>>
    %dma_start3A_158 = tpu.memref_squeeze %dma_start3A_157 : memref<1x!tpu.dma_semaphore, #tpu.memory_space<semaphore_mem>> -> memref<!tpu.dma_semaphore, #tpu.memory_space<semaphore_mem>>
    tpu.enqueue_indirect_dma source(%dma_start3A_156 : memref<1001x32xf32, #tpu.memory_space<hbm>>) target(%arg19 : memref<512x32xf32, #tpu.memory_space<vmem>>) offsets(%dma_start3A_149 : memref<512xi32, #tpu.memory_space<vmem>>) semaphore(%dma_start3A_158 : memref<!tpu.dma_semaphore, #tpu.memory_space<semaphore_mem>>)
    %dma_wait3A_159 = arith.constant 1 : i32
    %dma_wait3A_160 = arith.constant 1 : i32
    %dma_wait3A_161 = arith.constant 512 : i32
    %dma_wait3A_162 = tpu.memref_slice %arg12[%dma_wait3A_161] : memref<1536xi32, #tpu.memory_space<vmem>> -> memref<512xi32, #tpu.memory_space<vmem>>
    %dma_wait3A_163 = arith.constant 0 : i32
    %dma_wait3A_164 = arith.constant 0 : i32
    %dma_wait3A_165 = tpu.memref_slice %arg6[%dma_wait3A_159, %dma_wait3A_163, %dma_wait3A_164] : memref<3x100000x32xf32, #tpu.memory_space<hbm>> -> memref<1x100000x32xf32, #tpu.memory_space<hbm>>
    %dma_wait3A_166 = tpu.memref_squeeze %dma_wait3A_165 : memref<1x100000x32xf32, #tpu.memory_space<hbm>> -> memref<100000x32xf32, #tpu.memory_space<hbm>>
    %dma_wait3A_167 = arith.constant 0 : i32
    %dma_wait3A_168 = arith.constant 0 : i32
    %dma_wait3A_169 = tpu.memref_slice %dma_wait3A_166[%dma_wait3A_167, %dma_wait3A_168] : memref<100000x32xf32, #tpu.memory_space<hbm>> -> memref<100000x32xf32, #tpu.memory_space<hbm>>
    %dma_wait3A_170 = tpu.memref_slice %arg25[%dma_wait3A_160] : memref<6x!tpu.dma_semaphore, #tpu.memory_space<semaphore_mem>> -> memref<1x!tpu.dma_semaphore, #tpu.memory_space<semaphore_mem>>
    %dma_wait3A_171 = tpu.memref_squeeze %dma_wait3A_170 : memref<1x!tpu.dma_semaphore, #tpu.memory_space<semaphore_mem>> -> memref<!tpu.dma_semaphore, #tpu.memory_space<semaphore_mem>>
    tpu.wait_indirect_dma semaphore(%dma_wait3A_171 : memref<!tpu.dma_semaphore, #tpu.memory_space<semaphore_mem>>) src(%dma_wait3A_169 : memref<100000x32xf32, #tpu.memory_space<hbm>>) dst(%arg20 : memref<512x32xf32, #tpu.memory_space<vmem>>)
    %dma_start3A_172 = arith.constant 1 : i32
    %dma_start3A_173 = arith.constant 32 : i32
    %dma_start3A_174 = tpu.memref_slice %arg11[%mul3A_2, %dma_start3A_173] : memref<16384x258xf32, #tpu.memory_space<hbm>> -> memref<512x32xf32, #tpu.memory_space<hbm>>
    %dma_start3A_175 = tpu.memref_slice %arg26[%dma_start3A_172] : memref<7x!tpu.dma_semaphore, #tpu.memory_space<semaphore_mem>> -> memref<1x!tpu.dma_semaphore, #tpu.memory_space<semaphore_mem>>
    %dma_start3A_176 = tpu.memref_squeeze %dma_start3A_175 : memref<1x!tpu.dma_semaphore, #tpu.memory_space<semaphore_mem>> -> memref<!tpu.dma_semaphore, #tpu.memory_space<semaphore_mem>>
    %dma_start3A_177 = arith.constant 32 : i32
    %dma_start3A_178 = tpu.memref_slice %arg11[%mul3A_2, %dma_start3A_177] : memref<16384x258xf32, #tpu.memory_space<hbm>> -> memref<512x32xf32, #tpu.memory_space<hbm>>
    tpu.enqueue_dma source(%arg20 : memref<512x32xf32, #tpu.memory_space<vmem>>) target(%dma_start3A_178 : memref<512x32xf32, #tpu.memory_space<hbm>>) target_semaphore(%dma_start3A_176 : memref<!tpu.dma_semaphore, #tpu.memory_space<semaphore_mem>>)
    %dma_wait3A_179 = arith.constant 1 : i32
    %dma_wait3A_180 = arith.constant 32 : i32
    %dma_wait3A_181 = tpu.memref_slice %arg11[%mul3A_2, %dma_wait3A_180] : memref<16384x258xf32, #tpu.memory_space<hbm>> -> memref<512x32xf32, #tpu.memory_space<hbm>>
    %dma_wait3A_182 = tpu.memref_slice %arg26[%dma_wait3A_179] : memref<7x!tpu.dma_semaphore, #tpu.memory_space<semaphore_mem>> -> memref<1x!tpu.dma_semaphore, #tpu.memory_space<semaphore_mem>>
    %dma_wait3A_183 = tpu.memref_squeeze %dma_wait3A_182 : memref<1x!tpu.dma_semaphore, #tpu.memory_space<semaphore_mem>> -> memref<!tpu.dma_semaphore, #tpu.memory_space<semaphore_mem>>
    %dma_wait3A_184 = arith.constant 32 : i32
    %dma_wait3A_185 = tpu.memref_slice %arg11[%mul3A_2, %dma_wait3A_184] : memref<16384x258xf32, #tpu.memory_space<hbm>> -> memref<512x32xf32, #tpu.memory_space<hbm>>
    tpu.wait_dma2 semaphore(%dma_wait3A_183 : memref<!tpu.dma_semaphore, #tpu.memory_space<semaphore_mem>>) src(%arg20 : memref<512x32xf32, #tpu.memory_space<vmem>>) dst(%dma_wait3A_185 : memref<512x32xf32, #tpu.memory_space<hbm>>)
    %dma_start3A_186 = arith.constant 1 : i32
    %dma_start3A_187 = arith.constant 1 : i32
    %dma_start3A_188 = arith.constant 512 : i32
    %dma_start3A_189 = tpu.memref_slice %arg14[%dma_start3A_188] : memref<1024xi32, #tpu.memory_space<vmem>> -> memref<512xi32, #tpu.memory_space<vmem>>
    %dma_start3A_190 = arith.constant 0 : i32
    %dma_start3A_191 = arith.constant 0 : i32
    %dma_start3A_192 = tpu.memref_slice %arg8[%dma_start3A_186, %dma_start3A_190, %dma_start3A_191] : memref<2x1001x32xf32, #tpu.memory_space<hbm>> -> memref<1x1001x32xf32, #tpu.memory_space<hbm>>
    %dma_start3A_193 = tpu.memref_squeeze %dma_start3A_192 : memref<1x1001x32xf32, #tpu.memory_space<hbm>> -> memref<1001x32xf32, #tpu.memory_space<hbm>>
    %dma_start3A_194 = arith.constant 0 : i32
    %dma_start3A_195 = arith.constant 0 : i32
    %dma_start3A_196 = tpu.memref_slice %dma_start3A_193[%dma_start3A_194, %dma_start3A_195] : memref<1001x32xf32, #tpu.memory_space<hbm>> -> memref<1001x32xf32, #tpu.memory_space<hbm>>
    %dma_start3A_197 = tpu.memref_slice %arg25[%dma_start3A_187] : memref<6x!tpu.dma_semaphore, #tpu.memory_space<semaphore_mem>> -> memref<1x!tpu.dma_semaphore, #tpu.memory_space<semaphore_mem>>
    %dma_start3A_198 = tpu.memref_squeeze %dma_start3A_197 : memref<1x!tpu.dma_semaphore, #tpu.memory_space<semaphore_mem>> -> memref<!tpu.dma_semaphore, #tpu.memory_space<semaphore_mem>>
    tpu.enqueue_indirect_dma source(%dma_start3A_196 : memref<1001x32xf32, #tpu.memory_space<hbm>>) target(%arg20 : memref<512x32xf32, #tpu.memory_space<vmem>>) offsets(%dma_start3A_189 : memref<512xi32, #tpu.memory_space<vmem>>) semaphore(%dma_start3A_198 : memref<!tpu.dma_semaphore, #tpu.memory_space<semaphore_mem>>)
    %dma_wait3A_199 = arith.constant 2 : i32
    %dma_wait3A_200 = arith.constant 2 : i32
    %dma_wait3A_201 = arith.constant 1024 : i32
    %dma_wait3A_202 = tpu.memref_slice %arg12[%dma_wait3A_201] : memref<1536xi32, #tpu.memory_space<vmem>> -> memref<512xi32, #tpu.memory_space<vmem>>
    %dma_wait3A_203 = arith.constant 0 : i32
    %dma_wait3A_204 = arith.constant 0 : i32
    %dma_wait3A_205 = tpu.memref_slice %arg6[%dma_wait3A_199, %dma_wait3A_203, %dma_wait3A_204] : memref<3x100000x32xf32, #tpu.memory_space<hbm>> -> memref<1x100000x32xf32, #tpu.memory_space<hbm>>
    %dma_wait3A_206 = tpu.memref_squeeze %dma_wait3A_205 : memref<1x100000x32xf32, #tpu.memory_space<hbm>> -> memref<100000x32xf32, #tpu.memory_space<hbm>>
    %dma_wait3A_207 = arith.constant 0 : i32
    %dma_wait3A_208 = arith.constant 0 : i32
    %dma_wait3A_209 = tpu.memref_slice %dma_wait3A_206[%dma_wait3A_207, %dma_wait3A_208] : memref<100000x32xf32, #tpu.memory_space<hbm>> -> memref<100000x32xf32, #tpu.memory_space<hbm>>
    %dma_wait3A_210 = tpu.memref_slice %arg25[%dma_wait3A_200] : memref<6x!tpu.dma_semaphore, #tpu.memory_space<semaphore_mem>> -> memref<1x!tpu.dma_semaphore, #tpu.memory_space<semaphore_mem>>
    %dma_wait3A_211 = tpu.memref_squeeze %dma_wait3A_210 : memref<1x!tpu.dma_semaphore, #tpu.memory_space<semaphore_mem>> -> memref<!tpu.dma_semaphore, #tpu.memory_space<semaphore_mem>>
    tpu.wait_indirect_dma semaphore(%dma_wait3A_211 : memref<!tpu.dma_semaphore, #tpu.memory_space<semaphore_mem>>) src(%dma_wait3A_209 : memref<100000x32xf32, #tpu.memory_space<hbm>>) dst(%arg21 : memref<512x32xf32, #tpu.memory_space<vmem>>)
    %dma_start3A_212 = arith.constant 2 : i32
    %dma_start3A_213 = arith.constant 64 : i32
    %dma_start3A_214 = tpu.memref_slice %arg11[%mul3A_2, %dma_start3A_213] : memref<16384x258xf32, #tpu.memory_space<hbm>> -> memref<512x32xf32, #tpu.memory_space<hbm>>
    %dma_start3A_215 = tpu.memref_slice %arg26[%dma_start3A_212] : memref<7x!tpu.dma_semaphore, #tpu.memory_space<semaphore_mem>> -> memref<1x!tpu.dma_semaphore, #tpu.memory_space<semaphore_mem>>
    %dma_start3A_216 = tpu.memref_squeeze %dma_start3A_215 : memref<1x!tpu.dma_semaphore, #tpu.memory_space<semaphore_mem>> -> memref<!tpu.dma_semaphore, #tpu.memory_space<semaphore_mem>>
    %dma_start3A_217 = arith.constant 64 : i32
    %dma_start3A_218 = tpu.memref_slice %arg11[%mul3A_2, %dma_start3A_217] : memref<16384x258xf32, #tpu.memory_space<hbm>> -> memref<512x32xf32, #tpu.memory_space<hbm>>
    tpu.enqueue_dma source(%arg21 : memref<512x32xf32, #tpu.memory_space<vmem>>) target(%dma_start3A_218 : memref<512x32xf32, #tpu.memory_space<hbm>>) target_semaphore(%dma_start3A_216 : memref<!tpu.dma_semaphore, #tpu.memory_space<semaphore_mem>>)
    %dma_wait3A_219 = arith.constant 0 : i32
    %dma_wait3A_220 = arith.constant 3 : i32
    %dma_wait3A_221 = arith.constant 0 : i32
    %dma_wait3A_222 = tpu.memref_slice %arg13[%dma_wait3A_221] : memref<1536xi32, #tpu.memory_space<vmem>> -> memref<512xi32, #tpu.memory_space<vmem>>
    %dma_wait3A_223 = arith.constant 0 : i32
    %dma_wait3A_224 = arith.constant 0 : i32
    %dma_wait3A_225 = tpu.memref_slice %arg7[%dma_wait3A_219, %dma_wait3A_223, %dma_wait3A_224] : memref<3x100000x32xf32, #tpu.memory_space<hbm>> -> memref<1x100000x32xf32, #tpu.memory_space<hbm>>
    %dma_wait3A_226 = tpu.memref_squeeze %dma_wait3A_225 : memref<1x100000x32xf32, #tpu.memory_space<hbm>> -> memref<100000x32xf32, #tpu.memory_space<hbm>>
    %dma_wait3A_227 = arith.constant 0 : i32
    %dma_wait3A_228 = arith.constant 0 : i32
    %dma_wait3A_229 = tpu.memref_slice %dma_wait3A_226[%dma_wait3A_227, %dma_wait3A_228] : memref<100000x32xf32, #tpu.memory_space<hbm>> -> memref<100000x32xf32, #tpu.memory_space<hbm>>
    %dma_wait3A_230 = tpu.memref_slice %arg25[%dma_wait3A_220] : memref<6x!tpu.dma_semaphore, #tpu.memory_space<semaphore_mem>> -> memref<1x!tpu.dma_semaphore, #tpu.memory_space<semaphore_mem>>
    %dma_wait3A_231 = tpu.memref_squeeze %dma_wait3A_230 : memref<1x!tpu.dma_semaphore, #tpu.memory_space<semaphore_mem>> -> memref<!tpu.dma_semaphore, #tpu.memory_space<semaphore_mem>>
    tpu.wait_indirect_dma semaphore(%dma_wait3A_231 : memref<!tpu.dma_semaphore, #tpu.memory_space<semaphore_mem>>) src(%dma_wait3A_229 : memref<100000x32xf32, #tpu.memory_space<hbm>>) dst(%arg22 : memref<512x32xf32, #tpu.memory_space<vmem>>)
    %dma_start3A_232 = arith.constant 3 : i32
    %dma_start3A_233 = arith.constant 96 : i32
    %dma_start3A_234 = tpu.memref_slice %arg11[%mul3A_2, %dma_start3A_233] : memref<16384x258xf32, #tpu.memory_space<hbm>> -> memref<512x32xf32, #tpu.memory_space<hbm>>
    %dma_start3A_235 = tpu.memref_slice %arg26[%dma_start3A_232] : memref<7x!tpu.dma_semaphore, #tpu.memory_space<semaphore_mem>> -> memref<1x!tpu.dma_semaphore, #tpu.memory_space<semaphore_mem>>
    %dma_start3A_236 = tpu.memref_squeeze %dma_start3A_235 : memref<1x!tpu.dma_semaphore, #tpu.memory_space<semaphore_mem>> -> memref<!tpu.dma_semaphore, #tpu.memory_space<semaphore_mem>>
    %dma_start3A_237 = arith.constant 96 : i32
    %dma_start3A_238 = tpu.memref_slice %arg11[%mul3A_2, %dma_start3A_237] : memref<16384x258xf32, #tpu.memory_space<hbm>> -> memref<512x32xf32, #tpu.memory_space<hbm>>
    tpu.enqueue_dma source(%arg22 : memref<512x32xf32, #tpu.memory_space<vmem>>) target(%dma_start3A_238 : memref<512x32xf32, #tpu.memory_space<hbm>>) target_semaphore(%dma_start3A_236 : memref<!tpu.dma_semaphore, #tpu.memory_space<semaphore_mem>>)
    %mul3A_239 = arith.constant 2 : i32
    %mul3A_240 = arith.muli %mul3A_2, %mul3A_239 : i32
    "tpu.region"() ({
      %run_scoped3A_1010 = tpu.sem_alloc : memref<!tpu.dma_semaphore, #tpu.memory_space<semaphore_mem>>
      %dma_start3A_1011 = arith.constant 0 : i32
      %dma_start3A_1012 = tpu.memref_slice %arg15[%dma_start3A_1011] : memref<1024xf32, #tpu.memory_space<vmem>> -> memref<1024xf32, #tpu.memory_space<vmem>>
      %dma_start3A_1013 = tpu.memref_slice %arg5[%mul3A_240] : memref<32768xf32, #tpu.memory_space<hbm>> -> memref<1024xf32, #tpu.memory_space<hbm>>
      %dma_start3A_1014 = arith.constant 0 : i32
      %dma_start3A_1015 = tpu.memref_slice %arg15[%dma_start3A_1014] : memref<1024xf32, #tpu.memory_space<vmem>> -> memref<1024xf32, #tpu.memory_space<vmem>>
      %dma_start3A_1016 = tpu.memref_slice %arg5[%mul3A_240] : memref<32768xf32, #tpu.memory_space<hbm>> -> memref<1024xf32, #tpu.memory_space<hbm>>
      tpu.enqueue_dma source(%dma_start3A_1016 : memref<1024xf32, #tpu.memory_space<hbm>>) target(%dma_start3A_1015 : memref<1024xf32, #tpu.memory_space<vmem>>) target_semaphore(%run_scoped3A_1010 : memref<!tpu.dma_semaphore, #tpu.memory_space<semaphore_mem>>)
      %dma_wait3A_1017 = arith.constant 0 : i32
      %dma_wait3A_1018 = tpu.memref_slice %arg15[%dma_wait3A_1017] : memref<1024xf32, #tpu.memory_space<vmem>> -> memref<1024xf32, #tpu.memory_space<vmem>>
      %dma_wait3A_1019 = tpu.memref_slice %arg5[%mul3A_240] : memref<32768xf32, #tpu.memory_space<hbm>> -> memref<1024xf32, #tpu.memory_space<hbm>>
      %dma_wait3A_1020 = arith.constant 0 : i32
      %dma_wait3A_1021 = tpu.memref_slice %arg15[%dma_wait3A_1020] : memref<1024xf32, #tpu.memory_space<vmem>> -> memref<1024xf32, #tpu.memory_space<vmem>>
      %dma_wait3A_1022 = tpu.memref_slice %arg5[%mul3A_240] : memref<32768xf32, #tpu.memory_space<hbm>> -> memref<1024xf32, #tpu.memory_space<hbm>>
      tpu.wait_dma2 semaphore(%run_scoped3A_1010 : memref<!tpu.dma_semaphore, #tpu.memory_space<semaphore_mem>>) src(%dma_wait3A_1022 : memref<1024xf32, #tpu.memory_space<hbm>>) dst(%dma_wait3A_1021 : memref<1024xf32, #tpu.memory_space<vmem>>)
      tpu.yield
    }) : () -> ()
    %get3A_241 = arith.constant 4 : i32
    %get3A_242 = arith.index_cast %get3A_241 : i32 to index
    %get3A_243 = arith.constant 0 : index
    %get3A_244 = tpu.vector_load %arg17[%get3A_242, %get3A_243] {strides = array<i32>} : memref<6x16xf32, #tpu.memory_space<vmem>>, vector<16xf32>,
    %get3A_245 = arith.constant 5 : i32
    %get3A_246 = arith.index_cast %get3A_245 : i32 to index
    %get3A_247 = arith.constant 0 : index
    %get3A_248 = tpu.vector_load %arg17[%get3A_246, %get3A_247] {strides = array<i32>} : memref<6x16xf32, #tpu.memory_space<vmem>>, vector<16xf32>,
    %and3A = arith.constant 1 : i32
    %and3A_249 = vector.broadcast %and3A : i32 to vector<16xi32>
    %and3A_250 = arith.andi %iota3A, %and3A_249 : vector<16xi32>
    %get3A_251 = arith.constant 0 : index
    %get3A_252 = tpu.vector_load %arg15[%get3A_251] {strides = array<i32>} : memref<1024xf32, #tpu.memory_space<vmem>>, vector<16xf32>,
    %sub3A = arith.subf %get3A_252, %get3A_244 : vector<16xf32>
    %div3A = arith.divf %sub3A, %get3A_248 : vector<16xf32>
    %add3A_253 = arith.constant 0 : i32
    %add3A_254 = vector.broadcast %add3A_253 : i32 to vector<16xi32>
    %add3A_255 = arith.addi %iota3A, %add3A_254 : vector<16xi32>
    %shift_right_arithmetic3A = arith.constant 1 : i32
    %shift_right_arithmetic3A_256 = vector.broadcast %shift_right_arithmetic3A : i32 to vector<16xi32>
    %shift_right_arithmetic3A_257 = arith.shrsi %add3A_255, %shift_right_arithmetic3A_256 : vector<16xi32>
    tpu.vector_store_idx %arg18[%shift_right_arithmetic3A_257, %and3A_250], %div3A : memref<512x2xf32, #tpu.memory_space<vmem>>[vector<16xi32>, vector<16xi32>], vector<16xf32>,
    %get3A_258 = arith.constant 16 : index
    %get3A_259 = tpu.vector_load %arg15[%get3A_258] {strides = array<i32>} : memref<1024xf32, #tpu.memory_space<vmem>>, vector<16xf32>,
    %sub3A_260 = arith.subf %get3A_259, %get3A_244 : vector<16xf32>
    %div3A_261 = arith.divf %sub3A_260, %get3A_248 : vector<16xf32>
    %add3A_262 = arith.constant 16 : i32
    %add3A_263 = vector.broadcast %add3A_262 : i32 to vector<16xi32>
    %add3A_264 = arith.addi %iota3A, %add3A_263 : vector<16xi32>
    %shift_right_arithmetic3A_265 = arith.constant 1 : i32
    %shift_right_arithmetic3A_266 = vector.broadcast %shift_right_arithmetic3A_265 : i32 to vector<16xi32>
    %shift_right_arithmetic3A_267 = arith.shrsi %add3A_264, %shift_right_arithmetic3A_266 : vector<16xi32>
    tpu.vector_store_idx %arg18[%shift_right_arithmetic3A_267, %and3A_250], %div3A_261 : memref<512x2xf32, #tpu.memory_space<vmem>>[vector<16xi32>, vector<16xi32>], vector<16xf32>,
    %get3A_268 = arith.constant 32 : index
    %get3A_269 = tpu.vector_load %arg15[%get3A_268] {strides = array<i32>} : memref<1024xf32, #tpu.memory_space<vmem>>, vector<16xf32>,
    %sub3A_270 = arith.subf %get3A_269, %get3A_244 : vector<16xf32>
    %div3A_271 = arith.divf %sub3A_270, %get3A_248 : vector<16xf32>
    %add3A_272 = arith.constant 32 : i32
    %add3A_273 = vector.broadcast %add3A_272 : i32 to vector<16xi32>
    %add3A_274 = arith.addi %iota3A, %add3A_273 : vector<16xi32>
    %shift_right_arithmetic3A_275 = arith.constant 1 : i32
    %shift_right_arithmetic3A_276 = vector.broadcast %shift_right_arithmetic3A_275 : i32 to vector<16xi32>
    %shift_right_arithmetic3A_277 = arith.shrsi %add3A_274, %shift_right_arithmetic3A_276 : vector<16xi32>
    tpu.vector_store_idx %arg18[%shift_right_arithmetic3A_277, %and3A_250], %div3A_271 : memref<512x2xf32, #tpu.memory_space<vmem>>[vector<16xi32>, vector<16xi32>], vector<16xf32>,
    %get3A_278 = arith.constant 48 : index
    %get3A_279 = tpu.vector_load %arg15[%get3A_278] {strides = array<i32>} : memref<1024xf32, #tpu.memory_space<vmem>>, vector<16xf32>,
    %sub3A_280 = arith.subf %get3A_279, %get3A_244 : vector<16xf32>
    %div3A_281 = arith.divf %sub3A_280, %get3A_248 : vector<16xf32>
    %add3A_282 = arith.constant 48 : i32
    %add3A_283 = vector.broadcast %add3A_282 : i32 to vector<16xi32>
    %add3A_284 = arith.addi %iota3A, %add3A_283 : vector<16xi32>
    %shift_right_arithmetic3A_285 = arith.constant 1 : i32
    %shift_right_arithmetic3A_286 = vector.broadcast %shift_right_arithmetic3A_285 : i32 to vector<16xi32>
    %shift_right_arithmetic3A_287 = arith.shrsi %add3A_284, %shift_right_arithmetic3A_286 : vector<16xi32>
    tpu.vector_store_idx %arg18[%shift_right_arithmetic3A_287, %and3A_250], %div3A_281 : memref<512x2xf32, #tpu.memory_space<vmem>>[vector<16xi32>, vector<16xi32>], vector<16xf32>,
    %get3A_288 = arith.constant 64 : index
    %get3A_289 = tpu.vector_load %arg15[%get3A_288] {strides = array<i32>} : memref<1024xf32, #tpu.memory_space<vmem>>, vector<16xf32>,
    %sub3A_290 = arith.subf %get3A_289, %get3A_244 : vector<16xf32>
    %div3A_291 = arith.divf %sub3A_290, %get3A_248 : vector<16xf32>
    %add3A_292 = arith.constant 64 : i32
    %add3A_293 = vector.broadcast %add3A_292 : i32 to vector<16xi32>
    %add3A_294 = arith.addi %iota3A, %add3A_293 : vector<16xi32>
    %shift_right_arithmetic3A_295 = arith.constant 1 : i32
    %shift_right_arithmetic3A_296 = vector.broadcast %shift_right_arithmetic3A_295 : i32 to vector<16xi32>
    %shift_right_arithmetic3A_297 = arith.shrsi %add3A_294, %shift_right_arithmetic3A_296 : vector<16xi32>
    tpu.vector_store_idx %arg18[%shift_right_arithmetic3A_297, %and3A_250], %div3A_291 : memref<512x2xf32, #tpu.memory_space<vmem>>[vector<16xi32>, vector<16xi32>], vector<16xf32>,
    %get3A_298 = arith.constant 80 : index
    %get3A_299 = tpu.vector_load %arg15[%get3A_298] {strides = array<i32>} : memref<1024xf32, #tpu.memory_space<vmem>>, vector<16xf32>,
    %sub3A_300 = arith.subf %get3A_299, %get3A_244 : vector<16xf32>
    %div3A_301 = arith.divf %sub3A_300, %get3A_248 : vector<16xf32>
    %add3A_302 = arith.constant 80 : i32
    %add3A_303 = vector.broadcast %add3A_302 : i32 to vector<16xi32>
    %add3A_304 = arith.addi %iota3A, %add3A_303 : vector<16xi32>
    %shift_right_arithmetic3A_305 = arith.constant 1 : i32
    %shift_right_arithmetic3A_306 = vector.broadcast %shift_right_arithmetic3A_305 : i32 to vector<16xi32>
    %shift_right_arithmetic3A_307 = arith.shrsi %add3A_304, %shift_right_arithmetic3A_306 : vector<16xi32>
    tpu.vector_store_idx %arg18[%shift_right_arithmetic3A_307, %and3A_250], %div3A_301 : memref<512x2xf32, #tpu.memory_space<vmem>>[vector<16xi32>, vector<16xi32>], vector<16xf32>,
    %get3A_308 = arith.constant 96 : index
    %get3A_309 = tpu.vector_load %arg15[%get3A_308] {strides = array<i32>} : memref<1024xf32, #tpu.memory_space<vmem>>, vector<16xf32>,
    %sub3A_310 = arith.subf %get3A_309, %get3A_244 : vector<16xf32>
    %div3A_311 = arith.divf %sub3A_310, %get3A_248 : vector<16xf32>
    %add3A_312 = arith.constant 96 : i32
    %add3A_313 = vector.broadcast %add3A_312 : i32 to vector<16xi32>
    %add3A_314 = arith.addi %iota3A, %add3A_313 : vector<16xi32>
    %shift_right_arithmetic3A_315 = arith.constant 1 : i32
    %shift_right_arithmetic3A_316 = vector.broadcast %shift_right_arithmetic3A_315 : i32 to vector<16xi32>
    %shift_right_arithmetic3A_317 = arith.shrsi %add3A_314, %shift_right_arithmetic3A_316 : vector<16xi32>
    tpu.vector_store_idx %arg18[%shift_right_arithmetic3A_317, %and3A_250], %div3A_311 : memref<512x2xf32, #tpu.memory_space<vmem>>[vector<16xi32>, vector<16xi32>], vector<16xf32>,
    %get3A_318 = arith.constant 112 : index
    %get3A_319 = tpu.vector_load %arg15[%get3A_318] {strides = array<i32>} : memref<1024xf32, #tpu.memory_space<vmem>>, vector<16xf32>,
    %sub3A_320 = arith.subf %get3A_319, %get3A_244 : vector<16xf32>
    %div3A_321 = arith.divf %sub3A_320, %get3A_248 : vector<16xf32>
    %add3A_322 = arith.constant 112 : i32
    %add3A_323 = vector.broadcast %add3A_322 : i32 to vector<16xi32>
    %add3A_324 = arith.addi %iota3A, %add3A_323 : vector<16xi32>
    %shift_right_arithmetic3A_325 = arith.constant 1 : i32
    %shift_right_arithmetic3A_326 = vector.broadcast %shift_right_arithmetic3A_325 : i32 to vector<16xi32>
    %shift_right_arithmetic3A_327 = arith.shrsi %add3A_324, %shift_right_arithmetic3A_326 : vector<16xi32>
    tpu.vector_store_idx %arg18[%shift_right_arithmetic3A_327, %and3A_250], %div3A_321 : memref<512x2xf32, #tpu.memory_space<vmem>>[vector<16xi32>, vector<16xi32>], vector<16xf32>,
    %get3A_328 = arith.constant 128 : index
    %get3A_329 = tpu.vector_load %arg15[%get3A_328] {strides = array<i32>} : memref<1024xf32, #tpu.memory_space<vmem>>, vector<16xf32>,
    %sub3A_330 = arith.subf %get3A_329, %get3A_244 : vector<16xf32>
    %div3A_331 = arith.divf %sub3A_330, %get3A_248 : vector<16xf32>
    %add3A_332 = arith.constant 128 : i32
    %add3A_333 = vector.broadcast %add3A_332 : i32 to vector<16xi32>
    %add3A_334 = arith.addi %iota3A, %add3A_333 : vector<16xi32>
    %shift_right_arithmetic3A_335 = arith.constant 1 : i32
    %shift_right_arithmetic3A_336 = vector.broadcast %shift_right_arithmetic3A_335 : i32 to vector<16xi32>
    %shift_right_arithmetic3A_337 = arith.shrsi %add3A_334, %shift_right_arithmetic3A_336 : vector<16xi32>
    tpu.vector_store_idx %arg18[%shift_right_arithmetic3A_337, %and3A_250], %div3A_331 : memref<512x2xf32, #tpu.memory_space<vmem>>[vector<16xi32>, vector<16xi32>], vector<16xf32>,
    %get3A_338 = arith.constant 144 : index
    %get3A_339 = tpu.vector_load %arg15[%get3A_338] {strides = array<i32>} : memref<1024xf32, #tpu.memory_space<vmem>>, vector<16xf32>,
    %sub3A_340 = arith.subf %get3A_339, %get3A_244 : vector<16xf32>
    %div3A_341 = arith.divf %sub3A_340, %get3A_248 : vector<16xf32>
    %add3A_342 = arith.constant 144 : i32
    %add3A_343 = vector.broadcast %add3A_342 : i32 to vector<16xi32>
    %add3A_344 = arith.addi %iota3A, %add3A_343 : vector<16xi32>
    %shift_right_arithmetic3A_345 = arith.constant 1 : i32
    %shift_right_arithmetic3A_346 = vector.broadcast %shift_right_arithmetic3A_345 : i32 to vector<16xi32>
    %shift_right_arithmetic3A_347 = arith.shrsi %add3A_344, %shift_right_arithmetic3A_346 : vector<16xi32>
    tpu.vector_store_idx %arg18[%shift_right_arithmetic3A_347, %and3A_250], %div3A_341 : memref<512x2xf32, #tpu.memory_space<vmem>>[vector<16xi32>, vector<16xi32>], vector<16xf32>,
    %get3A_348 = arith.constant 160 : index
    %get3A_349 = tpu.vector_load %arg15[%get3A_348] {strides = array<i32>} : memref<1024xf32, #tpu.memory_space<vmem>>, vector<16xf32>,
    %sub3A_350 = arith.subf %get3A_349, %get3A_244 : vector<16xf32>
    %div3A_351 = arith.divf %sub3A_350, %get3A_248 : vector<16xf32>
    %add3A_352 = arith.constant 160 : i32
    %add3A_353 = vector.broadcast %add3A_352 : i32 to vector<16xi32>
    %add3A_354 = arith.addi %iota3A, %add3A_353 : vector<16xi32>
    %shift_right_arithmetic3A_355 = arith.constant 1 : i32
    %shift_right_arithmetic3A_356 = vector.broadcast %shift_right_arithmetic3A_355 : i32 to vector<16xi32>
    %shift_right_arithmetic3A_357 = arith.shrsi %add3A_354, %shift_right_arithmetic3A_356 : vector<16xi32>
    tpu.vector_store_idx %arg18[%shift_right_arithmetic3A_357, %and3A_250], %div3A_351 : memref<512x2xf32, #tpu.memory_space<vmem>>[vector<16xi32>, vector<16xi32>], vector<16xf32>,
    %get3A_358 = arith.constant 176 : index
    %get3A_359 = tpu.vector_load %arg15[%get3A_358] {strides = array<i32>} : memref<1024xf32, #tpu.memory_space<vmem>>, vector<16xf32>,
    %sub3A_360 = arith.subf %get3A_359, %get3A_244 : vector<16xf32>
    %div3A_361 = arith.divf %sub3A_360, %get3A_248 : vector<16xf32>
    %add3A_362 = arith.constant 176 : i32
    %add3A_363 = vector.broadcast %add3A_362 : i32 to vector<16xi32>
    %add3A_364 = arith.addi %iota3A, %add3A_363 : vector<16xi32>
    %shift_right_arithmetic3A_365 = arith.constant 1 : i32
    %shift_right_arithmetic3A_366 = vector.broadcast %shift_right_arithmetic3A_365 : i32 to vector<16xi32>
    %shift_right_arithmetic3A_367 = arith.shrsi %add3A_364, %shift_right_arithmetic3A_366 : vector<16xi32>
    tpu.vector_store_idx %arg18[%shift_right_arithmetic3A_367, %and3A_250], %div3A_361 : memref<512x2xf32, #tpu.memory_space<vmem>>[vector<16xi32>, vector<16xi32>], vector<16xf32>,
    %get3A_368 = arith.constant 192 : index
    %get3A_369 = tpu.vector_load %arg15[%get3A_368] {strides = array<i32>} : memref<1024xf32, #tpu.memory_space<vmem>>, vector<16xf32>,
    %sub3A_370 = arith.subf %get3A_369, %get3A_244 : vector<16xf32>
    %div3A_371 = arith.divf %sub3A_370, %get3A_248 : vector<16xf32>
    %add3A_372 = arith.constant 192 : i32
    %add3A_373 = vector.broadcast %add3A_372 : i32 to vector<16xi32>
    %add3A_374 = arith.addi %iota3A, %add3A_373 : vector<16xi32>
    %shift_right_arithmetic3A_375 = arith.constant 1 : i32
    %shift_right_arithmetic3A_376 = vector.broadcast %shift_right_arithmetic3A_375 : i32 to vector<16xi32>
    %shift_right_arithmetic3A_377 = arith.shrsi %add3A_374, %shift_right_arithmetic3A_376 : vector<16xi32>
    tpu.vector_store_idx %arg18[%shift_right_arithmetic3A_377, %and3A_250], %div3A_371 : memref<512x2xf32, #tpu.memory_space<vmem>>[vector<16xi32>, vector<16xi32>], vector<16xf32>,
    %get3A_378 = arith.constant 208 : index
    %get3A_379 = tpu.vector_load %arg15[%get3A_378] {strides = array<i32>} : memref<1024xf32, #tpu.memory_space<vmem>>, vector<16xf32>,
    %sub3A_380 = arith.subf %get3A_379, %get3A_244 : vector<16xf32>
    %div3A_381 = arith.divf %sub3A_380, %get3A_248 : vector<16xf32>
    %add3A_382 = arith.constant 208 : i32
    %add3A_383 = vector.broadcast %add3A_382 : i32 to vector<16xi32>
    %add3A_384 = arith.addi %iota3A, %add3A_383 : vector<16xi32>
    %shift_right_arithmetic3A_385 = arith.constant 1 : i32
    %shift_right_arithmetic3A_386 = vector.broadcast %shift_right_arithmetic3A_385 : i32 to vector<16xi32>
    %shift_right_arithmetic3A_387 = arith.shrsi %add3A_384, %shift_right_arithmetic3A_386 : vector<16xi32>
    tpu.vector_store_idx %arg18[%shift_right_arithmetic3A_387, %and3A_250], %div3A_381 : memref<512x2xf32, #tpu.memory_space<vmem>>[vector<16xi32>, vector<16xi32>], vector<16xf32>,
    %get3A_388 = arith.constant 224 : index
    %get3A_389 = tpu.vector_load %arg15[%get3A_388] {strides = array<i32>} : memref<1024xf32, #tpu.memory_space<vmem>>, vector<16xf32>,
    %sub3A_390 = arith.subf %get3A_389, %get3A_244 : vector<16xf32>
    %div3A_391 = arith.divf %sub3A_390, %get3A_248 : vector<16xf32>
    %add3A_392 = arith.constant 224 : i32
    %add3A_393 = vector.broadcast %add3A_392 : i32 to vector<16xi32>
    %add3A_394 = arith.addi %iota3A, %add3A_393 : vector<16xi32>
    %shift_right_arithmetic3A_395 = arith.constant 1 : i32
    %shift_right_arithmetic3A_396 = vector.broadcast %shift_right_arithmetic3A_395 : i32 to vector<16xi32>
    %shift_right_arithmetic3A_397 = arith.shrsi %add3A_394, %shift_right_arithmetic3A_396 : vector<16xi32>
    tpu.vector_store_idx %arg18[%shift_right_arithmetic3A_397, %and3A_250], %div3A_391 : memref<512x2xf32, #tpu.memory_space<vmem>>[vector<16xi32>, vector<16xi32>], vector<16xf32>,
    %get3A_398 = arith.constant 240 : index
    %get3A_399 = tpu.vector_load %arg15[%get3A_398] {strides = array<i32>} : memref<1024xf32, #tpu.memory_space<vmem>>, vector<16xf32>,
    %sub3A_400 = arith.subf %get3A_399, %get3A_244 : vector<16xf32>
    %div3A_401 = arith.divf %sub3A_400, %get3A_248 : vector<16xf32>
    %add3A_402 = arith.constant 240 : i32
    %add3A_403 = vector.broadcast %add3A_402 : i32 to vector<16xi32>
    %add3A_404 = arith.addi %iota3A, %add3A_403 : vector<16xi32>
    %shift_right_arithmetic3A_405 = arith.constant 1 : i32
    %shift_right_arithmetic3A_406 = vector.broadcast %shift_right_arithmetic3A_405 : i32 to vector<16xi32>
    %shift_right_arithmetic3A_407 = arith.shrsi %add3A_404, %shift_right_arithmetic3A_406 : vector<16xi32>
    tpu.vector_store_idx %arg18[%shift_right_arithmetic3A_407, %and3A_250], %div3A_401 : memref<512x2xf32, #tpu.memory_space<vmem>>[vector<16xi32>, vector<16xi32>], vector<16xf32>,
    %get3A_408 = arith.constant 256 : index
    %get3A_409 = tpu.vector_load %arg15[%get3A_408] {strides = array<i32>} : memref<1024xf32, #tpu.memory_space<vmem>>, vector<16xf32>,
    %sub3A_410 = arith.subf %get3A_409, %get3A_244 : vector<16xf32>
    %div3A_411 = arith.divf %sub3A_410, %get3A_248 : vector<16xf32>
    %add3A_412 = arith.constant 256 : i32
    %add3A_413 = vector.broadcast %add3A_412 : i32 to vector<16xi32>
    %add3A_414 = arith.addi %iota3A, %add3A_413 : vector<16xi32>
    %shift_right_arithmetic3A_415 = arith.constant 1 : i32
    %shift_right_arithmetic3A_416 = vector.broadcast %shift_right_arithmetic3A_415 : i32 to vector<16xi32>
    %shift_right_arithmetic3A_417 = arith.shrsi %add3A_414, %shift_right_arithmetic3A_416 : vector<16xi32>
    tpu.vector_store_idx %arg18[%shift_right_arithmetic3A_417, %and3A_250], %div3A_411 : memref<512x2xf32, #tpu.memory_space<vmem>>[vector<16xi32>, vector<16xi32>], vector<16xf32>,
    %get3A_418 = arith.constant 272 : index
    %get3A_419 = tpu.vector_load %arg15[%get3A_418] {strides = array<i32>} : memref<1024xf32, #tpu.memory_space<vmem>>, vector<16xf32>,
    %sub3A_420 = arith.subf %get3A_419, %get3A_244 : vector<16xf32>
    %div3A_421 = arith.divf %sub3A_420, %get3A_248 : vector<16xf32>
    %add3A_422 = arith.constant 272 : i32
    %add3A_423 = vector.broadcast %add3A_422 : i32 to vector<16xi32>
    %add3A_424 = arith.addi %iota3A, %add3A_423 : vector<16xi32>
    %shift_right_arithmetic3A_425 = arith.constant 1 : i32
    %shift_right_arithmetic3A_426 = vector.broadcast %shift_right_arithmetic3A_425 : i32 to vector<16xi32>
    %shift_right_arithmetic3A_427 = arith.shrsi %add3A_424, %shift_right_arithmetic3A_426 : vector<16xi32>
    tpu.vector_store_idx %arg18[%shift_right_arithmetic3A_427, %and3A_250], %div3A_421 : memref<512x2xf32, #tpu.memory_space<vmem>>[vector<16xi32>, vector<16xi32>], vector<16xf32>,
    %get3A_428 = arith.constant 288 : index
    %get3A_429 = tpu.vector_load %arg15[%get3A_428] {strides = array<i32>} : memref<1024xf32, #tpu.memory_space<vmem>>, vector<16xf32>,
    %sub3A_430 = arith.subf %get3A_429, %get3A_244 : vector<16xf32>
    %div3A_431 = arith.divf %sub3A_430, %get3A_248 : vector<16xf32>
    %add3A_432 = arith.constant 288 : i32
    %add3A_433 = vector.broadcast %add3A_432 : i32 to vector<16xi32>
    %add3A_434 = arith.addi %iota3A, %add3A_433 : vector<16xi32>
    %shift_right_arithmetic3A_435 = arith.constant 1 : i32
    %shift_right_arithmetic3A_436 = vector.broadcast %shift_right_arithmetic3A_435 : i32 to vector<16xi32>
    %shift_right_arithmetic3A_437 = arith.shrsi %add3A_434, %shift_right_arithmetic3A_436 : vector<16xi32>
    tpu.vector_store_idx %arg18[%shift_right_arithmetic3A_437, %and3A_250], %div3A_431 : memref<512x2xf32, #tpu.memory_space<vmem>>[vector<16xi32>, vector<16xi32>], vector<16xf32>,
    %get3A_438 = arith.constant 304 : index
    %get3A_439 = tpu.vector_load %arg15[%get3A_438] {strides = array<i32>} : memref<1024xf32, #tpu.memory_space<vmem>>, vector<16xf32>,
    %sub3A_440 = arith.subf %get3A_439, %get3A_244 : vector<16xf32>
    %div3A_441 = arith.divf %sub3A_440, %get3A_248 : vector<16xf32>
    %add3A_442 = arith.constant 304 : i32
    %add3A_443 = vector.broadcast %add3A_442 : i32 to vector<16xi32>
    %add3A_444 = arith.addi %iota3A, %add3A_443 : vector<16xi32>
    %shift_right_arithmetic3A_445 = arith.constant 1 : i32
    %shift_right_arithmetic3A_446 = vector.broadcast %shift_right_arithmetic3A_445 : i32 to vector<16xi32>
    %shift_right_arithmetic3A_447 = arith.shrsi %add3A_444, %shift_right_arithmetic3A_446 : vector<16xi32>
    tpu.vector_store_idx %arg18[%shift_right_arithmetic3A_447, %and3A_250], %div3A_441 : memref<512x2xf32, #tpu.memory_space<vmem>>[vector<16xi32>, vector<16xi32>], vector<16xf32>,
    %get3A_448 = arith.constant 320 : index
    %get3A_449 = tpu.vector_load %arg15[%get3A_448] {strides = array<i32>} : memref<1024xf32, #tpu.memory_space<vmem>>, vector<16xf32>,
    %sub3A_450 = arith.subf %get3A_449, %get3A_244 : vector<16xf32>
    %div3A_451 = arith.divf %sub3A_450, %get3A_248 : vector<16xf32>
    %add3A_452 = arith.constant 320 : i32
    %add3A_453 = vector.broadcast %add3A_452 : i32 to vector<16xi32>
    %add3A_454 = arith.addi %iota3A, %add3A_453 : vector<16xi32>
    %shift_right_arithmetic3A_455 = arith.constant 1 : i32
    %shift_right_arithmetic3A_456 = vector.broadcast %shift_right_arithmetic3A_455 : i32 to vector<16xi32>
    %shift_right_arithmetic3A_457 = arith.shrsi %add3A_454, %shift_right_arithmetic3A_456 : vector<16xi32>
    tpu.vector_store_idx %arg18[%shift_right_arithmetic3A_457, %and3A_250], %div3A_451 : memref<512x2xf32, #tpu.memory_space<vmem>>[vector<16xi32>, vector<16xi32>], vector<16xf32>,
    %get3A_458 = arith.constant 336 : index
    %get3A_459 = tpu.vector_load %arg15[%get3A_458] {strides = array<i32>} : memref<1024xf32, #tpu.memory_space<vmem>>, vector<16xf32>,
    %sub3A_460 = arith.subf %get3A_459, %get3A_244 : vector<16xf32>
    %div3A_461 = arith.divf %sub3A_460, %get3A_248 : vector<16xf32>
    %add3A_462 = arith.constant 336 : i32
    %add3A_463 = vector.broadcast %add3A_462 : i32 to vector<16xi32>
    %add3A_464 = arith.addi %iota3A, %add3A_463 : vector<16xi32>
    %shift_right_arithmetic3A_465 = arith.constant 1 : i32
    %shift_right_arithmetic3A_466 = vector.broadcast %shift_right_arithmetic3A_465 : i32 to vector<16xi32>
    %shift_right_arithmetic3A_467 = arith.shrsi %add3A_464, %shift_right_arithmetic3A_466 : vector<16xi32>
    tpu.vector_store_idx %arg18[%shift_right_arithmetic3A_467, %and3A_250], %div3A_461 : memref<512x2xf32, #tpu.memory_space<vmem>>[vector<16xi32>, vector<16xi32>], vector<16xf32>,
    %get3A_468 = arith.constant 352 : index
    %get3A_469 = tpu.vector_load %arg15[%get3A_468] {strides = array<i32>} : memref<1024xf32, #tpu.memory_space<vmem>>, vector<16xf32>,
    %sub3A_470 = arith.subf %get3A_469, %get3A_244 : vector<16xf32>
    %div3A_471 = arith.divf %sub3A_470, %get3A_248 : vector<16xf32>
    %add3A_472 = arith.constant 352 : i32
    %add3A_473 = vector.broadcast %add3A_472 : i32 to vector<16xi32>
    %add3A_474 = arith.addi %iota3A, %add3A_473 : vector<16xi32>
    %shift_right_arithmetic3A_475 = arith.constant 1 : i32
    %shift_right_arithmetic3A_476 = vector.broadcast %shift_right_arithmetic3A_475 : i32 to vector<16xi32>
    %shift_right_arithmetic3A_477 = arith.shrsi %add3A_474, %shift_right_arithmetic3A_476 : vector<16xi32>
    tpu.vector_store_idx %arg18[%shift_right_arithmetic3A_477, %and3A_250], %div3A_471 : memref<512x2xf32, #tpu.memory_space<vmem>>[vector<16xi32>, vector<16xi32>], vector<16xf32>,
    %get3A_478 = arith.constant 368 : index
    %get3A_479 = tpu.vector_load %arg15[%get3A_478] {strides = array<i32>} : memref<1024xf32, #tpu.memory_space<vmem>>, vector<16xf32>,
    %sub3A_480 = arith.subf %get3A_479, %get3A_244 : vector<16xf32>
    %div3A_481 = arith.divf %sub3A_480, %get3A_248 : vector<16xf32>
    %add3A_482 = arith.constant 368 : i32
    %add3A_483 = vector.broadcast %add3A_482 : i32 to vector<16xi32>
    %add3A_484 = arith.addi %iota3A, %add3A_483 : vector<16xi32>
    %shift_right_arithmetic3A_485 = arith.constant 1 : i32
    %shift_right_arithmetic3A_486 = vector.broadcast %shift_right_arithmetic3A_485 : i32 to vector<16xi32>
    %shift_right_arithmetic3A_487 = arith.shrsi %add3A_484, %shift_right_arithmetic3A_486 : vector<16xi32>
    tpu.vector_store_idx %arg18[%shift_right_arithmetic3A_487, %and3A_250], %div3A_481 : memref<512x2xf32, #tpu.memory_space<vmem>>[vector<16xi32>, vector<16xi32>], vector<16xf32>,
    %get3A_488 = arith.constant 384 : index
    %get3A_489 = tpu.vector_load %arg15[%get3A_488] {strides = array<i32>} : memref<1024xf32, #tpu.memory_space<vmem>>, vector<16xf32>,
    %sub3A_490 = arith.subf %get3A_489, %get3A_244 : vector<16xf32>
    %div3A_491 = arith.divf %sub3A_490, %get3A_248 : vector<16xf32>
    %add3A_492 = arith.constant 384 : i32
    %add3A_493 = vector.broadcast %add3A_492 : i32 to vector<16xi32>
    %add3A_494 = arith.addi %iota3A, %add3A_493 : vector<16xi32>
    %shift_right_arithmetic3A_495 = arith.constant 1 : i32
    %shift_right_arithmetic3A_496 = vector.broadcast %shift_right_arithmetic3A_495 : i32 to vector<16xi32>
    %shift_right_arithmetic3A_497 = arith.shrsi %add3A_494, %shift_right_arithmetic3A_496 : vector<16xi32>
    tpu.vector_store_idx %arg18[%shift_right_arithmetic3A_497, %and3A_250], %div3A_491 : memref<512x2xf32, #tpu.memory_space<vmem>>[vector<16xi32>, vector<16xi32>], vector<16xf32>,
    %get3A_498 = arith.constant 400 : index
    %get3A_499 = tpu.vector_load %arg15[%get3A_498] {strides = array<i32>} : memref<1024xf32, #tpu.memory_space<vmem>>, vector<16xf32>,
    %sub3A_500 = arith.subf %get3A_499, %get3A_244 : vector<16xf32>
    %div3A_501 = arith.divf %sub3A_500, %get3A_248 : vector<16xf32>
    %add3A_502 = arith.constant 400 : i32
    %add3A_503 = vector.broadcast %add3A_502 : i32 to vector<16xi32>
    %add3A_504 = arith.addi %iota3A, %add3A_503 : vector<16xi32>
    %shift_right_arithmetic3A_505 = arith.constant 1 : i32
    %shift_right_arithmetic3A_506 = vector.broadcast %shift_right_arithmetic3A_505 : i32 to vector<16xi32>
    %shift_right_arithmetic3A_507 = arith.shrsi %add3A_504, %shift_right_arithmetic3A_506 : vector<16xi32>
    tpu.vector_store_idx %arg18[%shift_right_arithmetic3A_507, %and3A_250], %div3A_501 : memref<512x2xf32, #tpu.memory_space<vmem>>[vector<16xi32>, vector<16xi32>], vector<16xf32>,
    %get3A_508 = arith.constant 416 : index
    %get3A_509 = tpu.vector_load %arg15[%get3A_508] {strides = array<i32>} : memref<1024xf32, #tpu.memory_space<vmem>>, vector<16xf32>,
    %sub3A_510 = arith.subf %get3A_509, %get3A_244 : vector<16xf32>
    %div3A_511 = arith.divf %sub3A_510, %get3A_248 : vector<16xf32>
    %add3A_512 = arith.constant 416 : i32
    %add3A_513 = vector.broadcast %add3A_512 : i32 to vector<16xi32>
    %add3A_514 = arith.addi %iota3A, %add3A_513 : vector<16xi32>
    %shift_right_arithmetic3A_515 = arith.constant 1 : i32
    %shift_right_arithmetic3A_516 = vector.broadcast %shift_right_arithmetic3A_515 : i32 to vector<16xi32>
    %shift_right_arithmetic3A_517 = arith.shrsi %add3A_514, %shift_right_arithmetic3A_516 : vector<16xi32>
    tpu.vector_store_idx %arg18[%shift_right_arithmetic3A_517, %and3A_250], %div3A_511 : memref<512x2xf32, #tpu.memory_space<vmem>>[vector<16xi32>, vector<16xi32>], vector<16xf32>,
    %get3A_518 = arith.constant 432 : index
    %get3A_519 = tpu.vector_load %arg15[%get3A_518] {strides = array<i32>} : memref<1024xf32, #tpu.memory_space<vmem>>, vector<16xf32>,
    %sub3A_520 = arith.subf %get3A_519, %get3A_244 : vector<16xf32>
    %div3A_521 = arith.divf %sub3A_520, %get3A_248 : vector<16xf32>
    %add3A_522 = arith.constant 432 : i32
    %add3A_523 = vector.broadcast %add3A_522 : i32 to vector<16xi32>
    %add3A_524 = arith.addi %iota3A, %add3A_523 : vector<16xi32>
    %shift_right_arithmetic3A_525 = arith.constant 1 : i32
    %shift_right_arithmetic3A_526 = vector.broadcast %shift_right_arithmetic3A_525 : i32 to vector<16xi32>
    %shift_right_arithmetic3A_527 = arith.shrsi %add3A_524, %shift_right_arithmetic3A_526 : vector<16xi32>
    tpu.vector_store_idx %arg18[%shift_right_arithmetic3A_527, %and3A_250], %div3A_521 : memref<512x2xf32, #tpu.memory_space<vmem>>[vector<16xi32>, vector<16xi32>], vector<16xf32>,
    %get3A_528 = arith.constant 448 : index
    %get3A_529 = tpu.vector_load %arg15[%get3A_528] {strides = array<i32>} : memref<1024xf32, #tpu.memory_space<vmem>>, vector<16xf32>,
    %sub3A_530 = arith.subf %get3A_529, %get3A_244 : vector<16xf32>
    %div3A_531 = arith.divf %sub3A_530, %get3A_248 : vector<16xf32>
    %add3A_532 = arith.constant 448 : i32
    %add3A_533 = vector.broadcast %add3A_532 : i32 to vector<16xi32>
    %add3A_534 = arith.addi %iota3A, %add3A_533 : vector<16xi32>
    %shift_right_arithmetic3A_535 = arith.constant 1 : i32
    %shift_right_arithmetic3A_536 = vector.broadcast %shift_right_arithmetic3A_535 : i32 to vector<16xi32>
    %shift_right_arithmetic3A_537 = arith.shrsi %add3A_534, %shift_right_arithmetic3A_536 : vector<16xi32>
    tpu.vector_store_idx %arg18[%shift_right_arithmetic3A_537, %and3A_250], %div3A_531 : memref<512x2xf32, #tpu.memory_space<vmem>>[vector<16xi32>, vector<16xi32>], vector<16xf32>,
    %get3A_538 = arith.constant 464 : index
    %get3A_539 = tpu.vector_load %arg15[%get3A_538] {strides = array<i32>} : memref<1024xf32, #tpu.memory_space<vmem>>, vector<16xf32>,
    %sub3A_540 = arith.subf %get3A_539, %get3A_244 : vector<16xf32>
    %div3A_541 = arith.divf %sub3A_540, %get3A_248 : vector<16xf32>
    %add3A_542 = arith.constant 464 : i32
    %add3A_543 = vector.broadcast %add3A_542 : i32 to vector<16xi32>
    %add3A_544 = arith.addi %iota3A, %add3A_543 : vector<16xi32>
    %shift_right_arithmetic3A_545 = arith.constant 1 : i32
    %shift_right_arithmetic3A_546 = vector.broadcast %shift_right_arithmetic3A_545 : i32 to vector<16xi32>
    %shift_right_arithmetic3A_547 = arith.shrsi %add3A_544, %shift_right_arithmetic3A_546 : vector<16xi32>
    tpu.vector_store_idx %arg18[%shift_right_arithmetic3A_547, %and3A_250], %div3A_541 : memref<512x2xf32, #tpu.memory_space<vmem>>[vector<16xi32>, vector<16xi32>], vector<16xf32>,
    %get3A_548 = arith.constant 480 : index
    %get3A_549 = tpu.vector_load %arg15[%get3A_548] {strides = array<i32>} : memref<1024xf32, #tpu.memory_space<vmem>>, vector<16xf32>,
    %sub3A_550 = arith.subf %get3A_549, %get3A_244 : vector<16xf32>
    %div3A_551 = arith.divf %sub3A_550, %get3A_248 : vector<16xf32>
    %add3A_552 = arith.constant 480 : i32
    %add3A_553 = vector.broadcast %add3A_552 : i32 to vector<16xi32>
    %add3A_554 = arith.addi %iota3A, %add3A_553 : vector<16xi32>
    %shift_right_arithmetic3A_555 = arith.constant 1 : i32
    %shift_right_arithmetic3A_556 = vector.broadcast %shift_right_arithmetic3A_555 : i32 to vector<16xi32>
    %shift_right_arithmetic3A_557 = arith.shrsi %add3A_554, %shift_right_arithmetic3A_556 : vector<16xi32>
    tpu.vector_store_idx %arg18[%shift_right_arithmetic3A_557, %and3A_250], %div3A_551 : memref<512x2xf32, #tpu.memory_space<vmem>>[vector<16xi32>, vector<16xi32>], vector<16xf32>,
    %get3A_558 = arith.constant 496 : index
    %get3A_559 = tpu.vector_load %arg15[%get3A_558] {strides = array<i32>} : memref<1024xf32, #tpu.memory_space<vmem>>, vector<16xf32>,
    %sub3A_560 = arith.subf %get3A_559, %get3A_244 : vector<16xf32>
    %div3A_561 = arith.divf %sub3A_560, %get3A_248 : vector<16xf32>
    %add3A_562 = arith.constant 496 : i32
    %add3A_563 = vector.broadcast %add3A_562 : i32 to vector<16xi32>
    %add3A_564 = arith.addi %iota3A, %add3A_563 : vector<16xi32>
    %shift_right_arithmetic3A_565 = arith.constant 1 : i32
    %shift_right_arithmetic3A_566 = vector.broadcast %shift_right_arithmetic3A_565 : i32 to vector<16xi32>
    %shift_right_arithmetic3A_567 = arith.shrsi %add3A_564, %shift_right_arithmetic3A_566 : vector<16xi32>
    tpu.vector_store_idx %arg18[%shift_right_arithmetic3A_567, %and3A_250], %div3A_561 : memref<512x2xf32, #tpu.memory_space<vmem>>[vector<16xi32>, vector<16xi32>], vector<16xf32>,
    %get3A_568 = arith.constant 512 : index
    %get3A_569 = tpu.vector_load %arg15[%get3A_568] {strides = array<i32>} : memref<1024xf32, #tpu.memory_space<vmem>>, vector<16xf32>,
    %sub3A_570 = arith.subf %get3A_569, %get3A_244 : vector<16xf32>
    %div3A_571 = arith.divf %sub3A_570, %get3A_248 : vector<16xf32>
    %add3A_572 = arith.constant 512 : i32
    %add3A_573 = vector.broadcast %add3A_572 : i32 to vector<16xi32>
    %add3A_574 = arith.addi %iota3A, %add3A_573 : vector<16xi32>
    %shift_right_arithmetic3A_575 = arith.constant 1 : i32
    %shift_right_arithmetic3A_576 = vector.broadcast %shift_right_arithmetic3A_575 : i32 to vector<16xi32>
    %shift_right_arithmetic3A_577 = arith.shrsi %add3A_574, %shift_right_arithmetic3A_576 : vector<16xi32>
    tpu.vector_store_idx %arg18[%shift_right_arithmetic3A_577, %and3A_250], %div3A_571 : memref<512x2xf32, #tpu.memory_space<vmem>>[vector<16xi32>, vector<16xi32>], vector<16xf32>,
    %get3A_578 = arith.constant 528 : index
    %get3A_579 = tpu.vector_load %arg15[%get3A_578] {strides = array<i32>} : memref<1024xf32, #tpu.memory_space<vmem>>, vector<16xf32>,
    %sub3A_580 = arith.subf %get3A_579, %get3A_244 : vector<16xf32>
    %div3A_581 = arith.divf %sub3A_580, %get3A_248 : vector<16xf32>
    %add3A_582 = arith.constant 528 : i32
    %add3A_583 = vector.broadcast %add3A_582 : i32 to vector<16xi32>
    %add3A_584 = arith.addi %iota3A, %add3A_583 : vector<16xi32>
    %shift_right_arithmetic3A_585 = arith.constant 1 : i32
    %shift_right_arithmetic3A_586 = vector.broadcast %shift_right_arithmetic3A_585 : i32 to vector<16xi32>
    %shift_right_arithmetic3A_587 = arith.shrsi %add3A_584, %shift_right_arithmetic3A_586 : vector<16xi32>
    tpu.vector_store_idx %arg18[%shift_right_arithmetic3A_587, %and3A_250], %div3A_581 : memref<512x2xf32, #tpu.memory_space<vmem>>[vector<16xi32>, vector<16xi32>], vector<16xf32>,
    %get3A_588 = arith.constant 544 : index
    %get3A_589 = tpu.vector_load %arg15[%get3A_588] {strides = array<i32>} : memref<1024xf32, #tpu.memory_space<vmem>>, vector<16xf32>,
    %sub3A_590 = arith.subf %get3A_589, %get3A_244 : vector<16xf32>
    %div3A_591 = arith.divf %sub3A_590, %get3A_248 : vector<16xf32>
    %add3A_592 = arith.constant 544 : i32
    %add3A_593 = vector.broadcast %add3A_592 : i32 to vector<16xi32>
    %add3A_594 = arith.addi %iota3A, %add3A_593 : vector<16xi32>
    %shift_right_arithmetic3A_595 = arith.constant 1 : i32
    %shift_right_arithmetic3A_596 = vector.broadcast %shift_right_arithmetic3A_595 : i32 to vector<16xi32>
    %shift_right_arithmetic3A_597 = arith.shrsi %add3A_594, %shift_right_arithmetic3A_596 : vector<16xi32>
    tpu.vector_store_idx %arg18[%shift_right_arithmetic3A_597, %and3A_250], %div3A_591 : memref<512x2xf32, #tpu.memory_space<vmem>>[vector<16xi32>, vector<16xi32>], vector<16xf32>,
    %get3A_598 = arith.constant 560 : index
    %get3A_599 = tpu.vector_load %arg15[%get3A_598] {strides = array<i32>} : memref<1024xf32, #tpu.memory_space<vmem>>, vector<16xf32>,
    %sub3A_600 = arith.subf %get3A_599, %get3A_244 : vector<16xf32>
    %div3A_601 = arith.divf %sub3A_600, %get3A_248 : vector<16xf32>
    %add3A_602 = arith.constant 560 : i32
    %add3A_603 = vector.broadcast %add3A_602 : i32 to vector<16xi32>
    %add3A_604 = arith.addi %iota3A, %add3A_603 : vector<16xi32>
    %shift_right_arithmetic3A_605 = arith.constant 1 : i32
    %shift_right_arithmetic3A_606 = vector.broadcast %shift_right_arithmetic3A_605 : i32 to vector<16xi32>
    %shift_right_arithmetic3A_607 = arith.shrsi %add3A_604, %shift_right_arithmetic3A_606 : vector<16xi32>
    tpu.vector_store_idx %arg18[%shift_right_arithmetic3A_607, %and3A_250], %div3A_601 : memref<512x2xf32, #tpu.memory_space<vmem>>[vector<16xi32>, vector<16xi32>], vector<16xf32>,
    %get3A_608 = arith.constant 576 : index
    %get3A_609 = tpu.vector_load %arg15[%get3A_608] {strides = array<i32>} : memref<1024xf32, #tpu.memory_space<vmem>>, vector<16xf32>,
    %sub3A_610 = arith.subf %get3A_609, %get3A_244 : vector<16xf32>
    %div3A_611 = arith.divf %sub3A_610, %get3A_248 : vector<16xf32>
    %add3A_612 = arith.constant 576 : i32
    %add3A_613 = vector.broadcast %add3A_612 : i32 to vector<16xi32>
    %add3A_614 = arith.addi %iota3A, %add3A_613 : vector<16xi32>
    %shift_right_arithmetic3A_615 = arith.constant 1 : i32
    %shift_right_arithmetic3A_616 = vector.broadcast %shift_right_arithmetic3A_615 : i32 to vector<16xi32>
    %shift_right_arithmetic3A_617 = arith.shrsi %add3A_614, %shift_right_arithmetic3A_616 : vector<16xi32>
    tpu.vector_store_idx %arg18[%shift_right_arithmetic3A_617, %and3A_250], %div3A_611 : memref<512x2xf32, #tpu.memory_space<vmem>>[vector<16xi32>, vector<16xi32>], vector<16xf32>,
    %get3A_618 = arith.constant 592 : index
    %get3A_619 = tpu.vector_load %arg15[%get3A_618] {strides = array<i32>} : memref<1024xf32, #tpu.memory_space<vmem>>, vector<16xf32>,
    %sub3A_620 = arith.subf %get3A_619, %get3A_244 : vector<16xf32>
    %div3A_621 = arith.divf %sub3A_620, %get3A_248 : vector<16xf32>
    %add3A_622 = arith.constant 592 : i32
    %add3A_623 = vector.broadcast %add3A_622 : i32 to vector<16xi32>
    %add3A_624 = arith.addi %iota3A, %add3A_623 : vector<16xi32>
    %shift_right_arithmetic3A_625 = arith.constant 1 : i32
    %shift_right_arithmetic3A_626 = vector.broadcast %shift_right_arithmetic3A_625 : i32 to vector<16xi32>
    %shift_right_arithmetic3A_627 = arith.shrsi %add3A_624, %shift_right_arithmetic3A_626 : vector<16xi32>
    tpu.vector_store_idx %arg18[%shift_right_arithmetic3A_627, %and3A_250], %div3A_621 : memref<512x2xf32, #tpu.memory_space<vmem>>[vector<16xi32>, vector<16xi32>], vector<16xf32>,
    %get3A_628 = arith.constant 608 : index
    %get3A_629 = tpu.vector_load %arg15[%get3A_628] {strides = array<i32>} : memref<1024xf32, #tpu.memory_space<vmem>>, vector<16xf32>,
    %sub3A_630 = arith.subf %get3A_629, %get3A_244 : vector<16xf32>
    %div3A_631 = arith.divf %sub3A_630, %get3A_248 : vector<16xf32>
    %add3A_632 = arith.constant 608 : i32
    %add3A_633 = vector.broadcast %add3A_632 : i32 to vector<16xi32>
    %add3A_634 = arith.addi %iota3A, %add3A_633 : vector<16xi32>
    %shift_right_arithmetic3A_635 = arith.constant 1 : i32
    %shift_right_arithmetic3A_636 = vector.broadcast %shift_right_arithmetic3A_635 : i32 to vector<16xi32>
    %shift_right_arithmetic3A_637 = arith.shrsi %add3A_634, %shift_right_arithmetic3A_636 : vector<16xi32>
    tpu.vector_store_idx %arg18[%shift_right_arithmetic3A_637, %and3A_250], %div3A_631 : memref<512x2xf32, #tpu.memory_space<vmem>>[vector<16xi32>, vector<16xi32>], vector<16xf32>,
    %get3A_638 = arith.constant 624 : index
    %get3A_639 = tpu.vector_load %arg15[%get3A_638] {strides = array<i32>} : memref<1024xf32, #tpu.memory_space<vmem>>, vector<16xf32>,
    %sub3A_640 = arith.subf %get3A_639, %get3A_244 : vector<16xf32>
    %div3A_641 = arith.divf %sub3A_640, %get3A_248 : vector<16xf32>
    %add3A_642 = arith.constant 624 : i32
    %add3A_643 = vector.broadcast %add3A_642 : i32 to vector<16xi32>
    %add3A_644 = arith.addi %iota3A, %add3A_643 : vector<16xi32>
    %shift_right_arithmetic3A_645 = arith.constant 1 : i32
    %shift_right_arithmetic3A_646 = vector.broadcast %shift_right_arithmetic3A_645 : i32 to vector<16xi32>
    %shift_right_arithmetic3A_647 = arith.shrsi %add3A_644, %shift_right_arithmetic3A_646 : vector<16xi32>
    tpu.vector_store_idx %arg18[%shift_right_arithmetic3A_647, %and3A_250], %div3A_641 : memref<512x2xf32, #tpu.memory_space<vmem>>[vector<16xi32>, vector<16xi32>], vector<16xf32>,
    %get3A_648 = arith.constant 640 : index
    %get3A_649 = tpu.vector_load %arg15[%get3A_648] {strides = array<i32>} : memref<1024xf32, #tpu.memory_space<vmem>>, vector<16xf32>,
    %sub3A_650 = arith.subf %get3A_649, %get3A_244 : vector<16xf32>
    %div3A_651 = arith.divf %sub3A_650, %get3A_248 : vector<16xf32>
    %add3A_652 = arith.constant 640 : i32
    %add3A_653 = vector.broadcast %add3A_652 : i32 to vector<16xi32>
    %add3A_654 = arith.addi %iota3A, %add3A_653 : vector<16xi32>
    %shift_right_arithmetic3A_655 = arith.constant 1 : i32
    %shift_right_arithmetic3A_656 = vector.broadcast %shift_right_arithmetic3A_655 : i32 to vector<16xi32>
    %shift_right_arithmetic3A_657 = arith.shrsi %add3A_654, %shift_right_arithmetic3A_656 : vector<16xi32>
    tpu.vector_store_idx %arg18[%shift_right_arithmetic3A_657, %and3A_250], %div3A_651 : memref<512x2xf32, #tpu.memory_space<vmem>>[vector<16xi32>, vector<16xi32>], vector<16xf32>,
    %get3A_658 = arith.constant 656 : index
    %get3A_659 = tpu.vector_load %arg15[%get3A_658] {strides = array<i32>} : memref<1024xf32, #tpu.memory_space<vmem>>, vector<16xf32>,
    %sub3A_660 = arith.subf %get3A_659, %get3A_244 : vector<16xf32>
    %div3A_661 = arith.divf %sub3A_660, %get3A_248 : vector<16xf32>
    %add3A_662 = arith.constant 656 : i32
    %add3A_663 = vector.broadcast %add3A_662 : i32 to vector<16xi32>
    %add3A_664 = arith.addi %iota3A, %add3A_663 : vector<16xi32>
    %shift_right_arithmetic3A_665 = arith.constant 1 : i32
    %shift_right_arithmetic3A_666 = vector.broadcast %shift_right_arithmetic3A_665 : i32 to vector<16xi32>
    %shift_right_arithmetic3A_667 = arith.shrsi %add3A_664, %shift_right_arithmetic3A_666 : vector<16xi32>
    tpu.vector_store_idx %arg18[%shift_right_arithmetic3A_667, %and3A_250], %div3A_661 : memref<512x2xf32, #tpu.memory_space<vmem>>[vector<16xi32>, vector<16xi32>], vector<16xf32>,
    %get3A_668 = arith.constant 672 : index
    %get3A_669 = tpu.vector_load %arg15[%get3A_668] {strides = array<i32>} : memref<1024xf32, #tpu.memory_space<vmem>>, vector<16xf32>,
    %sub3A_670 = arith.subf %get3A_669, %get3A_244 : vector<16xf32>
    %div3A_671 = arith.divf %sub3A_670, %get3A_248 : vector<16xf32>
    %add3A_672 = arith.constant 672 : i32
    %add3A_673 = vector.broadcast %add3A_672 : i32 to vector<16xi32>
    %add3A_674 = arith.addi %iota3A, %add3A_673 : vector<16xi32>
    %shift_right_arithmetic3A_675 = arith.constant 1 : i32
    %shift_right_arithmetic3A_676 = vector.broadcast %shift_right_arithmetic3A_675 : i32 to vector<16xi32>
    %shift_right_arithmetic3A_677 = arith.shrsi %add3A_674, %shift_right_arithmetic3A_676 : vector<16xi32>
    tpu.vector_store_idx %arg18[%shift_right_arithmetic3A_677, %and3A_250], %div3A_671 : memref<512x2xf32, #tpu.memory_space<vmem>>[vector<16xi32>, vector<16xi32>], vector<16xf32>,
    %get3A_678 = arith.constant 688 : index
    %get3A_679 = tpu.vector_load %arg15[%get3A_678] {strides = array<i32>} : memref<1024xf32, #tpu.memory_space<vmem>>, vector<16xf32>,
    %sub3A_680 = arith.subf %get3A_679, %get3A_244 : vector<16xf32>
    %div3A_681 = arith.divf %sub3A_680, %get3A_248 : vector<16xf32>
    %add3A_682 = arith.constant 688 : i32
    %add3A_683 = vector.broadcast %add3A_682 : i32 to vector<16xi32>
    %add3A_684 = arith.addi %iota3A, %add3A_683 : vector<16xi32>
    %shift_right_arithmetic3A_685 = arith.constant 1 : i32
    %shift_right_arithmetic3A_686 = vector.broadcast %shift_right_arithmetic3A_685 : i32 to vector<16xi32>
    %shift_right_arithmetic3A_687 = arith.shrsi %add3A_684, %shift_right_arithmetic3A_686 : vector<16xi32>
    tpu.vector_store_idx %arg18[%shift_right_arithmetic3A_687, %and3A_250], %div3A_681 : memref<512x2xf32, #tpu.memory_space<vmem>>[vector<16xi32>, vector<16xi32>], vector<16xf32>,
    %get3A_688 = arith.constant 704 : index
    %get3A_689 = tpu.vector_load %arg15[%get3A_688] {strides = array<i32>} : memref<1024xf32, #tpu.memory_space<vmem>>, vector<16xf32>,
    %sub3A_690 = arith.subf %get3A_689, %get3A_244 : vector<16xf32>
    %div3A_691 = arith.divf %sub3A_690, %get3A_248 : vector<16xf32>
    %add3A_692 = arith.constant 704 : i32
    %add3A_693 = vector.broadcast %add3A_692 : i32 to vector<16xi32>
    %add3A_694 = arith.addi %iota3A, %add3A_693 : vector<16xi32>
    %shift_right_arithmetic3A_695 = arith.constant 1 : i32
    %shift_right_arithmetic3A_696 = vector.broadcast %shift_right_arithmetic3A_695 : i32 to vector<16xi32>
    %shift_right_arithmetic3A_697 = arith.shrsi %add3A_694, %shift_right_arithmetic3A_696 : vector<16xi32>
    tpu.vector_store_idx %arg18[%shift_right_arithmetic3A_697, %and3A_250], %div3A_691 : memref<512x2xf32, #tpu.memory_space<vmem>>[vector<16xi32>, vector<16xi32>], vector<16xf32>,
    %get3A_698 = arith.constant 720 : index
    %get3A_699 = tpu.vector_load %arg15[%get3A_698] {strides = array<i32>} : memref<1024xf32, #tpu.memory_space<vmem>>, vector<16xf32>,
    %sub3A_700 = arith.subf %get3A_699, %get3A_244 : vector<16xf32>
    %div3A_701 = arith.divf %sub3A_700, %get3A_248 : vector<16xf32>
    %add3A_702 = arith.constant 720 : i32
    %add3A_703 = vector.broadcast %add3A_702 : i32 to vector<16xi32>
    %add3A_704 = arith.addi %iota3A, %add3A_703 : vector<16xi32>
    %shift_right_arithmetic3A_705 = arith.constant 1 : i32
    %shift_right_arithmetic3A_706 = vector.broadcast %shift_right_arithmetic3A_705 : i32 to vector<16xi32>
    %shift_right_arithmetic3A_707 = arith.shrsi %add3A_704, %shift_right_arithmetic3A_706 : vector<16xi32>
    tpu.vector_store_idx %arg18[%shift_right_arithmetic3A_707, %and3A_250], %div3A_701 : memref<512x2xf32, #tpu.memory_space<vmem>>[vector<16xi32>, vector<16xi32>], vector<16xf32>,
    %get3A_708 = arith.constant 736 : index
    %get3A_709 = tpu.vector_load %arg15[%get3A_708] {strides = array<i32>} : memref<1024xf32, #tpu.memory_space<vmem>>, vector<16xf32>,
    %sub3A_710 = arith.subf %get3A_709, %get3A_244 : vector<16xf32>
    %div3A_711 = arith.divf %sub3A_710, %get3A_248 : vector<16xf32>
    %add3A_712 = arith.constant 736 : i32
    %add3A_713 = vector.broadcast %add3A_712 : i32 to vector<16xi32>
    %add3A_714 = arith.addi %iota3A, %add3A_713 : vector<16xi32>
    %shift_right_arithmetic3A_715 = arith.constant 1 : i32
    %shift_right_arithmetic3A_716 = vector.broadcast %shift_right_arithmetic3A_715 : i32 to vector<16xi32>
    %shift_right_arithmetic3A_717 = arith.shrsi %add3A_714, %shift_right_arithmetic3A_716 : vector<16xi32>
    tpu.vector_store_idx %arg18[%shift_right_arithmetic3A_717, %and3A_250], %div3A_711 : memref<512x2xf32, #tpu.memory_space<vmem>>[vector<16xi32>, vector<16xi32>], vector<16xf32>,
    %get3A_718 = arith.constant 752 : index
    %get3A_719 = tpu.vector_load %arg15[%get3A_718] {strides = array<i32>} : memref<1024xf32, #tpu.memory_space<vmem>>, vector<16xf32>,
    %sub3A_720 = arith.subf %get3A_719, %get3A_244 : vector<16xf32>
    %div3A_721 = arith.divf %sub3A_720, %get3A_248 : vector<16xf32>
    %add3A_722 = arith.constant 752 : i32
    %add3A_723 = vector.broadcast %add3A_722 : i32 to vector<16xi32>
    %add3A_724 = arith.addi %iota3A, %add3A_723 : vector<16xi32>
    %shift_right_arithmetic3A_725 = arith.constant 1 : i32
    %shift_right_arithmetic3A_726 = vector.broadcast %shift_right_arithmetic3A_725 : i32 to vector<16xi32>
    %shift_right_arithmetic3A_727 = arith.shrsi %add3A_724, %shift_right_arithmetic3A_726 : vector<16xi32>
    tpu.vector_store_idx %arg18[%shift_right_arithmetic3A_727, %and3A_250], %div3A_721 : memref<512x2xf32, #tpu.memory_space<vmem>>[vector<16xi32>, vector<16xi32>], vector<16xf32>,
    %get3A_728 = arith.constant 768 : index
    %get3A_729 = tpu.vector_load %arg15[%get3A_728] {strides = array<i32>} : memref<1024xf32, #tpu.memory_space<vmem>>, vector<16xf32>,
    %sub3A_730 = arith.subf %get3A_729, %get3A_244 : vector<16xf32>
    %div3A_731 = arith.divf %sub3A_730, %get3A_248 : vector<16xf32>
    %add3A_732 = arith.constant 768 : i32
    %add3A_733 = vector.broadcast %add3A_732 : i32 to vector<16xi32>
    %add3A_734 = arith.addi %iota3A, %add3A_733 : vector<16xi32>
    %shift_right_arithmetic3A_735 = arith.constant 1 : i32
    %shift_right_arithmetic3A_736 = vector.broadcast %shift_right_arithmetic3A_735 : i32 to vector<16xi32>
    %shift_right_arithmetic3A_737 = arith.shrsi %add3A_734, %shift_right_arithmetic3A_736 : vector<16xi32>
    tpu.vector_store_idx %arg18[%shift_right_arithmetic3A_737, %and3A_250], %div3A_731 : memref<512x2xf32, #tpu.memory_space<vmem>>[vector<16xi32>, vector<16xi32>], vector<16xf32>,
    %get3A_738 = arith.constant 784 : index
    %get3A_739 = tpu.vector_load %arg15[%get3A_738] {strides = array<i32>} : memref<1024xf32, #tpu.memory_space<vmem>>, vector<16xf32>,
    %sub3A_740 = arith.subf %get3A_739, %get3A_244 : vector<16xf32>
    %div3A_741 = arith.divf %sub3A_740, %get3A_248 : vector<16xf32>
    %add3A_742 = arith.constant 784 : i32
    %add3A_743 = vector.broadcast %add3A_742 : i32 to vector<16xi32>
    %add3A_744 = arith.addi %iota3A, %add3A_743 : vector<16xi32>
    %shift_right_arithmetic3A_745 = arith.constant 1 : i32
    %shift_right_arithmetic3A_746 = vector.broadcast %shift_right_arithmetic3A_745 : i32 to vector<16xi32>
    %shift_right_arithmetic3A_747 = arith.shrsi %add3A_744, %shift_right_arithmetic3A_746 : vector<16xi32>
    tpu.vector_store_idx %arg18[%shift_right_arithmetic3A_747, %and3A_250], %div3A_741 : memref<512x2xf32, #tpu.memory_space<vmem>>[vector<16xi32>, vector<16xi32>], vector<16xf32>,
    %get3A_748 = arith.constant 800 : index
    %get3A_749 = tpu.vector_load %arg15[%get3A_748] {strides = array<i32>} : memref<1024xf32, #tpu.memory_space<vmem>>, vector<16xf32>,
    %sub3A_750 = arith.subf %get3A_749, %get3A_244 : vector<16xf32>
    %div3A_751 = arith.divf %sub3A_750, %get3A_248 : vector<16xf32>
    %add3A_752 = arith.constant 800 : i32
    %add3A_753 = vector.broadcast %add3A_752 : i32 to vector<16xi32>
    %add3A_754 = arith.addi %iota3A, %add3A_753 : vector<16xi32>
    %shift_right_arithmetic3A_755 = arith.constant 1 : i32
    %shift_right_arithmetic3A_756 = vector.broadcast %shift_right_arithmetic3A_755 : i32 to vector<16xi32>
    %shift_right_arithmetic3A_757 = arith.shrsi %add3A_754, %shift_right_arithmetic3A_756 : vector<16xi32>
    tpu.vector_store_idx %arg18[%shift_right_arithmetic3A_757, %and3A_250], %div3A_751 : memref<512x2xf32, #tpu.memory_space<vmem>>[vector<16xi32>, vector<16xi32>], vector<16xf32>,
    %get3A_758 = arith.constant 816 : index
    %get3A_759 = tpu.vector_load %arg15[%get3A_758] {strides = array<i32>} : memref<1024xf32, #tpu.memory_space<vmem>>, vector<16xf32>,
    %sub3A_760 = arith.subf %get3A_759, %get3A_244 : vector<16xf32>
    %div3A_761 = arith.divf %sub3A_760, %get3A_248 : vector<16xf32>
    %add3A_762 = arith.constant 816 : i32
    %add3A_763 = vector.broadcast %add3A_762 : i32 to vector<16xi32>
    %add3A_764 = arith.addi %iota3A, %add3A_763 : vector<16xi32>
    %shift_right_arithmetic3A_765 = arith.constant 1 : i32
    %shift_right_arithmetic3A_766 = vector.broadcast %shift_right_arithmetic3A_765 : i32 to vector<16xi32>
    %shift_right_arithmetic3A_767 = arith.shrsi %add3A_764, %shift_right_arithmetic3A_766 : vector<16xi32>
    tpu.vector_store_idx %arg18[%shift_right_arithmetic3A_767, %and3A_250], %div3A_761 : memref<512x2xf32, #tpu.memory_space<vmem>>[vector<16xi32>, vector<16xi32>], vector<16xf32>,
    %get3A_768 = arith.constant 832 : index
    %get3A_769 = tpu.vector_load %arg15[%get3A_768] {strides = array<i32>} : memref<1024xf32, #tpu.memory_space<vmem>>, vector<16xf32>,
    %sub3A_770 = arith.subf %get3A_769, %get3A_244 : vector<16xf32>
    %div3A_771 = arith.divf %sub3A_770, %get3A_248 : vector<16xf32>
    %add3A_772 = arith.constant 832 : i32
    %add3A_773 = vector.broadcast %add3A_772 : i32 to vector<16xi32>
    %add3A_774 = arith.addi %iota3A, %add3A_773 : vector<16xi32>
    %shift_right_arithmetic3A_775 = arith.constant 1 : i32
    %shift_right_arithmetic3A_776 = vector.broadcast %shift_right_arithmetic3A_775 : i32 to vector<16xi32>
    %shift_right_arithmetic3A_777 = arith.shrsi %add3A_774, %shift_right_arithmetic3A_776 : vector<16xi32>
    tpu.vector_store_idx %arg18[%shift_right_arithmetic3A_777, %and3A_250], %div3A_771 : memref<512x2xf32, #tpu.memory_space<vmem>>[vector<16xi32>, vector<16xi32>], vector<16xf32>,
    %get3A_778 = arith.constant 848 : index
    %get3A_779 = tpu.vector_load %arg15[%get3A_778] {strides = array<i32>} : memref<1024xf32, #tpu.memory_space<vmem>>, vector<16xf32>,
    %sub3A_780 = arith.subf %get3A_779, %get3A_244 : vector<16xf32>
    %div3A_781 = arith.divf %sub3A_780, %get3A_248 : vector<16xf32>
    %add3A_782 = arith.constant 848 : i32
    %add3A_783 = vector.broadcast %add3A_782 : i32 to vector<16xi32>
    %add3A_784 = arith.addi %iota3A, %add3A_783 : vector<16xi32>
    %shift_right_arithmetic3A_785 = arith.constant 1 : i32
    %shift_right_arithmetic3A_786 = vector.broadcast %shift_right_arithmetic3A_785 : i32 to vector<16xi32>
    %shift_right_arithmetic3A_787 = arith.shrsi %add3A_784, %shift_right_arithmetic3A_786 : vector<16xi32>
    tpu.vector_store_idx %arg18[%shift_right_arithmetic3A_787, %and3A_250], %div3A_781 : memref<512x2xf32, #tpu.memory_space<vmem>>[vector<16xi32>, vector<16xi32>], vector<16xf32>,
    %get3A_788 = arith.constant 864 : index
    %get3A_789 = tpu.vector_load %arg15[%get3A_788] {strides = array<i32>} : memref<1024xf32, #tpu.memory_space<vmem>>, vector<16xf32>,
    %sub3A_790 = arith.subf %get3A_789, %get3A_244 : vector<16xf32>
    %div3A_791 = arith.divf %sub3A_790, %get3A_248 : vector<16xf32>
    %add3A_792 = arith.constant 864 : i32
    %add3A_793 = vector.broadcast %add3A_792 : i32 to vector<16xi32>
    %add3A_794 = arith.addi %iota3A, %add3A_793 : vector<16xi32>
    %shift_right_arithmetic3A_795 = arith.constant 1 : i32
    %shift_right_arithmetic3A_796 = vector.broadcast %shift_right_arithmetic3A_795 : i32 to vector<16xi32>
    %shift_right_arithmetic3A_797 = arith.shrsi %add3A_794, %shift_right_arithmetic3A_796 : vector<16xi32>
    tpu.vector_store_idx %arg18[%shift_right_arithmetic3A_797, %and3A_250], %div3A_791 : memref<512x2xf32, #tpu.memory_space<vmem>>[vector<16xi32>, vector<16xi32>], vector<16xf32>,
    %get3A_798 = arith.constant 880 : index
    %get3A_799 = tpu.vector_load %arg15[%get3A_798] {strides = array<i32>} : memref<1024xf32, #tpu.memory_space<vmem>>, vector<16xf32>,
    %sub3A_800 = arith.subf %get3A_799, %get3A_244 : vector<16xf32>
    %div3A_801 = arith.divf %sub3A_800, %get3A_248 : vector<16xf32>
    %add3A_802 = arith.constant 880 : i32
    %add3A_803 = vector.broadcast %add3A_802 : i32 to vector<16xi32>
    %add3A_804 = arith.addi %iota3A, %add3A_803 : vector<16xi32>
    %shift_right_arithmetic3A_805 = arith.constant 1 : i32
    %shift_right_arithmetic3A_806 = vector.broadcast %shift_right_arithmetic3A_805 : i32 to vector<16xi32>
    %shift_right_arithmetic3A_807 = arith.shrsi %add3A_804, %shift_right_arithmetic3A_806 : vector<16xi32>
    tpu.vector_store_idx %arg18[%shift_right_arithmetic3A_807, %and3A_250], %div3A_801 : memref<512x2xf32, #tpu.memory_space<vmem>>[vector<16xi32>, vector<16xi32>], vector<16xf32>,
    %get3A_808 = arith.constant 896 : index
    %get3A_809 = tpu.vector_load %arg15[%get3A_808] {strides = array<i32>} : memref<1024xf32, #tpu.memory_space<vmem>>, vector<16xf32>,
    %sub3A_810 = arith.subf %get3A_809, %get3A_244 : vector<16xf32>
    %div3A_811 = arith.divf %sub3A_810, %get3A_248 : vector<16xf32>
    %add3A_812 = arith.constant 896 : i32
    %add3A_813 = vector.broadcast %add3A_812 : i32 to vector<16xi32>
    %add3A_814 = arith.addi %iota3A, %add3A_813 : vector<16xi32>
    %shift_right_arithmetic3A_815 = arith.constant 1 : i32
    %shift_right_arithmetic3A_816 = vector.broadcast %shift_right_arithmetic3A_815 : i32 to vector<16xi32>
    %shift_right_arithmetic3A_817 = arith.shrsi %add3A_814, %shift_right_arithmetic3A_816 : vector<16xi32>
    tpu.vector_store_idx %arg18[%shift_right_arithmetic3A_817, %and3A_250], %div3A_811 : memref<512x2xf32, #tpu.memory_space<vmem>>[vector<16xi32>, vector<16xi32>], vector<16xf32>,
    %get3A_818 = arith.constant 912 : index
    %get3A_819 = tpu.vector_load %arg15[%get3A_818] {strides = array<i32>} : memref<1024xf32, #tpu.memory_space<vmem>>, vector<16xf32>,
    %sub3A_820 = arith.subf %get3A_819, %get3A_244 : vector<16xf32>
    %div3A_821 = arith.divf %sub3A_820, %get3A_248 : vector<16xf32>
    %add3A_822 = arith.constant 912 : i32
    %add3A_823 = vector.broadcast %add3A_822 : i32 to vector<16xi32>
    %add3A_824 = arith.addi %iota3A, %add3A_823 : vector<16xi32>
    %shift_right_arithmetic3A_825 = arith.constant 1 : i32
    %shift_right_arithmetic3A_826 = vector.broadcast %shift_right_arithmetic3A_825 : i32 to vector<16xi32>
    %shift_right_arithmetic3A_827 = arith.shrsi %add3A_824, %shift_right_arithmetic3A_826 : vector<16xi32>
    tpu.vector_store_idx %arg18[%shift_right_arithmetic3A_827, %and3A_250], %div3A_821 : memref<512x2xf32, #tpu.memory_space<vmem>>[vector<16xi32>, vector<16xi32>], vector<16xf32>,
    %get3A_828 = arith.constant 928 : index
    %get3A_829 = tpu.vector_load %arg15[%get3A_828] {strides = array<i32>} : memref<1024xf32, #tpu.memory_space<vmem>>, vector<16xf32>,
    %sub3A_830 = arith.subf %get3A_829, %get3A_244 : vector<16xf32>
    %div3A_831 = arith.divf %sub3A_830, %get3A_248 : vector<16xf32>
    %add3A_832 = arith.constant 928 : i32
    %add3A_833 = vector.broadcast %add3A_832 : i32 to vector<16xi32>
    %add3A_834 = arith.addi %iota3A, %add3A_833 : vector<16xi32>
    %shift_right_arithmetic3A_835 = arith.constant 1 : i32
    %shift_right_arithmetic3A_836 = vector.broadcast %shift_right_arithmetic3A_835 : i32 to vector<16xi32>
    %shift_right_arithmetic3A_837 = arith.shrsi %add3A_834, %shift_right_arithmetic3A_836 : vector<16xi32>
    tpu.vector_store_idx %arg18[%shift_right_arithmetic3A_837, %and3A_250], %div3A_831 : memref<512x2xf32, #tpu.memory_space<vmem>>[vector<16xi32>, vector<16xi32>], vector<16xf32>,
    %get3A_838 = arith.constant 944 : index
    %get3A_839 = tpu.vector_load %arg15[%get3A_838] {strides = array<i32>} : memref<1024xf32, #tpu.memory_space<vmem>>, vector<16xf32>,
    %sub3A_840 = arith.subf %get3A_839, %get3A_244 : vector<16xf32>
    %div3A_841 = arith.divf %sub3A_840, %get3A_248 : vector<16xf32>
    %add3A_842 = arith.constant 944 : i32
    %add3A_843 = vector.broadcast %add3A_842 : i32 to vector<16xi32>
    %add3A_844 = arith.addi %iota3A, %add3A_843 : vector<16xi32>
    %shift_right_arithmetic3A_845 = arith.constant 1 : i32
    %shift_right_arithmetic3A_846 = vector.broadcast %shift_right_arithmetic3A_845 : i32 to vector<16xi32>
    %shift_right_arithmetic3A_847 = arith.shrsi %add3A_844, %shift_right_arithmetic3A_846 : vector<16xi32>
    tpu.vector_store_idx %arg18[%shift_right_arithmetic3A_847, %and3A_250], %div3A_841 : memref<512x2xf32, #tpu.memory_space<vmem>>[vector<16xi32>, vector<16xi32>], vector<16xf32>,
    %get3A_848 = arith.constant 960 : index
    %get3A_849 = tpu.vector_load %arg15[%get3A_848] {strides = array<i32>} : memref<1024xf32, #tpu.memory_space<vmem>>, vector<16xf32>,
    %sub3A_850 = arith.subf %get3A_849, %get3A_244 : vector<16xf32>
    %div3A_851 = arith.divf %sub3A_850, %get3A_248 : vector<16xf32>
    %add3A_852 = arith.constant 960 : i32
    %add3A_853 = vector.broadcast %add3A_852 : i32 to vector<16xi32>
    %add3A_854 = arith.addi %iota3A, %add3A_853 : vector<16xi32>
    %shift_right_arithmetic3A_855 = arith.constant 1 : i32
    %shift_right_arithmetic3A_856 = vector.broadcast %shift_right_arithmetic3A_855 : i32 to vector<16xi32>
    %shift_right_arithmetic3A_857 = arith.shrsi %add3A_854, %shift_right_arithmetic3A_856 : vector<16xi32>
    tpu.vector_store_idx %arg18[%shift_right_arithmetic3A_857, %and3A_250], %div3A_851 : memref<512x2xf32, #tpu.memory_space<vmem>>[vector<16xi32>, vector<16xi32>], vector<16xf32>,
    %get3A_858 = arith.constant 976 : index
    %get3A_859 = tpu.vector_load %arg15[%get3A_858] {strides = array<i32>} : memref<1024xf32, #tpu.memory_space<vmem>>, vector<16xf32>,
    %sub3A_860 = arith.subf %get3A_859, %get3A_244 : vector<16xf32>
    %div3A_861 = arith.divf %sub3A_860, %get3A_248 : vector<16xf32>
    %add3A_862 = arith.constant 976 : i32
    %add3A_863 = vector.broadcast %add3A_862 : i32 to vector<16xi32>
    %add3A_864 = arith.addi %iota3A, %add3A_863 : vector<16xi32>
    %shift_right_arithmetic3A_865 = arith.constant 1 : i32
    %shift_right_arithmetic3A_866 = vector.broadcast %shift_right_arithmetic3A_865 : i32 to vector<16xi32>
    %shift_right_arithmetic3A_867 = arith.shrsi %add3A_864, %shift_right_arithmetic3A_866 : vector<16xi32>
    tpu.vector_store_idx %arg18[%shift_right_arithmetic3A_867, %and3A_250], %div3A_861 : memref<512x2xf32, #tpu.memory_space<vmem>>[vector<16xi32>, vector<16xi32>], vector<16xf32>,
    %get3A_868 = arith.constant 992 : index
    %get3A_869 = tpu.vector_load %arg15[%get3A_868] {strides = array<i32>} : memref<1024xf32, #tpu.memory_space<vmem>>, vector<16xf32>,
    %sub3A_870 = arith.subf %get3A_869, %get3A_244 : vector<16xf32>
    %div3A_871 = arith.divf %sub3A_870, %get3A_248 : vector<16xf32>
    %add3A_872 = arith.constant 992 : i32
    %add3A_873 = vector.broadcast %add3A_872 : i32 to vector<16xi32>
    %add3A_874 = arith.addi %iota3A, %add3A_873 : vector<16xi32>
    %shift_right_arithmetic3A_875 = arith.constant 1 : i32
    %shift_right_arithmetic3A_876 = vector.broadcast %shift_right_arithmetic3A_875 : i32 to vector<16xi32>
    %shift_right_arithmetic3A_877 = arith.shrsi %add3A_874, %shift_right_arithmetic3A_876 : vector<16xi32>
    tpu.vector_store_idx %arg18[%shift_right_arithmetic3A_877, %and3A_250], %div3A_871 : memref<512x2xf32, #tpu.memory_space<vmem>>[vector<16xi32>, vector<16xi32>], vector<16xf32>,
    %get3A_878 = arith.constant 1008 : index
    %get3A_879 = tpu.vector_load %arg15[%get3A_878] {strides = array<i32>} : memref<1024xf32, #tpu.memory_space<vmem>>, vector<16xf32>,
    %sub3A_880 = arith.subf %get3A_879, %get3A_244 : vector<16xf32>
    %div3A_881 = arith.divf %sub3A_880, %get3A_248 : vector<16xf32>
    %add3A_882 = arith.constant 1008 : i32
    %add3A_883 = vector.broadcast %add3A_882 : i32 to vector<16xi32>
    %add3A_884 = arith.addi %iota3A, %add3A_883 : vector<16xi32>
    %shift_right_arithmetic3A_885 = arith.constant 1 : i32
    %shift_right_arithmetic3A_886 = vector.broadcast %shift_right_arithmetic3A_885 : i32 to vector<16xi32>
    %shift_right_arithmetic3A_887 = arith.shrsi %add3A_884, %shift_right_arithmetic3A_886 : vector<16xi32>
    tpu.vector_store_idx %arg18[%shift_right_arithmetic3A_887, %and3A_250], %div3A_881 : memref<512x2xf32, #tpu.memory_space<vmem>>[vector<16xi32>, vector<16xi32>], vector<16xf32>,
    %dma_start3A_888 = arith.constant 6 : i32
    %dma_start3A_889 = arith.constant 256 : i32
    %dma_start3A_890 = tpu.memref_slice %arg11[%mul3A_2, %dma_start3A_889] : memref<16384x258xf32, #tpu.memory_space<hbm>> -> memref<512x2xf32, #tpu.memory_space<hbm>>
    %dma_start3A_891 = tpu.memref_slice %arg26[%dma_start3A_888] : memref<7x!tpu.dma_semaphore, #tpu.memory_space<semaphore_mem>> -> memref<1x!tpu.dma_semaphore, #tpu.memory_space<semaphore_mem>>
    %dma_start3A_892 = tpu.memref_squeeze %dma_start3A_891 : memref<1x!tpu.dma_semaphore, #tpu.memory_space<semaphore_mem>> -> memref<!tpu.dma_semaphore, #tpu.memory_space<semaphore_mem>>
    %dma_start3A_893 = arith.constant 256 : i32
    %dma_start3A_894 = tpu.memref_slice %arg11[%mul3A_2, %dma_start3A_893] : memref<16384x258xf32, #tpu.memory_space<hbm>> -> memref<512x2xf32, #tpu.memory_space<hbm>>
    tpu.enqueue_dma source(%arg18 : memref<512x2xf32, #tpu.memory_space<vmem>>) target(%dma_start3A_894 : memref<512x2xf32, #tpu.memory_space<hbm>>) target_semaphore(%dma_start3A_892 : memref<!tpu.dma_semaphore, #tpu.memory_space<semaphore_mem>>)
    %dma_wait3A_895 = arith.constant 1 : i32
    %dma_wait3A_896 = arith.constant 4 : i32
    %dma_wait3A_897 = arith.constant 512 : i32
    %dma_wait3A_898 = tpu.memref_slice %arg13[%dma_wait3A_897] : memref<1536xi32, #tpu.memory_space<vmem>> -> memref<512xi32, #tpu.memory_space<vmem>>
    %dma_wait3A_899 = arith.constant 0 : i32
    %dma_wait3A_900 = arith.constant 0 : i32
    %dma_wait3A_901 = tpu.memref_slice %arg7[%dma_wait3A_895, %dma_wait3A_899, %dma_wait3A_900] : memref<3x100000x32xf32, #tpu.memory_space<hbm>> -> memref<1x100000x32xf32, #tpu.memory_space<hbm>>
    %dma_wait3A_902 = tpu.memref_squeeze %dma_wait3A_901 : memref<1x100000x32xf32, #tpu.memory_space<hbm>> -> memref<100000x32xf32, #tpu.memory_space<hbm>>
    %dma_wait3A_903 = arith.constant 0 : i32
    %dma_wait3A_904 = arith.constant 0 : i32
    %dma_wait3A_905 = tpu.memref_slice %dma_wait3A_902[%dma_wait3A_903, %dma_wait3A_904] : memref<100000x32xf32, #tpu.memory_space<hbm>> -> memref<100000x32xf32, #tpu.memory_space<hbm>>
    %dma_wait3A_906 = tpu.memref_slice %arg25[%dma_wait3A_896] : memref<6x!tpu.dma_semaphore, #tpu.memory_space<semaphore_mem>> -> memref<1x!tpu.dma_semaphore, #tpu.memory_space<semaphore_mem>>
    %dma_wait3A_907 = tpu.memref_squeeze %dma_wait3A_906 : memref<1x!tpu.dma_semaphore, #tpu.memory_space<semaphore_mem>> -> memref<!tpu.dma_semaphore, #tpu.memory_space<semaphore_mem>>
    tpu.wait_indirect_dma semaphore(%dma_wait3A_907 : memref<!tpu.dma_semaphore, #tpu.memory_space<semaphore_mem>>) src(%dma_wait3A_905 : memref<100000x32xf32, #tpu.memory_space<hbm>>) dst(%arg23 : memref<512x32xf32, #tpu.memory_space<vmem>>)
    %dma_start3A_908 = arith.constant 4 : i32
    %dma_start3A_909 = arith.constant 128 : i32
    %dma_start3A_910 = tpu.memref_slice %arg11[%mul3A_2, %dma_start3A_909] : memref<16384x258xf32, #tpu.memory_space<hbm>> -> memref<512x32xf32, #tpu.memory_space<hbm>>
    %dma_start3A_911 = tpu.memref_slice %arg26[%dma_start3A_908] : memref<7x!tpu.dma_semaphore, #tpu.memory_space<semaphore_mem>> -> memref<1x!tpu.dma_semaphore, #tpu.memory_space<semaphore_mem>>
    %dma_start3A_912 = tpu.memref_squeeze %dma_start3A_911 : memref<1x!tpu.dma_semaphore, #tpu.memory_space<semaphore_mem>> -> memref<!tpu.dma_semaphore, #tpu.memory_space<semaphore_mem>>
    %dma_start3A_913 = arith.constant 128 : i32
    %dma_start3A_914 = tpu.memref_slice %arg11[%mul3A_2, %dma_start3A_913] : memref<16384x258xf32, #tpu.memory_space<hbm>> -> memref<512x32xf32, #tpu.memory_space<hbm>>
    tpu.enqueue_dma source(%arg23 : memref<512x32xf32, #tpu.memory_space<vmem>>) target(%dma_start3A_914 : memref<512x32xf32, #tpu.memory_space<hbm>>) target_semaphore(%dma_start3A_912 : memref<!tpu.dma_semaphore, #tpu.memory_space<semaphore_mem>>)
    %dma_wait3A_915 = arith.constant 2 : i32
    %dma_wait3A_916 = arith.constant 5 : i32
    %dma_wait3A_917 = arith.constant 1024 : i32
    %dma_wait3A_918 = tpu.memref_slice %arg13[%dma_wait3A_917] : memref<1536xi32, #tpu.memory_space<vmem>> -> memref<512xi32, #tpu.memory_space<vmem>>
    %dma_wait3A_919 = arith.constant 0 : i32
    %dma_wait3A_920 = arith.constant 0 : i32
    %dma_wait3A_921 = tpu.memref_slice %arg7[%dma_wait3A_915, %dma_wait3A_919, %dma_wait3A_920] : memref<3x100000x32xf32, #tpu.memory_space<hbm>> -> memref<1x100000x32xf32, #tpu.memory_space<hbm>>
    %dma_wait3A_922 = tpu.memref_squeeze %dma_wait3A_921 : memref<1x100000x32xf32, #tpu.memory_space<hbm>> -> memref<100000x32xf32, #tpu.memory_space<hbm>>
    %dma_wait3A_923 = arith.constant 0 : i32
    %dma_wait3A_924 = arith.constant 0 : i32
    %dma_wait3A_925 = tpu.memref_slice %dma_wait3A_922[%dma_wait3A_923, %dma_wait3A_924] : memref<100000x32xf32, #tpu.memory_space<hbm>> -> memref<100000x32xf32, #tpu.memory_space<hbm>>
    %dma_wait3A_926 = tpu.memref_slice %arg25[%dma_wait3A_916] : memref<6x!tpu.dma_semaphore, #tpu.memory_space<semaphore_mem>> -> memref<1x!tpu.dma_semaphore, #tpu.memory_space<semaphore_mem>>
    %dma_wait3A_927 = tpu.memref_squeeze %dma_wait3A_926 : memref<1x!tpu.dma_semaphore, #tpu.memory_space<semaphore_mem>> -> memref<!tpu.dma_semaphore, #tpu.memory_space<semaphore_mem>>
    tpu.wait_indirect_dma semaphore(%dma_wait3A_927 : memref<!tpu.dma_semaphore, #tpu.memory_space<semaphore_mem>>) src(%dma_wait3A_925 : memref<100000x32xf32, #tpu.memory_space<hbm>>) dst(%arg24 : memref<512x32xf32, #tpu.memory_space<vmem>>)
    %dma_start3A_928 = arith.constant 5 : i32
    %dma_start3A_929 = arith.constant 160 : i32
    %dma_start3A_930 = tpu.memref_slice %arg11[%mul3A_2, %dma_start3A_929] : memref<16384x258xf32, #tpu.memory_space<hbm>> -> memref<512x32xf32, #tpu.memory_space<hbm>>
    %dma_start3A_931 = tpu.memref_slice %arg26[%dma_start3A_928] : memref<7x!tpu.dma_semaphore, #tpu.memory_space<semaphore_mem>> -> memref<1x!tpu.dma_semaphore, #tpu.memory_space<semaphore_mem>>
    %dma_start3A_932 = tpu.memref_squeeze %dma_start3A_931 : memref<1x!tpu.dma_semaphore, #tpu.memory_space<semaphore_mem>> -> memref<!tpu.dma_semaphore, #tpu.memory_space<semaphore_mem>>
    %dma_start3A_933 = arith.constant 160 : i32
    %dma_start3A_934 = tpu.memref_slice %arg11[%mul3A_2, %dma_start3A_933] : memref<16384x258xf32, #tpu.memory_space<hbm>> -> memref<512x32xf32, #tpu.memory_space<hbm>>
    tpu.enqueue_dma source(%arg24 : memref<512x32xf32, #tpu.memory_space<vmem>>) target(%dma_start3A_934 : memref<512x32xf32, #tpu.memory_space<hbm>>) target_semaphore(%dma_start3A_932 : memref<!tpu.dma_semaphore, #tpu.memory_space<semaphore_mem>>)
    %dma_wait3A_935 = arith.constant 0 : i32
    %dma_wait3A_936 = arith.constant 0 : i32
    %dma_wait3A_937 = arith.constant 0 : i32
    %dma_wait3A_938 = tpu.memref_slice %arg14[%dma_wait3A_937] : memref<1024xi32, #tpu.memory_space<vmem>> -> memref<512xi32, #tpu.memory_space<vmem>>
    %dma_wait3A_939 = arith.constant 0 : i32
    %dma_wait3A_940 = arith.constant 0 : i32
    %dma_wait3A_941 = tpu.memref_slice %arg8[%dma_wait3A_935, %dma_wait3A_939, %dma_wait3A_940] : memref<2x1001x32xf32, #tpu.memory_space<hbm>> -> memref<1x1001x32xf32, #tpu.memory_space<hbm>>
    %dma_wait3A_942 = tpu.memref_squeeze %dma_wait3A_941 : memref<1x1001x32xf32, #tpu.memory_space<hbm>> -> memref<1001x32xf32, #tpu.memory_space<hbm>>
    %dma_wait3A_943 = arith.constant 0 : i32
    %dma_wait3A_944 = arith.constant 0 : i32
    %dma_wait3A_945 = tpu.memref_slice %dma_wait3A_942[%dma_wait3A_943, %dma_wait3A_944] : memref<1001x32xf32, #tpu.memory_space<hbm>> -> memref<1001x32xf32, #tpu.memory_space<hbm>>
    %dma_wait3A_946 = tpu.memref_slice %arg25[%dma_wait3A_936] : memref<6x!tpu.dma_semaphore, #tpu.memory_space<semaphore_mem>> -> memref<1x!tpu.dma_semaphore, #tpu.memory_space<semaphore_mem>>
    %dma_wait3A_947 = tpu.memref_squeeze %dma_wait3A_946 : memref<1x!tpu.dma_semaphore, #tpu.memory_space<semaphore_mem>> -> memref<!tpu.dma_semaphore, #tpu.memory_space<semaphore_mem>>
    tpu.wait_indirect_dma semaphore(%dma_wait3A_947 : memref<!tpu.dma_semaphore, #tpu.memory_space<semaphore_mem>>) src(%dma_wait3A_945 : memref<1001x32xf32, #tpu.memory_space<hbm>>) dst(%arg19 : memref<512x32xf32, #tpu.memory_space<vmem>>)
    %dma_start3A_948 = arith.constant 0 : i32
    %dma_start3A_949 = arith.constant 192 : i32
    %dma_start3A_950 = tpu.memref_slice %arg11[%mul3A_2, %dma_start3A_949] : memref<16384x258xf32, #tpu.memory_space<hbm>> -> memref<512x32xf32, #tpu.memory_space<hbm>>
    %dma_start3A_951 = tpu.memref_slice %arg26[%dma_start3A_948] : memref<7x!tpu.dma_semaphore, #tpu.memory_space<semaphore_mem>> -> memref<1x!tpu.dma_semaphore, #tpu.memory_space<semaphore_mem>>
    %dma_start3A_952 = tpu.memref_squeeze %dma_start3A_951 : memref<1x!tpu.dma_semaphore, #tpu.memory_space<semaphore_mem>> -> memref<!tpu.dma_semaphore, #tpu.memory_space<semaphore_mem>>
    %dma_start3A_953 = arith.constant 192 : i32
    %dma_start3A_954 = tpu.memref_slice %arg11[%mul3A_2, %dma_start3A_953] : memref<16384x258xf32, #tpu.memory_space<hbm>> -> memref<512x32xf32, #tpu.memory_space<hbm>>
    tpu.enqueue_dma source(%arg19 : memref<512x32xf32, #tpu.memory_space<vmem>>) target(%dma_start3A_954 : memref<512x32xf32, #tpu.memory_space<hbm>>) target_semaphore(%dma_start3A_952 : memref<!tpu.dma_semaphore, #tpu.memory_space<semaphore_mem>>)
    %dma_wait3A_955 = arith.constant 1 : i32
    %dma_wait3A_956 = arith.constant 1 : i32
    %dma_wait3A_957 = arith.constant 512 : i32
    %dma_wait3A_958 = tpu.memref_slice %arg14[%dma_wait3A_957] : memref<1024xi32, #tpu.memory_space<vmem>> -> memref<512xi32, #tpu.memory_space<vmem>>
    %dma_wait3A_959 = arith.constant 0 : i32
    %dma_wait3A_960 = arith.constant 0 : i32
    %dma_wait3A_961 = tpu.memref_slice %arg8[%dma_wait3A_955, %dma_wait3A_959, %dma_wait3A_960] : memref<2x1001x32xf32, #tpu.memory_space<hbm>> -> memref<1x1001x32xf32, #tpu.memory_space<hbm>>
    %dma_wait3A_962 = tpu.memref_squeeze %dma_wait3A_961 : memref<1x1001x32xf32, #tpu.memory_space<hbm>> -> memref<1001x32xf32, #tpu.memory_space<hbm>>
    %dma_wait3A_963 = arith.constant 0 : i32
    %dma_wait3A_964 = arith.constant 0 : i32
    %dma_wait3A_965 = tpu.memref_slice %dma_wait3A_962[%dma_wait3A_963, %dma_wait3A_964] : memref<1001x32xf32, #tpu.memory_space<hbm>> -> memref<1001x32xf32, #tpu.memory_space<hbm>>
    %dma_wait3A_966 = tpu.memref_slice %arg25[%dma_wait3A_956] : memref<6x!tpu.dma_semaphore, #tpu.memory_space<semaphore_mem>> -> memref<1x!tpu.dma_semaphore, #tpu.memory_space<semaphore_mem>>
    %dma_wait3A_967 = tpu.memref_squeeze %dma_wait3A_966 : memref<1x!tpu.dma_semaphore, #tpu.memory_space<semaphore_mem>> -> memref<!tpu.dma_semaphore, #tpu.memory_space<semaphore_mem>>
    tpu.wait_indirect_dma semaphore(%dma_wait3A_967 : memref<!tpu.dma_semaphore, #tpu.memory_space<semaphore_mem>>) src(%dma_wait3A_965 : memref<1001x32xf32, #tpu.memory_space<hbm>>) dst(%arg20 : memref<512x32xf32, #tpu.memory_space<vmem>>)
    %dma_start3A_968 = arith.constant 1 : i32
    %dma_start3A_969 = arith.constant 224 : i32
    %dma_start3A_970 = tpu.memref_slice %arg11[%mul3A_2, %dma_start3A_969] : memref<16384x258xf32, #tpu.memory_space<hbm>> -> memref<512x32xf32, #tpu.memory_space<hbm>>
    %dma_start3A_971 = tpu.memref_slice %arg26[%dma_start3A_968] : memref<7x!tpu.dma_semaphore, #tpu.memory_space<semaphore_mem>> -> memref<1x!tpu.dma_semaphore, #tpu.memory_space<semaphore_mem>>
    %dma_start3A_972 = tpu.memref_squeeze %dma_start3A_971 : memref<1x!tpu.dma_semaphore, #tpu.memory_space<semaphore_mem>> -> memref<!tpu.dma_semaphore, #tpu.memory_space<semaphore_mem>>
    %dma_start3A_973 = arith.constant 224 : i32
    %dma_start3A_974 = tpu.memref_slice %arg11[%mul3A_2, %dma_start3A_973] : memref<16384x258xf32, #tpu.memory_space<hbm>> -> memref<512x32xf32, #tpu.memory_space<hbm>>
    tpu.enqueue_dma source(%arg20 : memref<512x32xf32, #tpu.memory_space<vmem>>) target(%dma_start3A_974 : memref<512x32xf32, #tpu.memory_space<hbm>>) target_semaphore(%dma_start3A_972 : memref<!tpu.dma_semaphore, #tpu.memory_space<semaphore_mem>>)
    %dma_wait3A_975 = arith.constant 4 : i32
    %dma_wait3A_976 = arith.constant 128 : i32
    %dma_wait3A_977 = tpu.memref_slice %arg11[%mul3A_2, %dma_wait3A_976] : memref<16384x258xf32, #tpu.memory_space<hbm>> -> memref<512x32xf32, #tpu.memory_space<hbm>>
    %dma_wait3A_978 = tpu.memref_slice %arg26[%dma_wait3A_975] : memref<7x!tpu.dma_semaphore, #tpu.memory_space<semaphore_mem>> -> memref<1x!tpu.dma_semaphore, #tpu.memory_space<semaphore_mem>>
    %dma_wait3A_979 = tpu.memref_squeeze %dma_wait3A_978 : memref<1x!tpu.dma_semaphore, #tpu.memory_space<semaphore_mem>> -> memref<!tpu.dma_semaphore, #tpu.memory_space<semaphore_mem>>
    %dma_wait3A_980 = arith.constant 128 : i32
    %dma_wait3A_981 = tpu.memref_slice %arg11[%mul3A_2, %dma_wait3A_980] : memref<16384x258xf32, #tpu.memory_space<hbm>> -> memref<512x32xf32, #tpu.memory_space<hbm>>
    tpu.wait_dma2 semaphore(%dma_wait3A_979 : memref<!tpu.dma_semaphore, #tpu.memory_space<semaphore_mem>>) src(%arg23 : memref<512x32xf32, #tpu.memory_space<vmem>>) dst(%dma_wait3A_981 : memref<512x32xf32, #tpu.memory_space<hbm>>)
    %dma_wait3A_982 = arith.constant 5 : i32
    %dma_wait3A_983 = arith.constant 160 : i32
    %dma_wait3A_984 = tpu.memref_slice %arg11[%mul3A_2, %dma_wait3A_983] : memref<16384x258xf32, #tpu.memory_space<hbm>> -> memref<512x32xf32, #tpu.memory_space<hbm>>
    %dma_wait3A_985 = tpu.memref_slice %arg26[%dma_wait3A_982] : memref<7x!tpu.dma_semaphore, #tpu.memory_space<semaphore_mem>> -> memref<1x!tpu.dma_semaphore, #tpu.memory_space<semaphore_mem>>
    %dma_wait3A_986 = tpu.memref_squeeze %dma_wait3A_985 : memref<1x!tpu.dma_semaphore, #tpu.memory_space<semaphore_mem>> -> memref<!tpu.dma_semaphore, #tpu.memory_space<semaphore_mem>>
    %dma_wait3A_987 = arith.constant 160 : i32
    %dma_wait3A_988 = tpu.memref_slice %arg11[%mul3A_2, %dma_wait3A_987] : memref<16384x258xf32, #tpu.memory_space<hbm>> -> memref<512x32xf32, #tpu.memory_space<hbm>>
    tpu.wait_dma2 semaphore(%dma_wait3A_986 : memref<!tpu.dma_semaphore, #tpu.memory_space<semaphore_mem>>) src(%arg24 : memref<512x32xf32, #tpu.memory_space<vmem>>) dst(%dma_wait3A_988 : memref<512x32xf32, #tpu.memory_space<hbm>>)
    %dma_wait3A_989 = arith.constant 0 : i32
    %dma_wait3A_990 = arith.constant 192 : i32
    %dma_wait3A_991 = tpu.memref_slice %arg11[%mul3A_2, %dma_wait3A_990] : memref<16384x258xf32, #tpu.memory_space<hbm>> -> memref<512x32xf32, #tpu.memory_space<hbm>>
    %dma_wait3A_992 = tpu.memref_slice %arg26[%dma_wait3A_989] : memref<7x!tpu.dma_semaphore, #tpu.memory_space<semaphore_mem>> -> memref<1x!tpu.dma_semaphore, #tpu.memory_space<semaphore_mem>>
    %dma_wait3A_993 = tpu.memref_squeeze %dma_wait3A_992 : memref<1x!tpu.dma_semaphore, #tpu.memory_space<semaphore_mem>> -> memref<!tpu.dma_semaphore, #tpu.memory_space<semaphore_mem>>
    %dma_wait3A_994 = arith.constant 192 : i32
    %dma_wait3A_995 = tpu.memref_slice %arg11[%mul3A_2, %dma_wait3A_994] : memref<16384x258xf32, #tpu.memory_space<hbm>> -> memref<512x32xf32, #tpu.memory_space<hbm>>
    tpu.wait_dma2 semaphore(%dma_wait3A_993 : memref<!tpu.dma_semaphore, #tpu.memory_space<semaphore_mem>>) src(%arg19 : memref<512x32xf32, #tpu.memory_space<vmem>>) dst(%dma_wait3A_995 : memref<512x32xf32, #tpu.memory_space<hbm>>)
    %dma_wait3A_996 = arith.constant 1 : i32
    %dma_wait3A_997 = arith.constant 224 : i32
    %dma_wait3A_998 = tpu.memref_slice %arg11[%mul3A_2, %dma_wait3A_997] : memref<16384x258xf32, #tpu.memory_space<hbm>> -> memref<512x32xf32, #tpu.memory_space<hbm>>
    %dma_wait3A_999 = tpu.memref_slice %arg26[%dma_wait3A_996] : memref<7x!tpu.dma_semaphore, #tpu.memory_space<semaphore_mem>> -> memref<1x!tpu.dma_semaphore, #tpu.memory_space<semaphore_mem>>
    %dma_wait3A_1000 = tpu.memref_squeeze %dma_wait3A_999 : memref<1x!tpu.dma_semaphore, #tpu.memory_space<semaphore_mem>> -> memref<!tpu.dma_semaphore, #tpu.memory_space<semaphore_mem>>
    %dma_wait3A_1001 = arith.constant 224 : i32
    %dma_wait3A_1002 = tpu.memref_slice %arg11[%mul3A_2, %dma_wait3A_1001] : memref<16384x258xf32, #tpu.memory_space<hbm>> -> memref<512x32xf32, #tpu.memory_space<hbm>>
    tpu.wait_dma2 semaphore(%dma_wait3A_1000 : memref<!tpu.dma_semaphore, #tpu.memory_space<semaphore_mem>>) src(%arg20 : memref<512x32xf32, #tpu.memory_space<vmem>>) dst(%dma_wait3A_1002 : memref<512x32xf32, #tpu.memory_space<hbm>>)
    %dma_wait3A_1003 = arith.constant 6 : i32
    %dma_wait3A_1004 = arith.constant 256 : i32
    %dma_wait3A_1005 = tpu.memref_slice %arg11[%mul3A_2, %dma_wait3A_1004] : memref<16384x258xf32, #tpu.memory_space<hbm>> -> memref<512x2xf32, #tpu.memory_space<hbm>>
    %dma_wait3A_1006 = tpu.memref_slice %arg26[%dma_wait3A_1003] : memref<7x!tpu.dma_semaphore, #tpu.memory_space<semaphore_mem>> -> memref<1x!tpu.dma_semaphore, #tpu.memory_space<semaphore_mem>>
    %dma_wait3A_1007 = tpu.memref_squeeze %dma_wait3A_1006 : memref<1x!tpu.dma_semaphore, #tpu.memory_space<semaphore_mem>> -> memref<!tpu.dma_semaphore, #tpu.memory_space<semaphore_mem>>
    %dma_wait3A_1008 = arith.constant 256 : i32
    %dma_wait3A_1009 = tpu.memref_slice %arg11[%mul3A_2, %dma_wait3A_1008] : memref<16384x258xf32, #tpu.memory_space<hbm>> -> memref<512x2xf32, #tpu.memory_space<hbm>>
    tpu.wait_dma2 semaphore(%dma_wait3A_1007 : memref<!tpu.dma_semaphore, #tpu.memory_space<semaphore_mem>>) src(%arg18 : memref<512x2xf32, #tpu.memory_space<vmem>>) dst(%dma_wait3A_1009 : memref<512x2xf32, #tpu.memory_space<hbm>>)
    return
  }
}

</mosaic_0001>

<sc_bundles>
// kernel: kernel.3.cloned.1.call-start
scs
__scs_entry_jumppad:
0x0: {  	(pc) =	sbr.rel $0x88, $3  }
0x1: {  	(tag) =	ssettag $0x0;
	lr =	simm.s32 $0x1  }
0x2: {  	[smem:$0x3F97] =	sst lr;
	_ =	strace $0xD0000000  }
0x3: {  	_ = 	snop  }
0x4: {  	_ = 	snop  }
0x5: {  	_ = 	snop  }
0x6: {  	_ = 	snop  }
0x7: {  	_ = 	snop  }
__scs_overlays_trampoline_lowered:
0x8: {  	[smem:$0x3FA6] =	sst s0  }
0x9: {  	[smem:$0x3FA7] =	sst s1  }
0xa: {  	[smem:$0x3FA8] =	sst s2  }
0xb: {  	[smem:$0x3FA9] =	sst s3  }
0xc: {  	[smem:$0x3FAA] =	sst s4  }
0xd: {  	[smem:$0x3FAB] =	sst s5  }
0xe: {  	[smem:$0x3FAC] =	sst s6  }
0xf: {  	[smem:$0x3FAD] =	sst s7  }
0x10: {  	[smem:$0x3FAE] =	sst s8  }
0x11: {  	[smem:$0x3FAF] =	sst s9;
	s0 =	simm.s32 @!p0 $0x0  }
0x12: {  	s1 =	sld [smem:$0x3F95];
	s0 =	simm.s32 @p0 $0x1  }
0x13: {  	[smem:$0x3FB0] =	sst s0;
	s0 =	simm.s32 @!p1 $0x0  }
0x14: {  	s2 =	sld [smem:$0x3F94];
	s0 =	simm.s32 @p1 $0x1  }
0x15: {  	[smem:$0x3FB1] =	sst s0;
	s0 =	simm.s32 @!p2 $0x0  }
0x16: {  	s3 =	sld [smem:$0x3FDB];
	s0 =	simm.s32 @p2 $0x1  }
0x17: {  	s4 =	simm.s32 $0x1BF5;
	[smem:$0x3FB3] =	sst s0  }
0x18: {  	s0 =	sld [smem:$0x3F96];
	_ =	swait.ge [sflag:s4], $0x0  }
0x19: {  	s7 =	sld [smem:$0x3F97]  }
0x1a: {  	s8 =	sadd.s32 $0xFFFFE003, lr  }
0x1b: {  	s9 =	sadd.s32 $0xFFFFFEF7, lr;
	s5 =	simm.s32 $0xFFFFFFFF;
	p2 =	slt.u32 s8, $0xFFFFF086  }
0x1c: {  	p1 =	slt.u32 s9, $0xF7A;
	s5 =	simm.s32 @!p2 $0x0  }
0x1d: {  	s5 =	simm.s32 @p1 $0x1;
	p0 =	seq.s32 s7, s2  }
0x1e: {  	s7 =	smul.u32 @!p0 $0xF7A, s2;
	p2 =	seq.s32 @!p0 s5, $0x0  }
0x1f: {  	s9 =	smul.u32 $0xF7A, s1;
	s8 =	simm.s32 @!p0 $0x1BF5;
	p2 =	por !p2, p0  }
0x20: {  	[sflag:s8] =	ssyncset.s32 @!p0 $0xFFFFF086;
	s6 =	sadd.s32 @!p0 s3, s7;
	s7 =	simm.s32 @!p0 $0x108  }
0x21: {  	s3 =	sadd.s32 s3, s9;
	s6 =	sadd.s32 @!p0 $0x88, s6;
	s7 =	simm.s32 @p2 $0x1082  }
0x22: {  	[simem:s7], [sflag:s8] =	dma.local @!p0 [hbm:s6], $0xF7A  }
0x23: {  	s9 =	sor.u32 $0xD0000000, s2;
	s6 =	simm.s32 $0x108;
	_ =	swait.ge @!p0 [sflag:s8], $0x0  }
0x24: {  	s3 =	sadd.s32 $0x88, s3;
	s6 =	simm.s32 @!p1 $0x1082;
	[sflag:s4] =	ssyncset.s32 $0xFFFFF086  }
0x25: {  	[simem:s6], [sflag:s4] =	dma.local [hbm:s3], $0xF7A  }
0x26: {  	[smem:$0x3F97] =	sst s1;
	(tag) =	ssettag s2;
	_ =	strace s9  }
0x27: {  	s1 =	sld [smem:$0x3FA7]  }
0x28: {  	s2 =	sld [smem:$0x3FA8]  }
0x29: {  	s4 =	sld [smem:$0x3FAA]  }
0x2a: {  	p0 =	seq.s32 s5, $0x0;
	s5 =	sld [smem:$0x3FAB]  }
0x2b: {  	s6 =	sld [smem:$0x3FAC]  }
0x2c: {  	s7 =	sld [smem:$0x3FAD]  }
0x2d: {  	s3 =	simm.s32 $0x108;
	s8 =	sld [smem:$0x3FAE]  }
0x2e: {  	s3 =	simm.s32 @!p0 $0x1082;
	s9 =	sld [smem:$0x3FAF]  }
0x2f: {  	lr =	sadd.s32 s0, s3;
	s0 =	sld [smem:$0x3FA6]  }
0x30: {  	s3 =	sld [smem:$0x3FA9]  }
0x31: {  	[smem:$0x3FB2] =	sst s10  }
0x32: {  	s10 =	sld [smem:$0x3FB0];
	_ =	sdelay $0x3  }
0x33: {  	p0 =	seq.s32 s10, $0x1;
	s10 =	sld [smem:$0x3FB2];
	_ =	sdelay $0x3  }
0x34: {  	[smem:$0x3FB2] =	sst s10  }
0x35: {  	s10 =	sld [smem:$0x3FB1];
	_ =	sdelay $0x3  }
0x36: {  	p1 =	seq.s32 s10, $0x1;
	s10 =	sld [smem:$0x3FB2];
	_ =	sdelay $0x3  }
0x37: {  	[smem:$0x3FB2] =	sst s10  }
0x38: {  	s10 =	sld [smem:$0x3FB3]  }
0x39: {  	_ = 	snop;
	(pc) =	sbr.ind lr, $3  }
0x3a: {  	_ = 	snop  }
0x3b: {  	_ = 	snop  }
0x3c: {  	p2 =	seq.s32 s10, $0x1;
	s10 =	sld [smem:$0x3FB2]  }
0x3d: {  	_ =	shalt  }
0x3e: {  	_ =	shalt  }
0x3f: {  	_ =	shalt  }
0x40: {  	_ =	shalt  }
0x41: {  	_ =	shalt  }
0x42: {  	_ =	shalt  }
0x43: {  	_ =	shalt  }
0x44: {  	_ =	shalt  }
0x45: {  	_ =	shalt  }
0x46: {  	_ =	shalt  }
0x47: {  	_ =	shalt  }
0x48: {  	_ =	shalt  }
0x49: {  	_ =	shalt  }
0x4a: {  	_ =	shalt  }
0x4b: {  	_ =	shalt  }
0x4c: {  	_ =	shalt  }
0x4d: {  	_ =	shalt  }
0x4e: {  	_ =	shalt  }
0x4f: {  	_ =	shalt  }
0x50: {  	_ =	shalt  }
0x51: {  	_ =	shalt  }
0x52: {  	_ =	shalt  }
0x53: {  	_ =	shalt  }
0x54: {  	_ =	shalt  }
0x55: {  	_ =	shalt  }
0x56: {  	_ =	shalt  }
0x57: {  	_ =	shalt  }
0x58: {  	_ =	shalt  }
0x59: {  	_ =	shalt  }
0x5a: {  	_ =	shalt  }
0x5b: {  	_ =	shalt  }
0x5c: {  	_ =	shalt  }
0x5d: {  	_ =	shalt  }
0x5e: {  	_ =	shalt  }
0x5f: {  	_ =	shalt  }
0x60: {  	_ =	shalt  }
0x61: {  	_ =	shalt  }
0x62: {  	_ =	shalt  }
0x63: {  	_ =	shalt  }
0x64: {  	_ =	shalt  }
0x65: {  	_ =	shalt  }
0x66: {  	_ =	shalt  }
0x67: {  	_ =	shalt  }
0x68: {  	_ =	shalt  }
0x69: {  	_ =	shalt  }
0x6a: {  	_ =	shalt  }
0x6b: {  	_ =	shalt  }
0x6c: {  	_ =	shalt  }
0x6d: {  	_ =	shalt  }
0x6e: {  	_ =	shalt  }
0x6f: {  	_ =	shalt  }
0x70: {  	_ =	shalt  }
0x71: {  	_ =	shalt  }
0x72: {  	_ =	shalt  }
0x73: {  	_ =	shalt  }
0x74: {  	_ =	shalt  }
0x75: {  	_ =	shalt  }
0x76: {  	_ =	shalt  }
0x77: {  	_ =	shalt  }
0x78: {  	_ =	shalt  }
0x79: {  	_ =	shalt  }
0x7a: {  	_ =	shalt  }
0x7b: {  	_ =	shalt  }
0x7c: {  	_ =	shalt  }
0x7d: {  	_ =	shalt  }
0x7e: {  	_ =	shalt  }
0x7f: {  	_ =	shalt  }
0x80: {  	_ =	shalt  }
0x81: {  	_ =	shalt  }
0x82: {  	_ =	shalt  }
0x83: {  	_ =	shalt  }
0x84: {  	_ =	shalt  }
0x85: {  	_ =	shalt  }
0x86: {  	_ =	shalt  }
0x87: {  	_ =	shalt  }
.Lfunc_end0:
.L_simem_size_0:
called_computation_lowered:
.L_overlay_start_0:
0x88: {  	s2 =	sld [smem:$0x3FD9]  }
0x89: {  	s3 =	sld [smem:$0x3FFE];
	_ =	sdelay $0x1  }
0x8a: {  	s1 =	srdreg.scid  }
0x8b: {  	s0 =	sand.u32 $0x1, s1  }
0x8c: {  	s17 =	sshll.u32 s0, $0xA;
	s2 =	sadd.s32 s3, s2  }
0x8d: {  	s2 =	sadd.s32 s2, s17  }
0x8e: {  	[smem:$0x3FBE] =	sst s2  }
0x8f: {  	_ = 	snop  }
0x90: {  	s2 =	sld [smem:$0x3FD0];
	(tm) =	ssettm $0x1  }
0x91: {  	s18 =	sld [smem:$0x3FFB];
	_ =	sdelay $0x3  }
0x92: {  	_ =	strace s18  }
0x93: {  	s3 =	sld [smem:$0x3FFC];
	_ =	sdelay $0x3  }
0x94: {  	_ =	strace s3  }
0x95: {  	s3 =	sld [smem:$0x3FFD];
	_ =	sdelay $0x3  }
0x96: {  	_ =	strace s3  }
0x97: {  	_ =	strace $0x8FFFFFFF  }
0x98: {  	s19 =	sld [smem:$0x3FDB];
	_ =	sdelay $0x1  }
0x99: {  	s4 =	simm.s32 $_scs_section_size  }
0x9a: {  	s5 =	simm.s32 $_size__tile_overlayer_lowered;
	s6 =	simm.s32 $_tile_overlayer_lowered  }
0x9b: {  	s22 =	simm.s32 $0x1BFF;
	s21 =	sshll.u32 s6, $0x1;
	s3 =	sadd.s32 s4, s19  }
0x9c: {  	s7 =	simm.s32 $0x0;
	s20 =	sshll.u32 s5, $0x1;
	s5 =	sadd.s32 s21, s3  }
0x9d: {  	[timem:s7], [sflag:s22] =	dma.local [hbm:s5], s20  }
0x9e: {  	_ =	swait.ge [sflag:s22], s20  }
0x9f: {  	s4 =	ssub.s32 $0x0, s20;
	[sflag:s22] =	ssyncset.done $0x0  }
0xa0: {  	[sflag:s22] =	ssyncadd.s32 s4;
	_ =	sdelay $0x1  }
0xa1: {  	s23 =	simm.s32 $0x1B8B  }
0xa2: {  	_ =	swait.ge [sflag:s23], $0x1  }
0xa3: {  	[sflag:s23] =	ssyncset.done $0x0  }
0xa4: {  	s25 =	simm.s32 $0x1B8E;
	s24 =	sld [smem:$0x3FFE];
	[sflag:s23] =	ssyncadd.s32 $0xFFFFFFFF  }
0xa5: {  	s26 =	simm.s32 $execute0_lowered;
	[smem:$0x3FD2] =	sst s25  }
0xa6: {  	s5 =	sshll.u32 s26, $0x1;
	_ =	strace $0x80000046;
	[dreg:$0x1] =	wrdreg $0xFFFFFFFF  }
0xa7: {  	s28 =	simm.s32 $_size_execute0_lowered;
	s3 =	sadd.s32 s3, s5;
	[dreg:$0x0] =	wrdreg $0x0  }
0xa8: {  	s5 =	sshll.u32 s28, $0x1;
	[dreg:$0x2] =	wrdreg s3  }
0xa9: {  	[dreg:$0x3] =	wrdreg s5  }
0xaa: {  	[dreg:$0x4] =	wrdreg $0xC0  }
0xab: {  	_ =	task [dreg:s7], $0x5FFFF  }
0xac: {  	[dreg:$0x1] =	wrdreg $0xFFFFFFFF  }
0xad: {  	[dreg:$0x0] =	wrdreg $0x60  }
0xae: {  	[dreg:$0x2] =	wrdreg s24  }
0xaf: {  	[dreg:$0x3] =	wrdreg s2  }
0xb0: {  	[dreg:$0x4] =	wrdreg $0x9  }
0xb1: {  	_ =	task.clear_ibuf [dreg:s7], $0x5FFFF;
	_ =	strace $0x90000046  }
0xb2: {  	s29 =	simm.s32 $0x9;
	_ =	strace $0x80000048  }
0xb3: {  	_ =	swait.ge [sflag:s29], $0x1  }
0xb4: {  	[sflag:s29] =	ssyncadd.s32 $0xFFFFFFFF  }
0xb5: {  	_ =	strace $0x90000048  }
0xb6: {  	_ =	sfence  }
0xb7: {  	s30 =	sld [smem:$0x0];
	_ =	sdelay $0x2  }
0xb8: {  	s31 =	sshll.u32 s1, $0xD;
	s1 =	sshrl.u32 s1, $0x2  }
0xb9: {  	s3 =	sand.u32 $0x4000, s31;
	s1 =	sadd.s32 s1, s30  }
0xba: {  	s0 =	sor.u32 s3, s0;
	s1 =	sshll.u32 s1, $0x11  }
0xbb: {  	s0 =	sor.u32 s1, s0  }
0xbc: {  	s0 =	sadd.s32 $0x8F2B, s0  }
0xbd: {  	[sflag:s0] =	ssyncadd.remote.s32 $0x1  }
0xbe: {  	_ =	sfence.sel $0xFFFF  }
0xbf: {  	[dreg:$0x0] =	wrdreg $0xFFFFFFFF;
	(pc) =	sbr.abs _section_cstart, $3  }
0xc0: {  	[dreg:$0x1] =	wrdreg $0xFFFFFFFF  }
0xc1: {  	_ =	task.clear_ibuf [dreg:s7], $0x2FFFF;
	_ =	strace $0x9FFFFFFF  }
0xc2: {  	(tm) =	ssettm $0x7FFFFFFF  }
0xc3: {  	_ =	shalt  }
tec
execute0_lowered:
.L_overlay_start_1:
0x0: {  	(tag) =	ssettag $0x1  }
0x1: {  	v0 =	vimm.s32 $0x29282120;
	v1 =	vimm.s32 $0x39383130;
	v2 =	vimm.s32 $0x9080100  }
0x2: {  	v3 =	vimm.s32 $0x19181110;
	vm0 =	vcmask $0x1F10;
	v4 =	vimm.s32 $0x79787170  }
0x3: {  	v61 =	vimm.s32 $0x49484140;
	v5 =	vimm.s32 $0x59585150;
	v6 =	vimm.s32 $0xA9A8A1A0  }
0x4: {  	v7 =	vimm.s32 $0xB9B8B1B0;
	v8 =	vimm.s32 $0x89888180;
	v9 =	vimm.s32 $0x99989190  }
0x5: {  	v62 =	vimm.s32 $0x139;
	v0 =	vunpack.c.0.s8.s32 v0;
	v1 =	vunpack.c.0.s8.s32 v1  }
0x6: {  	vm14 =	vcmask $0x300;
	v2 =	vunpack.c.0.s8.s32 v2;
	v3 =	vunpack.c.0.s8.s32 v3  }
0x7: {  	v63 =	vimm.s32 $0xD9D8D1D0;
	v5 =	vunpack.c.0.s8.s32 v5;
	v0 =	vsel vm0, v1, v0  }
0x8: {  	v1 =	vimm.s32 $0x69686160;
	v2 =	vsel vm0, v3, v2;
	v3 =	vunpack.c.0.s8.s32 v4  }
0x9: {  	v4 =	vunpack.c.0.s8.s32 v61;
	v1 =	vunpack.c.0.s8.s32 v1;
	v0 =	vcombine.low v2, v0  }
0xa: {  	vm13 =	vcmask $0x704;
	vm12 =	vcmask $0xB08;
	v6 =	vunpack.c.0.s8.s32 v6  }
0xb: {  	v7 =	vunpack.c.0.s8.s32 v7;
	[tilespmem:$0x1FF30] =	vst v0;
	v0 =	vsel vm0, v3, v1;
	v1 =	vsel vm0, v5, v4  }
0xc: {  	v8 =	vunpack.c.0.s8.s32 v8;
	v9 =	vunpack.c.0.s8.s32 v9;
	v0 =	vcombine.low v1, v0  }
0xd: {  	vm11 =	vcmask $0xF0C;
	vm10 =	vcmask $0x1310;
	v2 =	vimm.s32 $0xF9F8F1F0  }
0xe: {  	v2 =	vunpack.c.0.s8.s32 v2;
	v1 =	vsel vm0, v9, v8;
	[tilespmem:$0x1FF40] =	vst v0;
	v0 =	vsel vm0, v7, v6  }
0xf: {  	v3 =	vimm.s32 $0xC9C8C1C0;
	v0 =	vcombine.low v1, v0;
	v1 =	vimm.s32 $0xE9E8E1E0  }
0x10: {  	v5 =	vunpack.c.0.s8.s32 v63;
	v3 =	vunpack.c.0.s8.s32 v3;
	v1 =	vunpack.c.0.s8.s32 v1  }
0x11: {  	vm9 =	vcmask $0x1714;
	vm8 =	vcmask $0x1B18;
	vm7 =	vcmask $0x1F1C  }
0x12: {  	v4 =	vsel vm14, $0x100, v62;
	v3 =	vsel vm0, v5, v3;
	v1 =	vsel vm0, v2, v1  }
0x13: {  	vm15 =	vcmask $0x2320;
	v4 =	vsel vm13, $0x101, v4;
	v1 =	vcombine.low v3, v1  }
0x14: {  	vm1 =	vcmask $0x2724;
	vm2 =	vcmask $0x2B28;
	v2 =	vsel vm12, $0x108, v4  }
0x15: {  	vm3 =	vcmask $0x2F2C;
	v2 =	vsel vm11, $0x109, v2;
	v1 =	vand.u32 $0xFF, v1  }
0x16: {  	v0 =	vand.u32 $0xFF, v0;
	v2 =	vsel vm10, $0x110, v2;
	[tilespmem:$0x1FF60] =	vst v1;
	v1 =	vimm.s32 $0x179  }
0x17: {  	[tilespmem:$0x1FF50] =	vst v0;
	v0 =	vsel vm9, $0x111, v2;
	v2 =	vimm.s32 $0x1B9;
	v1 =	vsel vm14, $0x140, v1  }
0x18: {  	vm4 =	vcmask $0x3330;
	v2 =	vsel vm14, $0x180, v2;
	v1 =	vsel vm13, $0x141, v1  }
0x19: {  	vm5 =	vcmask $0x3734;
	v2 =	vsel vm13, $0x181, v2;
	v1 =	vsel vm12, $0x148, v1  }
0x1a: {  	vm6 =	vcmask $0x3B38;
	v2 =	vsel vm12, $0x188, v2;
	v1 =	vsel vm11, $0x149, v1  }
0x1b: {  	v0 =	vsel vm8, $0x118, v0;
	v2 =	vsel vm11, $0x189, v2;
	v1 =	vsel vm10, $0x150, v1  }
0x1c: {  	v0 =	vsel vm7, $0x119, v0;
	v2 =	vsel vm10, $0x190, v2;
	v1 =	vsel vm9, $0x151, v1  }
0x1d: {  	v0 =	vsel vm15, $0x120, v0;
	v2 =	vsel vm9, $0x191, v2;
	v1 =	vsel vm8, $0x158, v1  }
0x1e: {  	v0 =	vsel vm1, $0x121, v0;
	v2 =	vsel vm8, $0x198, v2;
	v1 =	vsel vm7, $0x159, v1  }
0x1f: {  	v0 =	vsel vm2, $0x128, v0;
	v2 =	vsel vm7, $0x199, v2;
	v1 =	vsel vm15, $0x160, v1  }
0x20: {  	v0 =	vsel vm3, $0x129, v0;
	v2 =	vsel vm15, $0x1A0, v2;
	v1 =	vsel vm1, $0x161, v1  }
0x21: {  	v0 =	vsel vm4, $0x130, v0;
	v2 =	vsel vm1, $0x1A1, v2;
	v1 =	vsel vm2, $0x168, v1  }
0x22: {  	v0 =	vsel vm5, $0x131, v0;
	v2 =	vsel vm2, $0x1A8, v2;
	v1 =	vsel vm3, $0x169, v1  }
0x23: {  	v0 =	vsel vm6, $0x138, v0;
	v2 =	vsel vm3, $0x1A9, v2;
	v1 =	vsel vm4, $0x170, v1  }
0x24: {  	[tilespmem:$0x1FF70] =	vst v0;
	v2 =	vsel vm4, $0x1B0, v2;
	v0 =	vsel vm5, $0x171, v1  }
0x25: {  	v1 =	vsel vm5, $0x1B1, v2;
	v0 =	vsel vm6, $0x178, v0  }
0x26: {  	[tilespmem:$0x1FF80] =	vst v0;
	v0 =	vsel vm6, $0x1B8, v1  }
0x27: {  	[tilespmem:$0x1FF90] =	vst v0;
	v0 =	vimm.s32 $0x1F9  }
0x28: {  	v0 =	vsel vm14, $0x1C0, v0  }
0x29: {  	v1 =	vimm.s32 $0x239;
	v0 =	vsel vm13, $0x1C1, v0  }
0x2a: {  	v2 =	vimm.s32 $0x279;
	v1 =	vsel vm14, $0x200, v1;
	v0 =	vsel vm12, $0x1C8, v0  }
0x2b: {  	v2 =	vsel vm14, $0x240, v2;
	v1 =	vsel vm13, $0x201, v1;
	v0 =	vsel vm11, $0x1C9, v0  }
0x2c: {  	v2 =	vsel vm13, $0x241, v2;
	v1 =	vsel vm12, $0x208, v1;
	v0 =	vsel vm10, $0x1D0, v0  }
0x2d: {  	v2 =	vsel vm12, $0x248, v2;
	v1 =	vsel vm11, $0x209, v1;
	v0 =	vsel vm9, $0x1D1, v0  }
0x2e: {  	v2 =	vsel vm11, $0x249, v2;
	v1 =	vsel vm10, $0x210, v1;
	v0 =	vsel vm8, $0x1D8, v0  }
0x2f: {  	v2 =	vsel vm10, $0x250, v2;
	v1 =	vsel vm9, $0x211, v1;
	v0 =	vsel vm7, $0x1D9, v0  }
0x30: {  	v2 =	vsel vm9, $0x251, v2;
	v1 =	vsel vm8, $0x218, v1;
	v0 =	vsel vm15, $0x1E0, v0  }
0x31: {  	v2 =	vsel vm8, $0x258, v2;
	v1 =	vsel vm7, $0x219, v1;
	v0 =	vsel vm1, $0x1E1, v0  }
0x32: {  	v2 =	vsel vm7, $0x259, v2;
	v1 =	vsel vm15, $0x220, v1;
	v0 =	vsel vm2, $0x1E8, v0  }
0x33: {  	v2 =	vsel vm15, $0x260, v2;
	v1 =	vsel vm1, $0x221, v1;
	v0 =	vsel vm3, $0x1E9, v0  }
0x34: {  	v2 =	vsel vm1, $0x261, v2;
	v1 =	vsel vm2, $0x228, v1;
	v0 =	vsel vm4, $0x1F0, v0  }
0x35: {  	v2 =	vsel vm2, $0x268, v2;
	v1 =	vsel vm3, $0x229, v1;
	v0 =	vsel vm5, $0x1F1, v0  }
0x36: {  	v2 =	vsel vm3, $0x269, v2;
	v1 =	vsel vm4, $0x230, v1;
	v0 =	vsel vm6, $0x1F8, v0  }
0x37: {  	v2 =	vsel vm4, $0x270, v2;
	[tilespmem:$0x1FFA0] =	vst v0;
	v0 =	vsel vm5, $0x231, v1  }
0x38: {  	v1 =	vsel vm5, $0x271, v2;
	v0 =	vsel vm6, $0x238, v0  }
0x39: {  	[tilespmem:$0x1FFB0] =	vst v0;
	v0 =	vsel vm6, $0x278, v1  }
0x3a: {  	[tilespmem:$0x1FFC0] =	vst v0;
	v0 =	vimm.s32 $0x2B9  }
0x3b: {  	v0 =	vsel vm14, $0x280, v0  }
0x3c: {  	v1 =	vimm.s32 $0x2F9;
	v0 =	vsel vm13, $0x281, v0  }
0x3d: {  	v2 =	vimm.s32 $0x339;
	v1 =	vsel vm14, $0x2C0, v1;
	v0 =	vsel vm12, $0x288, v0  }
0x3e: {  	v2 =	vsel vm14, $0x300, v2;
	v1 =	vsel vm13, $0x2C1, v1;
	v0 =	vsel vm11, $0x289, v0  }
0x3f: {  	v2 =	vsel vm13, $0x301, v2;
	v1 =	vsel vm12, $0x2C8, v1;
	v0 =	vsel vm10, $0x290, v0  }
0x40: {  	v2 =	vsel vm12, $0x308, v2;
	v1 =	vsel vm11, $0x2C9, v1;
	v0 =	vsel vm9, $0x291, v0  }
0x41: {  	v2 =	vsel vm11, $0x309, v2;
	v1 =	vsel vm10, $0x2D0, v1;
	v0 =	vsel vm8, $0x298, v0  }
0x42: {  	v2 =	vsel vm10, $0x310, v2;
	v1 =	vsel vm9, $0x2D1, v1;
	v0 =	vsel vm7, $0x299, v0  }
0x43: {  	v2 =	vsel vm9, $0x311, v2;
	v1 =	vsel vm8, $0x2D8, v1;
	v0 =	vsel vm15, $0x2A0, v0  }
0x44: {  	v2 =	vsel vm8, $0x318, v2;
	v1 =	vsel vm7, $0x2D9, v1;
	v0 =	vsel vm1, $0x2A1, v0  }
0x45: {  	v2 =	vsel vm7, $0x319, v2;
	v1 =	vsel vm15, $0x2E0, v1;
	v0 =	vsel vm2, $0x2A8, v0  }
0x46: {  	v2 =	vsel vm15, $0x320, v2;
	v1 =	vsel vm1, $0x2E1, v1;
	v0 =	vsel vm3, $0x2A9, v0  }
0x47: {  	v2 =	vsel vm1, $0x321, v2;
	v1 =	vsel vm2, $0x2E8, v1;
	v0 =	vsel vm4, $0x2B0, v0  }
0x48: {  	v2 =	vsel vm2, $0x328, v2;
	v1 =	vsel vm3, $0x2E9, v1;
	v0 =	vsel vm5, $0x2B1, v0  }
0x49: {  	v2 =	vsel vm3, $0x329, v2;
	v1 =	vsel vm4, $0x2F0, v1;
	v0 =	vsel vm6, $0x2B8, v0  }
0x4a: {  	v2 =	vsel vm4, $0x330, v2;
	[tilespmem:$0x1FFD0] =	vst v0;
	v0 =	vsel vm5, $0x2F1, v1  }
0x4b: {  	v1 =	vsel vm5, $0x331, v2;
	v0 =	vsel vm6, $0x2F8, v0  }
0x4c: {  	[tilespmem:$0x1FFE0] =	vst v0;
	v0 =	vsel vm6, $0x338, v1  }
0x4d: {  	[tilespmem:$0x1FFF0] =	vst v0;
	v0 =	vimm.s32 $0x379  }
0x4e: {  	v2 =	vimm.s32 $0x3F9;
	v1 =	vimm.s32 $0x3B9;
	v0 =	vsel vm14, $0x340, v0  }
0x4f: {  	v2 =	vsel vm14, $0x3C0, v2;
	v1 =	vsel vm14, $0x380, v1;
	v0 =	vsel vm13, $0x341, v0  }
0x50: {  	v2 =	vsel vm13, $0x3C1, v2;
	v1 =	vsel vm13, $0x381, v1;
	v0 =	vsel vm12, $0x348, v0  }
0x51: {  	v2 =	vsel vm12, $0x3C8, v2;
	v1 =	vsel vm12, $0x388, v1;
	v0 =	vsel vm11, $0x349, v0  }
0x52: {  	v2 =	vsel vm11, $0x3C9, v2;
	v1 =	vsel vm11, $0x389, v1;
	v0 =	vsel vm10, $0x350, v0  }
0x53: {  	v2 =	vsel vm10, $0x3D0, v2;
	v1 =	vsel vm10, $0x390, v1;
	v0 =	vsel vm9, $0x351, v0  }
0x54: {  	v2 =	vsel vm9, $0x3D1, v2;
	v1 =	vsel vm9, $0x391, v1;
	v0 =	vsel vm8, $0x358, v0  }
0x55: {  	v2 =	vsel vm8, $0x3D8, v2;
	v1 =	vsel vm8, $0x398, v1;
	v0 =	vsel vm7, $0x359, v0  }
0x56: {  	v2 =	vsel vm7, $0x3D9, v2;
	v1 =	vsel vm7, $0x399, v1;
	v0 =	vsel vm15, $0x360, v0  }
0x57: {  	v2 =	vsel vm15, $0x3E0, v2;
	v1 =	vsel vm15, $0x3A0, v1;
	v0 =	vsel vm1, $0x361, v0  }
0x58: {  	v2 =	vsel vm1, $0x3E1, v2;
	v1 =	vsel vm1, $0x3A1, v1;
	v0 =	vsel vm2, $0x368, v0  }
0x59: {  	v2 =	vsel vm2, $0x3E8, v2;
	v1 =	vsel vm2, $0x3A8, v1;
	v0 =	vsel vm3, $0x369, v0  }
0x5a: {  	v2 =	vsel vm3, $0x3E9, v2;
	v1 =	vsel vm3, $0x3A9, v1;
	v0 =	vsel vm4, $0x370, v0  }
0x5b: {  	v2 =	vsel vm4, $0x3F0, v2;
	v1 =	vsel vm4, $0x3B0, v1;
	v0 =	vsel vm5, $0x371, v0  }
0x5c: {  	v13 =	vsel vm6, $0x378, v0;
	v0 =	vsel vm5, $0x3B1, v1;
	v1 =	vsel vm5, $0x3F1, v2  }
0x5d: {  	v2 =	vimm.s32 $0x4B9;
	v14 =	vsel vm6, $0x3B8, v0;
	v0 =	vimm.s32 $0x439  }
0x5e: {  	v15 =	vsel vm6, $0x3F8, v1;
	v1 =	vimm.s32 $0x479;
	v0 =	vsel vm14, $0x400, v0  }
0x5f: {  	v2 =	vsel vm14, $0x480, v2;
	v1 =	vsel vm14, $0x440, v1;
	v0 =	vsel vm13, $0x401, v0  }
0x60: {  	v2 =	vsel vm13, $0x481, v2;
	v1 =	vsel vm13, $0x441, v1;
	v0 =	vsel vm12, $0x408, v0  }
0x61: {  	v2 =	vsel vm12, $0x488, v2;
	v1 =	vsel vm12, $0x448, v1;
	v0 =	vsel vm11, $0x409, v0  }
0x62: {  	v2 =	vsel vm11, $0x489, v2;
	v1 =	vsel vm11, $0x449, v1;
	v0 =	vsel vm10, $0x410, v0  }
0x63: {  	v2 =	vsel vm10, $0x490, v2;
	v1 =	vsel vm10, $0x450, v1;
	v0 =	vsel vm9, $0x411, v0  }
0x64: {  	v2 =	vsel vm9, $0x491, v2;
	v1 =	vsel vm9, $0x451, v1;
	v0 =	vsel vm8, $0x418, v0  }
0x65: {  	v2 =	vsel vm8, $0x498, v2;
	v1 =	vsel vm8, $0x458, v1;
	v0 =	vsel vm7, $0x419, v0  }
0x66: {  	v2 =	vsel vm7, $0x499, v2;
	v1 =	vsel vm7, $0x459, v1;
	v0 =	vsel vm15, $0x420, v0  }
0x67: {  	v2 =	vsel vm15, $0x4A0, v2;
	v1 =	vsel vm15, $0x460, v1;
	v0 =	vsel vm1, $0x421, v0  }
0x68: {  	v2 =	vsel vm1, $0x4A1, v2;
	v1 =	vsel vm1, $0x461, v1;
	v0 =	vsel vm2, $0x428, v0  }
0x69: {  	v2 =	vsel vm2, $0x4A8, v2;
	v1 =	vsel vm2, $0x468, v1;
	v0 =	vsel vm3, $0x429, v0  }
0x6a: {  	v2 =	vsel vm3, $0x4A9, v2;
	v1 =	vsel vm3, $0x469, v1;
	v0 =	vsel vm4, $0x430, v0  }
0x6b: {  	v2 =	vsel vm4, $0x4B0, v2;
	v1 =	vsel vm4, $0x470, v1;
	v0 =	vsel vm5, $0x431, v0  }
0x6c: {  	v16 =	vsel vm6, $0x438, v0;
	v0 =	vsel vm5, $0x471, v1;
	v1 =	vsel vm5, $0x4B1, v2  }
0x6d: {  	v2 =	vimm.s32 $0x579;
	v17 =	vsel vm6, $0x478, v0;
	v0 =	vimm.s32 $0x4F9  }
0x6e: {  	v18 =	vsel vm6, $0x4B8, v1;
	v1 =	vimm.s32 $0x539;
	v0 =	vsel vm14, $0x4C0, v0  }
0x6f: {  	v2 =	vsel vm14, $0x540, v2;
	v1 =	vsel vm14, $0x500, v1;
	v0 =	vsel vm13, $0x4C1, v0  }
0x70: {  	v2 =	vsel vm13, $0x541, v2;
	v1 =	vsel vm13, $0x501, v1;
	v0 =	vsel vm12, $0x4C8, v0  }
0x71: {  	v2 =	vsel vm12, $0x548, v2;
	v1 =	vsel vm12, $0x508, v1;
	v0 =	vsel vm11, $0x4C9, v0  }
0x72: {  	v2 =	vsel vm11, $0x549, v2;
	v1 =	vsel vm11, $0x509, v1;
	v0 =	vsel vm10, $0x4D0, v0  }
0x73: {  	v2 =	vsel vm10, $0x550, v2;
	v1 =	vsel vm10, $0x510, v1;
	v0 =	vsel vm9, $0x4D1, v0  }
0x74: {  	v2 =	vsel vm9, $0x551, v2;
	v1 =	vsel vm9, $0x511, v1;
	v0 =	vsel vm8, $0x4D8, v0  }
0x75: {  	v2 =	vsel vm8, $0x558, v2;
	v1 =	vsel vm8, $0x518, v1;
	v0 =	vsel vm7, $0x4D9, v0  }
0x76: {  	v2 =	vsel vm7, $0x559, v2;
	v1 =	vsel vm7, $0x519, v1;
	v0 =	vsel vm15, $0x4E0, v0  }
0x77: {  	v2 =	vsel vm15, $0x560, v2;
	v1 =	vsel vm15, $0x520, v1;
	v0 =	vsel vm1, $0x4E1, v0  }
0x78: {  	v2 =	vsel vm1, $0x561, v2;
	v1 =	vsel vm1, $0x521, v1;
	v0 =	vsel vm2, $0x4E8, v0  }
0x79: {  	v2 =	vsel vm2, $0x568, v2;
	v1 =	vsel vm2, $0x528, v1;
	v0 =	vsel vm3, $0x4E9, v0  }
0x7a: {  	v2 =	vsel vm3, $0x569, v2;
	v1 =	vsel vm3, $0x529, v1;
	v0 =	vsel vm4, $0x4F0, v0  }
0x7b: {  	v2 =	vsel vm4, $0x570, v2;
	v1 =	vsel vm4, $0x530, v1;
	v0 =	vsel vm5, $0x4F1, v0  }
0x7c: {  	v19 =	vsel vm6, $0x4F8, v0;
	v0 =	vsel vm5, $0x531, v1;
	v1 =	vsel vm5, $0x571, v2  }
0x7d: {  	v2 =	vimm.s32 $0x639;
	v20 =	vsel vm6, $0x538, v0;
	v0 =	vimm.s32 $0x5B9  }
0x7e: {  	v21 =	vsel vm6, $0x578, v1;
	v1 =	vimm.s32 $0x5F9;
	v0 =	vsel vm14, $0x580, v0  }
0x7f: {  	v2 =	vsel vm14, $0x600, v2;
	v1 =	vsel vm14, $0x5C0, v1;
	v0 =	vsel vm13, $0x581, v0  }
0x80: {  	v2 =	vsel vm13, $0x601, v2;
	v1 =	vsel vm13, $0x5C1, v1;
	v0 =	vsel vm12, $0x588, v0  }
0x81: {  	v2 =	vsel vm12, $0x608, v2;
	v1 =	vsel vm12, $0x5C8, v1;
	v0 =	vsel vm11, $0x589, v0  }
0x82: {  	v2 =	vsel vm11, $0x609, v2;
	v1 =	vsel vm11, $0x5C9, v1;
	v0 =	vsel vm10, $0x590, v0  }
0x83: {  	v2 =	vsel vm10, $0x610, v2;
	v1 =	vsel vm10, $0x5D0, v1;
	v0 =	vsel vm9, $0x591, v0  }
0x84: {  	v2 =	vsel vm9, $0x611, v2;
	v1 =	vsel vm9, $0x5D1, v1;
	v0 =	vsel vm8, $0x598, v0  }
0x85: {  	v2 =	vsel vm8, $0x618, v2;
	v1 =	vsel vm8, $0x5D8, v1;
	v0 =	vsel vm7, $0x599, v0  }
0x86: {  	v2 =	vsel vm7, $0x619, v2;
	v1 =	vsel vm7, $0x5D9, v1;
	v0 =	vsel vm15, $0x5A0, v0  }
0x87: {  	v2 =	vsel vm15, $0x620, v2;
	v1 =	vsel vm15, $0x5E0, v1;
	v0 =	vsel vm1, $0x5A1, v0  }
0x88: {  	v2 =	vsel vm1, $0x621, v2;
	v1 =	vsel vm1, $0x5E1, v1;
	v0 =	vsel vm2, $0x5A8, v0  }
0x89: {  	v2 =	vsel vm2, $0x628, v2;
	v1 =	vsel vm2, $0x5E8, v1;
	v0 =	vsel vm3, $0x5A9, v0  }
0x8a: {  	v2 =	vsel vm3, $0x629, v2;
	v1 =	vsel vm3, $0x5E9, v1;
	v0 =	vsel vm4, $0x5B0, v0  }
0x8b: {  	v2 =	vsel vm4, $0x630, v2;
	v1 =	vsel vm4, $0x5F0, v1;
	v0 =	vsel vm5, $0x5B1, v0  }
0x8c: {  	v22 =	vsel vm6, $0x5B8, v0;
	v0 =	vsel vm5, $0x5F1, v1;
	v1 =	vsel vm5, $0x631, v2  }
0x8d: {  	v2 =	vimm.s32 $0x6F9;
	v23 =	vsel vm6, $0x5F8, v0;
	v0 =	vimm.s32 $0x679  }
0x8e: {  	v24 =	vsel vm6, $0x638, v1;
	v1 =	vimm.s32 $0x6B9;
	v0 =	vsel vm14, $0x640, v0  }
0x8f: {  	v2 =	vsel vm14, $0x6C0, v2;
	v1 =	vsel vm14, $0x680, v1;
	v0 =	vsel vm13, $0x641, v0  }
0x90: {  	v2 =	vsel vm13, $0x6C1, v2;
	v1 =	vsel vm13, $0x681, v1;
	v0 =	vsel vm12, $0x648, v0  }
0x91: {  	v2 =	vsel vm12, $0x6C8, v2;
	v1 =	vsel vm12, $0x688, v1;
	v0 =	vsel vm11, $0x649, v0  }
0x92: {  	v2 =	vsel vm11, $0x6C9, v2;
	v1 =	vsel vm11, $0x689, v1;
	v0 =	vsel vm10, $0x650, v0  }
0x93: {  	v2 =	vsel vm10, $0x6D0, v2;
	v1 =	vsel vm10, $0x690, v1;
	v0 =	vsel vm9, $0x651, v0  }
0x94: {  	v2 =	vsel vm9, $0x6D1, v2;
	v1 =	vsel vm9, $0x691, v1;
	v0 =	vsel vm8, $0x658, v0  }
0x95: {  	v2 =	vsel vm8, $0x6D8, v2;
	v1 =	vsel vm8, $0x698, v1;
	v0 =	vsel vm7, $0x659, v0  }
0x96: {  	v2 =	vsel vm7, $0x6D9, v2;
	v1 =	vsel vm7, $0x699, v1;
	v0 =	vsel vm15, $0x660, v0  }
0x97: {  	v2 =	vsel vm15, $0x6E0, v2;
	v1 =	vsel vm15, $0x6A0, v1;
	v0 =	vsel vm1, $0x661, v0  }
0x98: {  	v2 =	vsel vm1, $0x6E1, v2;
	v1 =	vsel vm1, $0x6A1, v1;
	v0 =	vsel vm2, $0x668, v0  }
0x99: {  	v2 =	vsel vm2, $0x6E8, v2;
	v1 =	vsel vm2, $0x6A8, v1;
	v0 =	vsel vm3, $0x669, v0  }
0x9a: {  	v2 =	vsel vm3, $0x6E9, v2;
	v1 =	vsel vm3, $0x6A9, v1;
	v0 =	vsel vm4, $0x670, v0  }
0x9b: {  	v2 =	vsel vm4, $0x6F0, v2;
	v1 =	vsel vm4, $0x6B0, v1;
	v0 =	vsel vm5, $0x671, v0  }
0x9c: {  	v25 =	vsel vm6, $0x678, v0;
	v0 =	vsel vm5, $0x6B1, v1;
	v1 =	vsel vm5, $0x6F1, v2  }
0x9d: {  	v2 =	vimm.s32 $0x7B9;
	v26 =	vsel vm6, $0x6B8, v0;
	v0 =	vimm.s32 $0x739  }
0x9e: {  	v27 =	vsel vm6, $0x6F8, v1;
	v1 =	vimm.s32 $0x779;
	v0 =	vsel vm14, $0x700, v0  }
0x9f: {  	v2 =	vsel vm14, $0x780, v2;
	v1 =	vsel vm14, $0x740, v1;
	v0 =	vsel vm13, $0x701, v0  }
0xa0: {  	v2 =	vsel vm13, $0x781, v2;
	v1 =	vsel vm13, $0x741, v1;
	v0 =	vsel vm12, $0x708, v0  }
0xa1: {  	v2 =	vsel vm12, $0x788, v2;
	v1 =	vsel vm12, $0x748, v1;
	v0 =	vsel vm11, $0x709, v0  }
0xa2: {  	v2 =	vsel vm11, $0x789, v2;
	v1 =	vsel vm11, $0x749, v1;
	v0 =	vsel vm10, $0x710, v0  }
0xa3: {  	v2 =	vsel vm10, $0x790, v2;
	v1 =	vsel vm10, $0x750, v1;
	v0 =	vsel vm9, $0x711, v0  }
0xa4: {  	v2 =	vsel vm9, $0x791, v2;
	v1 =	vsel vm9, $0x751, v1;
	v0 =	vsel vm8, $0x718, v0  }
0xa5: {  	v2 =	vsel vm8, $0x798, v2;
	v1 =	vsel vm8, $0x758, v1;
	v0 =	vsel vm7, $0x719, v0  }
0xa6: {  	v2 =	vsel vm7, $0x799, v2;
	v1 =	vsel vm7, $0x759, v1;
	v0 =	vsel vm15, $0x720, v0  }
0xa7: {  	v2 =	vsel vm15, $0x7A0, v2;
	v1 =	vsel vm15, $0x760, v1;
	v0 =	vsel vm1, $0x721, v0  }
0xa8: {  	v2 =	vsel vm1, $0x7A1, v2;
	v1 =	vsel vm1, $0x761, v1;
	v0 =	vsel vm2, $0x728, v0  }
0xa9: {  	v2 =	vsel vm2, $0x7A8, v2;
	v1 =	vsel vm2, $0x768, v1;
	v0 =	vsel vm3, $0x729, v0  }
0xaa: {  	v2 =	vsel vm3, $0x7A9, v2;
	v1 =	vsel vm3, $0x769, v1;
	v0 =	vsel vm4, $0x730, v0  }
0xab: {  	v2 =	vsel vm4, $0x7B0, v2;
	v1 =	vsel vm4, $0x770, v1;
	v0 =	vsel vm5, $0x731, v0  }
0xac: {  	v28 =	vsel vm6, $0x738, v0;
	v0 =	vsel vm5, $0x771, v1;
	v1 =	vsel vm5, $0x7B1, v2  }
0xad: {  	v2 =	vimm.s32 $0x879;
	v29 =	vsel vm6, $0x778, v0;
	v0 =	vimm.s32 $0x7F9  }
0xae: {  	v30 =	vsel vm6, $0x7B8, v1;
	v1 =	vimm.s32 $0x839;
	v0 =	vsel vm14, $0x7C0, v0  }
0xaf: {  	v2 =	vsel vm14, $0x840, v2;
	v1 =	vsel vm14, $0x800, v1;
	v0 =	vsel vm13, $0x7C1, v0  }
0xb0: {  	v2 =	vsel vm13, $0x841, v2;
	v1 =	vsel vm13, $0x801, v1;
	v0 =	vsel vm12, $0x7C8, v0  }
0xb1: {  	v2 =	vsel vm12, $0x848, v2;
	v1 =	vsel vm12, $0x808, v1;
	v0 =	vsel vm11, $0x7C9, v0  }
0xb2: {  	v2 =	vsel vm11, $0x849, v2;
	v1 =	vsel vm11, $0x809, v1;
	v0 =	vsel vm10, $0x7D0, v0  }
0xb3: {  	v2 =	vsel vm10, $0x850, v2;
	v1 =	vsel vm10, $0x810, v1;
	v0 =	vsel vm9, $0x7D1, v0  }
0xb4: {  	v2 =	vsel vm9, $0x851, v2;
	v1 =	vsel vm9, $0x811, v1;
	v0 =	vsel vm8, $0x7D8, v0  }
0xb5: {  	v2 =	vsel vm8, $0x858, v2;
	v1 =	vsel vm8, $0x818, v1;
	v0 =	vsel vm7, $0x7D9, v0  }
0xb6: {  	v2 =	vsel vm7, $0x859, v2;
	v1 =	vsel vm7, $0x819, v1;
	v0 =	vsel vm15, $0x7E0, v0  }
0xb7: {  	v2 =	vsel vm15, $0x860, v2;
	v1 =	vsel vm15, $0x820, v1;
	v0 =	vsel vm1, $0x7E1, v0  }
0xb8: {  	v2 =	vsel vm1, $0x861, v2;
	v1 =	vsel vm1, $0x821, v1;
	v0 =	vsel vm2, $0x7E8, v0  }
0xb9: {  	v2 =	vsel vm2, $0x868, v2;
	v1 =	vsel vm2, $0x828, v1;
	v0 =	vsel vm3, $0x7E9, v0  }
0xba: {  	v2 =	vsel vm3, $0x869, v2;
	v1 =	vsel vm3, $0x829, v1;
	v0 =	vsel vm4, $0x7F0, v0  }
0xbb: {  	v2 =	vsel vm4, $0x870, v2;
	v1 =	vsel vm4, $0x830, v1;
	v0 =	vsel vm5, $0x7F1, v0  }
0xbc: {  	v31 =	vsel vm6, $0x7F8, v0;
	v0 =	vsel vm5, $0x831, v1;
	v1 =	vsel vm5, $0x871, v2  }
0xbd: {  	v2 =	vimm.s32 $0x939;
	v32 =	vsel vm6, $0x838, v0;
	v0 =	vimm.s32 $0x8B9  }
0xbe: {  	v33 =	vsel vm6, $0x878, v1;
	v1 =	vimm.s32 $0x8F9;
	v0 =	vsel vm14, $0x880, v0  }
0xbf: {  	v2 =	vsel vm14, $0x900, v2;
	v1 =	vsel vm14, $0x8C0, v1;
	v0 =	vsel vm13, $0x881, v0  }
0xc0: {  	v2 =	vsel vm13, $0x901, v2;
	v1 =	vsel vm13, $0x8C1, v1;
	v0 =	vsel vm12, $0x888, v0  }
0xc1: {  	v2 =	vsel vm12, $0x908, v2;
	v1 =	vsel vm12, $0x8C8, v1;
	v0 =	vsel vm11, $0x889, v0  }
0xc2: {  	v2 =	vsel vm11, $0x909, v2;
	v1 =	vsel vm11, $0x8C9, v1;
	v0 =	vsel vm10, $0x890, v0  }
0xc3: {  	v2 =	vsel vm10, $0x910, v2;
	v1 =	vsel vm10, $0x8D0, v1;
	v0 =	vsel vm9, $0x891, v0  }
0xc4: {  	v2 =	vsel vm9, $0x911, v2;
	v1 =	vsel vm9, $0x8D1, v1;
	v0 =	vsel vm8, $0x898, v0  }
0xc5: {  	v2 =	vsel vm8, $0x918, v2;
	v1 =	vsel vm8, $0x8D8, v1;
	v0 =	vsel vm7, $0x899, v0  }
0xc6: {  	v2 =	vsel vm7, $0x919, v2;
	v1 =	vsel vm7, $0x8D9, v1;
	v0 =	vsel vm15, $0x8A0, v0  }
0xc7: {  	v2 =	vsel vm15, $0x920, v2;
	v1 =	vsel vm15, $0x8E0, v1;
	v0 =	vsel vm1, $0x8A1, v0  }
0xc8: {  	v2 =	vsel vm1, $0x921, v2;
	v1 =	vsel vm1, $0x8E1, v1;
	v0 =	vsel vm2, $0x8A8, v0  }
0xc9: {  	v2 =	vsel vm2, $0x928, v2;
	v1 =	vsel vm2, $0x8E8, v1;
	v0 =	vsel vm3, $0x8A9, v0  }
0xca: {  	v2 =	vsel vm3, $0x929, v2;
	v1 =	vsel vm3, $0x8E9, v1;
	v0 =	vsel vm4, $0x8B0, v0  }
0xcb: {  	v2 =	vsel vm4, $0x930, v2;
	v1 =	vsel vm4, $0x8F0, v1;
	v0 =	vsel vm5, $0x8B1, v0  }
0xcc: {  	v34 =	vsel vm6, $0x8B8, v0;
	v0 =	vsel vm5, $0x8F1, v1;
	v1 =	vsel vm5, $0x931, v2  }
0xcd: {  	v2 =	vimm.s32 $0x9F9;
	v35 =	vsel vm6, $0x8F8, v0;
	v0 =	vimm.s32 $0x979  }
0xce: {  	v36 =	vsel vm6, $0x938, v1;
	v1 =	vimm.s32 $0x9B9;
	v0 =	vsel vm14, $0x940, v0  }
0xcf: {  	v2 =	vsel vm14, $0x9C0, v2;
	v1 =	vsel vm14, $0x980, v1;
	v0 =	vsel vm13, $0x941, v0  }
0xd0: {  	v2 =	vsel vm13, $0x9C1, v2;
	v1 =	vsel vm13, $0x981, v1;
	v0 =	vsel vm12, $0x948, v0  }
0xd1: {  	v2 =	vsel vm12, $0x9C8, v2;
	v1 =	vsel vm12, $0x988, v1;
	v0 =	vsel vm11, $0x949, v0  }
0xd2: {  	v2 =	vsel vm11, $0x9C9, v2;
	v1 =	vsel vm11, $0x989, v1;
	v0 =	vsel vm10, $0x950, v0  }
0xd3: {  	v2 =	vsel vm10, $0x9D0, v2;
	v1 =	vsel vm10, $0x990, v1;
	v0 =	vsel vm9, $0x951, v0  }
0xd4: {  	v2 =	vsel vm9, $0x9D1, v2;
	v1 =	vsel vm9, $0x991, v1;
	v0 =	vsel vm8, $0x958, v0  }
0xd5: {  	v2 =	vsel vm8, $0x9D8, v2;
	v1 =	vsel vm8, $0x998, v1;
	v0 =	vsel vm7, $0x959, v0  }
0xd6: {  	v2 =	vsel vm7, $0x9D9, v2;
	v1 =	vsel vm7, $0x999, v1;
	v0 =	vsel vm15, $0x960, v0  }
0xd7: {  	v2 =	vsel vm15, $0x9E0, v2;
	v1 =	vsel vm15, $0x9A0, v1;
	v0 =	vsel vm1, $0x961, v0  }
0xd8: {  	v2 =	vsel vm1, $0x9E1, v2;
	v1 =	vsel vm1, $0x9A1, v1;
	v0 =	vsel vm2, $0x968, v0  }
0xd9: {  	v2 =	vsel vm2, $0x9E8, v2;
	v1 =	vsel vm2, $0x9A8, v1;
	v0 =	vsel vm3, $0x969, v0  }
0xda: {  	v2 =	vsel vm3, $0x9E9, v2;
	v1 =	vsel vm3, $0x9A9, v1;
	v0 =	vsel vm4, $0x970, v0  }
0xdb: {  	v2 =	vsel vm4, $0x9F0, v2;
	v1 =	vsel vm4, $0x9B0, v1;
	v0 =	vsel vm5, $0x971, v0  }
0xdc: {  	v37 =	vsel vm6, $0x978, v0;
	v0 =	vsel vm5, $0x9B1, v1;
	v1 =	vsel vm5, $0x9F1, v2  }
0xdd: {  	v2 =	vimm.s32 $0xAB9;
	v38 =	vsel vm6, $0x9B8, v0;
	v0 =	vimm.s32 $0xA39  }
0xde: {  	v39 =	vsel vm6, $0x9F8, v1;
	v1 =	vimm.s32 $0xA79;
	v0 =	vsel vm14, $0xA00, v0  }
0xdf: {  	v2 =	vsel vm14, $0xA80, v2;
	v1 =	vsel vm14, $0xA40, v1;
	v0 =	vsel vm13, $0xA01, v0  }
0xe0: {  	v2 =	vsel vm13, $0xA81, v2;
	v1 =	vsel vm13, $0xA41, v1;
	v0 =	vsel vm12, $0xA08, v0  }
0xe1: {  	v2 =	vsel vm12, $0xA88, v2;
	v1 =	vsel vm12, $0xA48, v1;
	v0 =	vsel vm11, $0xA09, v0  }
0xe2: {  	v2 =	vsel vm11, $0xA89, v2;
	v1 =	vsel vm11, $0xA49, v1;
	v0 =	vsel vm10, $0xA10, v0  }
0xe3: {  	v2 =	vsel vm10, $0xA90, v2;
	v1 =	vsel vm10, $0xA50, v1;
	v0 =	vsel vm9, $0xA11, v0  }
0xe4: {  	v2 =	vsel vm9, $0xA91, v2;
	v1 =	vsel vm9, $0xA51, v1;
	v0 =	vsel vm8, $0xA18, v0  }
0xe5: {  	v2 =	vsel vm8, $0xA98, v2;
	v1 =	vsel vm8, $0xA58, v1;
	v0 =	vsel vm7, $0xA19, v0  }
0xe6: {  	v2 =	vsel vm7, $0xA99, v2;
	v1 =	vsel vm7, $0xA59, v1;
	v0 =	vsel vm15, $0xA20, v0  }
0xe7: {  	v2 =	vsel vm15, $0xAA0, v2;
	v1 =	vsel vm15, $0xA60, v1;
	v0 =	vsel vm1, $0xA21, v0  }
0xe8: {  	v2 =	vsel vm1, $0xAA1, v2;
	v1 =	vsel vm1, $0xA61, v1;
	v0 =	vsel vm2, $0xA28, v0  }
0xe9: {  	v2 =	vsel vm2, $0xAA8, v2;
	v1 =	vsel vm2, $0xA68, v1;
	v0 =	vsel vm3, $0xA29, v0  }
0xea: {  	v2 =	vsel vm3, $0xAA9, v2;
	v1 =	vsel vm3, $0xA69, v1;
	v0 =	vsel vm4, $0xA30, v0  }
0xeb: {  	v2 =	vsel vm4, $0xAB0, v2;
	v1 =	vsel vm4, $0xA70, v1;
	v0 =	vsel vm5, $0xA31, v0  }
0xec: {  	v40 =	vsel vm6, $0xA38, v0;
	v0 =	vsel vm5, $0xA71, v1;
	v1 =	vsel vm5, $0xAB1, v2  }
0xed: {  	v2 =	vimm.s32 $0xB79;
	v41 =	vsel vm6, $0xA78, v0;
	v0 =	vimm.s32 $0xAF9  }
0xee: {  	v42 =	vsel vm6, $0xAB8, v1;
	v1 =	vimm.s32 $0xB39;
	v0 =	vsel vm14, $0xAC0, v0  }
0xef: {  	v2 =	vsel vm14, $0xB40, v2;
	v1 =	vsel vm14, $0xB00, v1;
	v0 =	vsel vm13, $0xAC1, v0  }
0xf0: {  	v2 =	vsel vm13, $0xB41, v2;
	v1 =	vsel vm13, $0xB01, v1;
	v0 =	vsel vm12, $0xAC8, v0  }
0xf1: {  	v2 =	vsel vm12, $0xB48, v2;
	v1 =	vsel vm12, $0xB08, v1;
	v0 =	vsel vm11, $0xAC9, v0  }
0xf2: {  	v2 =	vsel vm11, $0xB49, v2;
	v1 =	vsel vm11, $0xB09, v1;
	v0 =	vsel vm10, $0xAD0, v0  }
0xf3: {  	v2 =	vsel vm10, $0xB50, v2;
	v1 =	vsel vm10, $0xB10, v1;
	v0 =	vsel vm9, $0xAD1, v0  }
0xf4: {  	v2 =	vsel vm9, $0xB51, v2;
	v1 =	vsel vm9, $0xB11, v1;
	v0 =	vsel vm8, $0xAD8, v0  }
0xf5: {  	v2 =	vsel vm8, $0xB58, v2;
	v1 =	vsel vm8, $0xB18, v1;
	v0 =	vsel vm7, $0xAD9, v0  }
0xf6: {  	v2 =	vsel vm7, $0xB59, v2;
	v1 =	vsel vm7, $0xB19, v1;
	v0 =	vsel vm15, $0xAE0, v0  }
0xf7: {  	v2 =	vsel vm15, $0xB60, v2;
	v1 =	vsel vm15, $0xB20, v1;
	v0 =	vsel vm1, $0xAE1, v0  }
0xf8: {  	v2 =	vsel vm1, $0xB61, v2;
	v1 =	vsel vm1, $0xB21, v1;
	v0 =	vsel vm2, $0xAE8, v0  }
0xf9: {  	v2 =	vsel vm2, $0xB68, v2;
	v1 =	vsel vm2, $0xB28, v1;
	v0 =	vsel vm3, $0xAE9, v0  }
0xfa: {  	v2 =	vsel vm3, $0xB69, v2;
	v1 =	vsel vm3, $0xB29, v1;
	v0 =	vsel vm4, $0xAF0, v0  }
0xfb: {  	v2 =	vsel vm4, $0xB70, v2;
	v1 =	vsel vm4, $0xB30, v1;
	v0 =	vsel vm5, $0xAF1, v0  }
0xfc: {  	v43 =	vsel vm6, $0xAF8, v0;
	v0 =	vsel vm5, $0xB31, v1;
	v1 =	vsel vm5, $0xB71, v2  }
0xfd: {  	v2 =	vimm.s32 $0xC39;
	v44 =	vsel vm6, $0xB38, v0;
	v0 =	vimm.s32 $0xBB9  }
0xfe: {  	v45 =	vsel vm6, $0xB78, v1;
	v1 =	vimm.s32 $0xBF9;
	v0 =	vsel vm14, $0xB80, v0  }
0xff: {  	v2 =	vsel vm14, $0xC00, v2;
	v1 =	vsel vm14, $0xBC0, v1;
	v0 =	vsel vm13, $0xB81, v0  }
0x100: {  	v2 =	vsel vm13, $0xC01, v2;
	v1 =	vsel vm13, $0xBC1, v1;
	v0 =	vsel vm12, $0xB88, v0  }
0x101: {  	v2 =	vsel vm12, $0xC08, v2;
	v1 =	vsel vm12, $0xBC8, v1;
	v0 =	vsel vm11, $0xB89, v0  }
0x102: {  	v2 =	vsel vm11, $0xC09, v2;
	v1 =	vsel vm11, $0xBC9, v1;
	v0 =	vsel vm10, $0xB90, v0  }
0x103: {  	v2 =	vsel vm10, $0xC10, v2;
	v1 =	vsel vm10, $0xBD0, v1;
	v0 =	vsel vm9, $0xB91, v0  }
0x104: {  	v2 =	vsel vm9, $0xC11, v2;
	v1 =	vsel vm9, $0xBD1, v1;
	v0 =	vsel vm8, $0xB98, v0  }
0x105: {  	v2 =	vsel vm8, $0xC18, v2;
	v1 =	vsel vm8, $0xBD8, v1;
	v0 =	vsel vm7, $0xB99, v0  }
0x106: {  	v2 =	vsel vm7, $0xC19, v2;
	v1 =	vsel vm7, $0xBD9, v1;
	v0 =	vsel vm15, $0xBA0, v0  }
0x107: {  	v2 =	vsel vm15, $0xC20, v2;
	v1 =	vsel vm15, $0xBE0, v1;
	v0 =	vsel vm1, $0xBA1, v0  }
0x108: {  	v2 =	vsel vm1, $0xC21, v2;
	v1 =	vsel vm1, $0xBE1, v1;
	v0 =	vsel vm2, $0xBA8, v0  }
0x109: {  	v2 =	vsel vm2, $0xC28, v2;
	v1 =	vsel vm2, $0xBE8, v1;
	v0 =	vsel vm3, $0xBA9, v0  }
0x10a: {  	v2 =	vsel vm3, $0xC29, v2;
	v1 =	vsel vm3, $0xBE9, v1;
	v0 =	vsel vm4, $0xBB0, v0  }
0x10b: {  	v2 =	vsel vm4, $0xC30, v2;
	v1 =	vsel vm4, $0xBF0, v1;
	v0 =	vsel vm5, $0xBB1, v0  }
0x10c: {  	v46 =	vsel vm6, $0xBB8, v0;
	v0 =	vsel vm5, $0xBF1, v1;
	v1 =	vsel vm5, $0xC31, v2  }
0x10d: {  	v2 =	vimm.s32 $0xCF9;
	v47 =	vsel vm6, $0xBF8, v0;
	v0 =	vimm.s32 $0xC79  }
0x10e: {  	v48 =	vsel vm6, $0xC38, v1;
	v1 =	vimm.s32 $0xCB9;
	v0 =	vsel vm14, $0xC40, v0  }
0x10f: {  	v2 =	vsel vm14, $0xCC0, v2;
	v1 =	vsel vm14, $0xC80, v1;
	v0 =	vsel vm13, $0xC41, v0  }
0x110: {  	v2 =	vsel vm13, $0xCC1, v2;
	v1 =	vsel vm13, $0xC81, v1;
	v0 =	vsel vm12, $0xC48, v0  }
0x111: {  	v2 =	vsel vm12, $0xCC8, v2;
	v1 =	vsel vm12, $0xC88, v1;
	v0 =	vsel vm11, $0xC49, v0  }
0x112: {  	v2 =	vsel vm11, $0xCC9, v2;
	v1 =	vsel vm11, $0xC89, v1;
	v0 =	vsel vm10, $0xC50, v0  }
0x113: {  	v2 =	vsel vm10, $0xCD0, v2;
	v1 =	vsel vm10, $0xC90, v1;
	v0 =	vsel vm9, $0xC51, v0  }
0x114: {  	v2 =	vsel vm9, $0xCD1, v2;
	v1 =	vsel vm9, $0xC91, v1;
	v0 =	vsel vm8, $0xC58, v0  }
0x115: {  	v2 =	vsel vm8, $0xCD8, v2;
	v1 =	vsel vm8, $0xC98, v1;
	v0 =	vsel vm7, $0xC59, v0  }
0x116: {  	v2 =	vsel vm7, $0xCD9, v2;
	v1 =	vsel vm7, $0xC99, v1;
	v0 =	vsel vm15, $0xC60, v0  }
0x117: {  	v2 =	vsel vm15, $0xCE0, v2;
	v1 =	vsel vm15, $0xCA0, v1;
	v0 =	vsel vm1, $0xC61, v0  }
0x118: {  	v2 =	vsel vm1, $0xCE1, v2;
	v1 =	vsel vm1, $0xCA1, v1;
	v0 =	vsel vm2, $0xC68, v0  }
0x119: {  	v2 =	vsel vm2, $0xCE8, v2;
	v1 =	vsel vm2, $0xCA8, v1;
	v0 =	vsel vm3, $0xC69, v0  }
0x11a: {  	v2 =	vsel vm3, $0xCE9, v2;
	v1 =	vsel vm3, $0xCA9, v1;
	v0 =	vsel vm4, $0xC70, v0  }
0x11b: {  	v2 =	vsel vm4, $0xCF0, v2;
	v1 =	vsel vm4, $0xCB0, v1;
	v0 =	vsel vm5, $0xC71, v0  }
0x11c: {  	v49 =	vsel vm6, $0xC78, v0;
	v0 =	vsel vm5, $0xCB1, v1;
	v1 =	vsel vm5, $0xCF1, v2  }
0x11d: {  	v2 =	vimm.s32 $0xDB9;
	v50 =	vsel vm6, $0xCB8, v0;
	v0 =	vimm.s32 $0xD39  }
0x11e: {  	v51 =	vsel vm6, $0xCF8, v1;
	v1 =	vimm.s32 $0xD79;
	v0 =	vsel vm14, $0xD00, v0  }
0x11f: {  	v2 =	vsel vm14, $0xD80, v2;
	v1 =	vsel vm14, $0xD40, v1;
	v0 =	vsel vm13, $0xD01, v0  }
0x120: {  	v2 =	vsel vm13, $0xD81, v2;
	v1 =	vsel vm13, $0xD41, v1;
	v0 =	vsel vm12, $0xD08, v0  }
0x121: {  	v2 =	vsel vm12, $0xD88, v2;
	v1 =	vsel vm12, $0xD48, v1;
	v0 =	vsel vm11, $0xD09, v0  }
0x122: {  	v2 =	vsel vm11, $0xD89, v2;
	v1 =	vsel vm11, $0xD49, v1;
	v0 =	vsel vm10, $0xD10, v0  }
0x123: {  	v2 =	vsel vm10, $0xD90, v2;
	v1 =	vsel vm10, $0xD50, v1;
	v0 =	vsel vm9, $0xD11, v0  }
0x124: {  	v2 =	vsel vm9, $0xD91, v2;
	v1 =	vsel vm9, $0xD51, v1;
	v0 =	vsel vm8, $0xD18, v0  }
0x125: {  	v2 =	vsel vm8, $0xD98, v2;
	v1 =	vsel vm8, $0xD58, v1;
	v0 =	vsel vm7, $0xD19, v0  }
0x126: {  	v2 =	vsel vm7, $0xD99, v2;
	v1 =	vsel vm7, $0xD59, v1;
	v0 =	vsel vm15, $0xD20, v0  }
0x127: {  	v2 =	vsel vm15, $0xDA0, v2;
	v1 =	vsel vm15, $0xD60, v1;
	v0 =	vsel vm1, $0xD21, v0  }
0x128: {  	v2 =	vsel vm1, $0xDA1, v2;
	v1 =	vsel vm1, $0xD61, v1;
	v0 =	vsel vm2, $0xD28, v0  }
0x129: {  	v2 =	vsel vm2, $0xDA8, v2;
	v1 =	vsel vm2, $0xD68, v1;
	v0 =	vsel vm3, $0xD29, v0  }
0x12a: {  	v2 =	vsel vm3, $0xDA9, v2;
	v1 =	vsel vm3, $0xD69, v1;
	v0 =	vsel vm4, $0xD30, v0  }
0x12b: {  	v2 =	vsel vm4, $0xDB0, v2;
	v1 =	vsel vm4, $0xD70, v1;
	v0 =	vsel vm5, $0xD31, v0  }
0x12c: {  	v52 =	vsel vm6, $0xD38, v0;
	v0 =	vsel vm5, $0xD71, v1;
	v1 =	vsel vm5, $0xDB1, v2  }
0x12d: {  	v2 =	vimm.s32 $0xE79;
	v53 =	vsel vm6, $0xD78, v0;
	v0 =	vimm.s32 $0xDF9  }
0x12e: {  	v54 =	vsel vm6, $0xDB8, v1;
	v1 =	vimm.s32 $0xE39;
	v0 =	vsel vm14, $0xDC0, v0  }
0x12f: {  	v2 =	vsel vm14, $0xE40, v2;
	v1 =	vsel vm14, $0xE00, v1;
	v0 =	vsel vm13, $0xDC1, v0  }
0x130: {  	v2 =	vsel vm13, $0xE41, v2;
	v1 =	vsel vm13, $0xE01, v1;
	v0 =	vsel vm12, $0xDC8, v0  }
0x131: {  	v2 =	vsel vm12, $0xE48, v2;
	v1 =	vsel vm12, $0xE08, v1;
	v0 =	vsel vm11, $0xDC9, v0  }
0x132: {  	v2 =	vsel vm11, $0xE49, v2;
	v1 =	vsel vm11, $0xE09, v1;
	v0 =	vsel vm10, $0xDD0, v0  }
0x133: {  	v2 =	vsel vm10, $0xE50, v2;
	v1 =	vsel vm10, $0xE10, v1;
	v0 =	vsel vm9, $0xDD1, v0  }
0x134: {  	v2 =	vsel vm9, $0xE51, v2;
	v1 =	vsel vm9, $0xE11, v1;
	v0 =	vsel vm8, $0xDD8, v0  }
0x135: {  	v2 =	vsel vm8, $0xE58, v2;
	v1 =	vsel vm8, $0xE18, v1;
	v0 =	vsel vm7, $0xDD9, v0  }
0x136: {  	v2 =	vsel vm7, $0xE59, v2;
	v1 =	vsel vm7, $0xE19, v1;
	v0 =	vsel vm15, $0xDE0, v0  }
0x137: {  	v2 =	vsel vm15, $0xE60, v2;
	v1 =	vsel vm15, $0xE20, v1;
	v0 =	vsel vm1, $0xDE1, v0  }
0x138: {  	v2 =	vsel vm1, $0xE61, v2;
	v1 =	vsel vm1, $0xE21, v1;
	v0 =	vsel vm2, $0xDE8, v0  }
0x139: {  	s0 =	rddreg [dreg:$0x0];
	v2 =	vsel vm2, $0xE68, v2;
	v1 =	vsel vm2, $0xE28, v1;
	v0 =	vsel vm3, $0xDE9, v0  }
0x13a: {  	s1 =	rddreg [dreg:$0x1];
	s2 =	simm.s32 $0x0;
	v2 =	vsel vm3, $0xE69, v2;
	v1 =	vsel vm3, $0xE29, v1;
	v0 =	vsel vm4, $0xDF0, v0  }
0x13b: {  	s3 =	srdreg.scid;
	s4 =	stileid.u32;
	s28 =	simm.s32 $0x5;
	v2 =	vsel vm4, $0xE70, v2;
	v1 =	vsel vm4, $0xE30, v1;
	v0 =	vsel vm5, $0xDF1, v0  }
0x13c: {  	s29 =	simm.s32 $0x6;
	s30 =	simm.s32 $0xB;
	s8 =	sadd.s32 $0x5B9A00, s0;
	v55 =	vsel vm6, $0xDF8, v0;
	v0 =	vsel vm5, $0xE31, v1;
	v1 =	vsel vm5, $0xE71, v2  }
0x13d: {  	[smem:$0x7FF] =	sst s2;
	s3 =	sand.u32 $0x1, s3;
	s9 =	sadd.s32 $0x494A00, s0;
	v2 =	vimm.s32 $0xF39;
	v56 =	vsel vm6, $0xE38, v0;
	v0 =	vimm.s32 $0xEB9  }
0x13e: {  	s4 =	sshll.u32 s4, $0x1;
	_ =	strace $0x80000047;
	[dreg:$0x3] =	wrdreg s8;
	v57 =	vsel vm6, $0xE78, v1;
	v1 =	vimm.s32 $0xEF9;
	v0 =	vsel vm14, $0xE80, v0  }
0x13f: {  	s5 =	sadd.s32 $0x5400, s0;
	s15 =	sadd.s32 $0x1C00, s0;
	[dreg:$0x4] =	wrdreg s9;
	v2 =	vsel vm14, $0xF00, v2;
	v1 =	vsel vm14, $0xEC0, v1;
	v0 =	vsel vm13, $0xE81, v0  }
0x140: {  	s16 =	sadd.s32 $0x7C00, s0;
	s4 =	sor.u32 s3, s4;
	[dreg:$0x5] =	wrdreg s15;
	v2 =	vsel vm13, $0xF01, v2;
	v1 =	vsel vm13, $0xEC1, v1;
	v0 =	vsel vm12, $0xE88, v0  }
0x141: {  	s17 =	sadd.s32 $0xA00, s0;
	s10 =	sshll.u32 s4, $0x6;
	[dreg:$0x6] =	wrdreg s16;
	v2 =	vsel vm12, $0xF08, v2;
	v1 =	vsel vm12, $0xEC8, v1;
	v0 =	vsel vm11, $0xE89, v0  }
0x142: {  	s19 =	sadd.s32 s5, s10;
	s20 =	sor.u32 $0x800, s10;
	[dreg:$0x7] =	wrdreg s17;
	v2 =	vsel vm11, $0xF09, v2;
	v1 =	vsel vm11, $0xEC9, v1;
	v0 =	vsel vm10, $0xE90, v0  }
0x143: {  	s31 =	simm.s32 $0xC;
	s11 =	sadd.s32 s5, s20;
	[dreg:$0x8] =	wrdreg s19;
	v2 =	vsel vm10, $0xF10, v2;
	v1 =	vsel vm10, $0xED0, v1;
	v0 =	vsel vm9, $0xE91, v0  }
0x144: {  	s21 =	sadd.s32 $0x61B480, s0;
	s22 =	sor.u32 $0x1000, s10;
	[dreg:$0x9] =	wrdreg s11;
	v2 =	vsel vm9, $0xF11, v2;
	v1 =	vsel vm9, $0xED1, v1;
	v0 =	vsel vm8, $0xE98, v0  }
0x145: {  	s23 =	sadd.s32 $0x67CF00, s0;
	s5 =	sadd.s32 s5, s22;
	[dreg:$0xa] =	wrdreg s21;
	v2 =	vsel vm8, $0xF18, v2;
	v1 =	vsel vm8, $0xED8, v1;
	v0 =	vsel vm7, $0xE99, v0  }
0x146: {  	s6 =	sadd.s32 $0x3C00, s0;
	s26 =	sadd.s32 $0x4F6480, s0;
	[dreg:$0xb] =	wrdreg s5;
	v2 =	vsel vm7, $0xF19, v2;
	v1 =	vsel vm7, $0xED9, v1;
	v0 =	vsel vm15, $0xEA0, v0  }
0x147: {  	s13 =	sadd.s32 $0x557F00, s0;
	s24 =	sadd.s32 s6, s10;
	[dreg:$0xc] =	wrdreg s23;
	v2 =	vsel vm15, $0xF20, v2;
	v1 =	vsel vm15, $0xEE0, v1;
	v0 =	vsel vm1, $0xEA1, v0  }
0x148: {  	s3 =	ssub.s32 $0x2, s3;
	s25 =	sadd.s32 s6, s20;
	[dreg:$0xd] =	wrdreg s24;
	v2 =	vsel vm1, $0xF21, v2;
	v1 =	vsel vm1, $0xEE1, v1;
	v0 =	vsel vm2, $0xEA8, v0  }
0x149: {  	s7 =	sshll.u32 s4, $0x7;
	s18 =	sshrl.u32 s3, $0x1;
	[dreg:$0xe] =	wrdreg s25;
	v2 =	vsel vm2, $0xF28, v2;
	v1 =	vsel vm2, $0xEE8, v1;
	v0 =	vsel vm3, $0xEA9, v0  }
0x14a: {  	s4 =	smul.u32 $0x4200, s4;
	s12 =	sadd.s32 s6, s22;
	[dreg:$0xf] =	wrdreg s26;
	v2 =	vsel vm3, $0xF29, v2;
	v1 =	vsel vm3, $0xEE9, v1;
	v0 =	vsel vm4, $0xEB0, v0  }
0x14b: {  	s7 =	sadd.s32 s7, s0;
	s3 =	ssub.s32 s3, s18;
	[dreg:$0x10] =	wrdreg s12;
	v2 =	vsel vm4, $0xF30, v2;
	v1 =	vsel vm4, $0xEF0, v1;
	v0 =	vsel vm5, $0xEB1, v0  }
0x14c: {  	s18 =	smax.u32 s3, $0x1;
	s3 =	simm.s32 $0xE;
	[dreg:$0x11] =	wrdreg s13;
	v58 =	vsel vm6, $0xEB8, v0;
	v0 =	vsel vm5, $0xEF1, v1;
	v1 =	vsel vm5, $0xF31, v2  }
0x14d: {  	s6 =	simm.s32 $0x6C60;
	s16 =	sadd.s32 $0x7C80, s0;
	[dreg:$0x18] =	wrdreg s18;
	v2 =	vimm.s32 $0xFF9;
	v59 =	vsel vm6, $0xEF8, v0;
	v0 =	vimm.s32 $0xF79  }
0x14e: {  	s8 =	sadd.s32 $0x6C00, s0;
	s0 =	sadd.s32 $0x2BA4, s0;
	[dreg:$0x14] =	wrdreg s16;
	v60 =	vsel vm6, $0xF38, v1;
	v1 =	vimm.s32 $0xFB9;
	v0 =	vsel vm14, $0xF40, v0  }
0x14f: {  	s21 =	sadd.s32 s1, s4;
	s17 =	sadd.s32 $0xC00, s7;
	[dreg:$0x16] =	wrdreg s0;
	v2 =	vsel vm14, $0xFC0, v2;
	v1 =	vsel vm14, $0xF80, v1;
	v0 =	vsel vm13, $0xF41, v0  }
0x150: {  	s4 =	simm.s32 $0x200;
	s14 =	sadd.s32 s8, s10;
	[dreg:$0x17] =	wrdreg s17;
	v2 =	vsel vm13, $0xFC1, v2;
	v1 =	vsel vm13, $0xF81, v1;
	v0 =	vsel vm12, $0xF48, v0  }
0x151: {  	s5 =	simm.s32 $0x2C60;
	s15 =	sadd.s32 s8, s20;
	[dreg:$0x12] =	wrdreg s14;
	v2 =	vsel vm12, $0xFC8, v2;
	v1 =	vsel vm12, $0xF88, v1;
	v0 =	vsel vm11, $0xF49, v0  }
0x152: {  	s9 =	simm.s32 $0xAC60;
	s1 =	sadd.s32 $0x4, s21;
	[dreg:$0x13] =	wrdreg s15;
	v2 =	vsel vm11, $0xFC9, v2;
	v1 =	vsel vm11, $0xF89, v1;
	v0 =	vsel vm10, $0xF50, v0  }
0x153: {  	s11 =	simm.s32 $0x800;
	s19 =	sadd.s32 $0x8, s21;
	[dreg:$0x15] =	wrdreg s1;
	v2 =	vsel vm10, $0xFD0, v2;
	v1 =	vsel vm10, $0xF90, v1;
	v0 =	vsel vm9, $0xF51, v0  }
0x154: {  	s12 =	simm.s32 $0x12C60;
	s20 =	sadd.s32 $0xC, s21;
	[dreg:$0x19] =	wrdreg s19;
	v2 =	vsel vm9, $0xFD1, v2;
	v1 =	vsel vm9, $0xF91, v1;
	v0 =	vsel vm8, $0xF58, v0  }
0x155: {  	s13 =	simm.s32 $0xA00;
	s22 =	sadd.s32 $0x20, s21;
	[dreg:$0x1a] =	wrdreg s20;
	v2 =	vsel vm8, $0xFD8, v2;
	v1 =	vsel vm8, $0xF98, v1;
	v0 =	vsel vm7, $0xF59, v0  }
0x156: {  	s18 =	simm.s32 $0x20;
	s23 =	sadd.s32 $0x10, s21;
	[dreg:$0x1b] =	wrdreg s22;
	v2 =	vsel vm7, $0xFD9, v2;
	v1 =	vsel vm7, $0xF99, v1;
	v0 =	vsel vm15, $0xF60, v0  }
0x157: {  	s7 =	simm.s32 $0x0;
	s24 =	sadd.s32 $0x14, s21;
	[dreg:$0x1c] =	wrdreg s23;
	v2 =	vsel vm15, $0xFE0, v2;
	v1 =	vsel vm15, $0xFA0, v1;
	v0 =	vsel vm1, $0xF61, v0  }
0x158: {  	s25 =	sadd.s32 $0x18, s21;
	s26 =	sadd.s32 $0x1C, s21;
	[dreg:$0x1d] =	wrdreg s24;
	v2 =	vsel vm1, $0xFE1, v2;
	v1 =	vsel vm1, $0xFA1, v1;
	v0 =	vsel vm2, $0xF68, v0  }
0x159: {  	s10 =	simm.s32 $0xEC60;
	s16 =	simm.s32 $0x1400;
	[dreg:$0x1e] =	wrdreg s25;
	v2 =	vsel vm2, $0xFE8, v2;
	v1 =	vsel vm2, $0xFA8, v1;
	v0 =	vsel vm3, $0xF69, v0  }
0x15a: {  	s17 =	simm.s32 $0x1;
	s0 =	simm.s32 $0xD;
	[dreg:$0x1f] =	wrdreg s26;
	v2 =	vsel vm3, $0xFE9, v2;
	v1 =	vsel vm3, $0xFA9, v1;
	v0 =	vsel vm4, $0xF70, v0  }
0x15b: {  	s14 =	simm.s32 $0x16C60;
	s15 =	simm.s32 $0x1000;
	s19 =	simm.s32 $0x108;
	v2 =	vsel vm4, $0xFF0, v2;
	v1 =	vsel vm4, $0xFB0, v1;
	v0 =	vsel vm5, $0xF71, v0  }
0x15c: {  	s20 =	simm.s32 $0x7;
	s22 =	simm.s32 $0x2;
	s23 =	simm.s32 $0x8;
	v61 =	vsel vm6, $0xF78, v0;
	v0 =	vsel vm5, $0xFB1, v1;
	v1 =	vsel vm5, $0xFF1, v2  }
0x15d: {  	s24 =	simm.s32 $0x3;
	s25 =	simm.s32 $0x4;
	s26 =	simm.s32 $0x1C60;
	v62 =	vsel vm6, $0xFB8, v0;
	v63 =	vsel vm6, $0xFF8, v1;
	v0 =	vimm.s32 $0x0  }
.LBB2_1:
0x15e: {  	s1 =	rddreg [dreg:$0x8]  }
0x15f: {  	[tilespmem:s2], [sflag:$0xE] =	stream.linear.gather [hbm4b:s1+s2], $0x200, $0x38;
	[tilespmem:$0x1AC60] =	vst v63  }
0x160: {  	_ =	swait.ge [sflag:s3], $0x200  }
0x161: {  	[sflag:s3] =	ssyncset.done $0x0  }
0x162: {  	s8 =	rddreg [dreg:$0x3];
	[sflag:s3] =	ssyncadd.s32 $0xFFFFFE00  }
0x163: {  	[tilespmem:s5], [sflag:$0x1] =	stream.indirect.gather [hbm4b:s8+s4], $0x20, s2, s4, $0xb8;
	[tilespmem:$0x1AC60] =	vst v63  }
0x164: {  	s8 =	rddreg [dreg:$0x9]  }
0x165: {  	[tilespmem:s4], [sflag:$0xE] =	stream.linear.gather [hbm4b:s8+s2], $0x200, $0x38;
	[tilespmem:$0x1AC60] =	vst v63  }
0x166: {  	_ =	swait.ge [sflag:s3], $0x200  }
0x167: {  	[sflag:s3] =	ssyncset.done $0x0  }
0x168: {  	s8 =	rddreg [dreg:$0xa];
	[sflag:s3] =	ssyncadd.s32 $0xFFFFFE00  }
0x169: {  	[tilespmem:s6], [sflag:$0x2] =	stream.indirect.gather [hbm4b:s8+s4], $0x20, s4, s4, $0xb8;
	[tilespmem:$0x1AC60] =	vst v63  }
0x16a: {  	s1 =	rddreg [dreg:$0xb];
	s8 =	simm.s32 $0x400  }
0x16b: {  	[tilespmem:s8], [sflag:$0xE] =	stream.linear.gather [hbm4b:s1+s2], $0x200, $0x38;
	[tilespmem:$0x1AC60] =	vst v63  }
0x16c: {  	_ =	swait.ge [sflag:s3], $0x200  }
0x16d: {  	[sflag:s3] =	ssyncset.done $0x0  }
0x16e: {  	s1 =	rddreg [dreg:$0xc];
	[sflag:s3] =	ssyncadd.s32 $0xFFFFFE00  }
0x16f: {  	[tilespmem:s9], [sflag:$0x3] =	stream.indirect.gather [hbm4b:s1+s4], $0x20, s8, s4, $0xb8;
	[tilespmem:$0x1AC60] =	vst v63  }
0x170: {  	s9 =	rddreg [dreg:$0xd];
	s8 =	simm.s32 $0x600  }
0x171: {  	[tilespmem:s8], [sflag:$0xE] =	stream.linear.gather [hbm4b:s9+s2], $0x200, $0x38;
	[tilespmem:$0x1AC60] =	vst v63  }
0x172: {  	_ =	swait.ge [sflag:s3], $0x200  }
0x173: {  	[sflag:s3] =	ssyncset.done $0x0  }
0x174: {  	s9 =	rddreg [dreg:$0x4];
	[sflag:s3] =	ssyncadd.s32 $0xFFFFFE00  }
0x175: {  	[tilespmem:s10], [sflag:$0x4] =	stream.indirect.gather [hbm4b:s9+s4], $0x20, s8, s4, $0xb8;
	[tilespmem:$0x1AC60] =	vst v63  }
0x176: {  	s8 =	rddreg [dreg:$0xe]  }
0x177: {  	[tilespmem:s11], [sflag:$0xE] =	stream.linear.gather [hbm4b:s8+s2], $0x200, $0x38;
	[tilespmem:$0x1AC60] =	vst v63  }
0x178: {  	_ =	swait.ge [sflag:s3], $0x200  }
0x179: {  	[sflag:s3] =	ssyncset.done $0x0  }
0x17a: {  	s9 =	rddreg [dreg:$0xf];
	[sflag:s3] =	ssyncadd.s32 $0xFFFFFE00  }
0x17b: {  	[tilespmem:s12], [sflag:$0x5] =	stream.indirect.gather [hbm4b:s9+s4], $0x20, s11, s4, $0xb8;
	[tilespmem:$0x1AC60] =	vst v63  }
0x17c: {  	s8 =	rddreg [dreg:$0x10]  }
0x17d: {  	[tilespmem:s13], [sflag:$0xE] =	stream.linear.gather [hbm4b:s8+s2], $0x200, $0x38;
	[tilespmem:$0x1AC60] =	vst v63  }
0x17e: {  	_ =	swait.ge [sflag:s3], $0x200  }
0x17f: {  	[sflag:s3] =	ssyncset.done $0x0  }
0x180: {  	s9 =	rddreg [dreg:$0x11];
	[sflag:s3] =	ssyncadd.s32 $0xFFFFFE00  }
0x181: {  	[tilespmem:s14], [sflag:$0x6] =	stream.indirect.gather [hbm4b:s9+s4], $0x20, s13, s4, $0xb8;
	[tilespmem:$0x1AC60] =	vst v63  }
0x182: {  	s8 =	rddreg [dreg:$0x7];
	s9 =	simm.s32 $0x1C00  }
0x183: {  	[tilespmem:s9], [sflag:$0xE] =	stream.linear.gather [hbm4b:s8+s2], $0x60, $0x38;
	[tilespmem:$0x1AC60] =	vst v63  }
0x184: {  	_ =	swait.ge [sflag:s3], $0x60  }
0x185: {  	[sflag:s3] =	ssyncset.done $0x0  }
0x186: {  	s8 =	rddreg [dreg:$0x12];
	[sflag:s3] =	ssyncadd.s32 $0xFFFFFFA0  }
0x187: {  	[tilespmem:s15], [sflag:$0xE] =	stream.linear.gather [hbm4b:s8+s2], $0x200, $0x38;
	[tilespmem:$0x1AC60] =	vst v63  }
0x188: {  	_ =	swait.ge [sflag:s3], $0x200  }
0x189: {  	[sflag:s3] =	ssyncset.done $0x0  }
0x18a: {  	s9 =	rddreg [dreg:$0x6];
	[sflag:s3] =	ssyncadd.s32 $0xFFFFFE00  }
0x18b: {  	[tilespmem:s16], [sflag:$0xE] =	stream.linear.gather [hbm4b:s9+s2], $0x400, $0x38;
	[tilespmem:$0x1AC60] =	vst v63  }
0x18c: {  	_ =	swait.ge [sflag:s3], $0x400  }
0x18d: {  	[sflag:s3] =	ssyncset.done $0x0  }
0x18e: {  	s9 =	simm.s32 $0x1200;
	s8 =	rddreg [dreg:$0x13];
	[sflag:s3] =	ssyncadd.s32 $0xFFFFFC00  }
0x18f: {  	[tilespmem:s9], [sflag:$0xE] =	stream.linear.gather [hbm4b:s8+s2], $0x200, $0x38;
	[tilespmem:$0x1AC60] =	vst v63  }
0x190: {  	_ =	swait.ge [sflag:s3], $0x200  }
0x191: {  	[sflag:s3] =	ssyncset.done $0x0  }
0x192: {  	s9 =	simm.s32 $0x1800;
	s8 =	rddreg [dreg:$0x14];
	[sflag:s3] =	ssyncadd.s32 $0xFFFFFE00  }
0x193: {  	[tilespmem:s9], [sflag:$0xE] =	stream.linear.gather [hbm4b:s8+s2], $0x400, $0x38;
	[tilespmem:$0x1AC60] =	vst v63  }
0x194: {  	_ =	swait.ge [sflag:s3], $0x400  }
0x195: {  	[sflag:s3] =	ssyncset.done $0x0  }
0x196: {  	[sflag:s3] =	ssyncadd.s32 $0xFFFFFC00  }
0x197: {  	s8 =	simm.s32 $0x0;
	v2 =	vld [tilespmem:$0x1C00]  }
0x198: {  	v1 =	vld [tilespmem:s8+$0x1000];
	_ =	sdelay $0x1  }
0x199: {  	v3 =	vld [tilespmem:$0x1C20];
	_ =	sdelay $0x2  }
0x19a: {  	v4 =	vsub.f32 v1, v2;
	_ =	sdelay $0x1  }
0x19b: {  	v4 =	vmul.f32 v4, v3;
	_ =	sdelay $0x1  }
0x19c: {  	v4 =	vmax.f32 v4, $-2.000000000e+00  }
0x19d: {  	v4 =	vmin.f32 v4, $1.001000000e+03  }
0x19e: {  	v4 =	vtrunc.f32 v4  }
0x19f: {  	v6 =	vcvt.f32.s32 v4;
	_ =	sdelay $0x1  }
0x1a0: {  	v5 =	vadd.s32 $0x1, v6  }
0x1a1: {  	vm0 =	vgt.s32 v5, $0x0  }
0x1a2: {  	v4 =	vnsel vm0, $0x0, v5  }
0x1a3: {  	v4 =	vmin.u32 v4, $0x3E8  }
0x1a4: {  	v7 =	vadd.s32 $0x1, v4;
	_ =	sdelay $0x3  }
0x1a5: {  	v8 =	vld.idx.msk [tilespmem:v4+s16+$0x0], $0xffff  }
0x1a6: {  	v7 =	vld.idx.msk [tilespmem:v7+s16+$0x0], $0xffff;
	_ =	sdelay $0x1  }
0x1a7: {  	s1 =	simm.s32 $0x10;
	s9 =	simm.s32 $0x80  }
.LBB2_2:
0x1a8: {  	p0 =	sne.s32 s9, $0x7C0;
	v9 =	vld [tilespmem:s1+$0x1000];
	vm0 =	vgt.u32 v6, $0x7FFFFFFE  }
0x1a9: {  	v6 =	vsel vm0, $0xFF800000, v8;
	vm0 =	vgt.s32 v5, $0x3E7  }
0x1aa: {  	v5 =	vsel vm0, $0x7F800000, v7;
	vm0 =	vlt.f32 v1, v6  }
0x1ab: {  	v6 =	vsel vm0, $0xFFFFFFFF, v0;
	vm0 =	vge.f32 v1, v5  }
0x1ac: {  	v4 =	vadd.s32 v6, v4;
	v5 =	vsel vm0, $0x1, v0  }
0x1ad: {  	v6 =	vsub.f32 v9, v2;
	v7 =	vadd.s32 v5, v4  }
0x1ae: {  	v4 =	vadd.s32 $0x1, v7  }
0x1af: {  	v5 =	vmul.f32 v6, v3;
	_ =	sdelay $0x1  }
0x1b0: {  	v5 =	vmax.f32 v5, $-2.000000000e+00  }
0x1b1: {  	v5 =	vmin.f32 v5, $1.001000000e+03;
	v8 =	vld.idx.msk [tilespmem:v7+s16+$0x0], $0xffff  }
0x1b2: {  	v5 =	vtrunc.f32 v5;
	v10 =	vld.idx.msk [tilespmem:v4+s16+$0x0], $0xffff  }
0x1b3: {  	v6 =	vcvt.f32.s32 v5;
	_ =	sdelay $0x1  }
0x1b4: {  	v5 =	vadd.s32 $0x1, v6  }
0x1b5: {  	vm1 =	veq.s32 v7, $0x0;
	vm0 =	vgt.s32 v5, $0x0  }
0x1b6: {  	v8 =	vsel vm1, $0xFF800000, v8;
	v4 =	vnsel vm0, $0x0, v5;
	vm0 =	veq.s32 v7, $0x3E8  }
0x1b7: {  	v4 =	vmin.u32 v4, $0x3E8;
	v10 =	vsel vm0, $0x7F800000, v10;
	vm0 =	vlt.f32 v1, v8  }
0x1b8: {  	v11 =	vadd.s32 $0x1, v4;
	v8 =	vsel vm0, $0xFFFFFFFF, v0;
	vm0 =	vge.f32 v1, v10;
	v1 =	vmovc v9  }
0x1b9: {  	v7 =	vadd.s32 v8, v7;
	v8 =	vsel vm0, $0x1, v0  }
0x1ba: {  	v7 =	vadd.s32 v8, v7  }
0x1bb: {  	[tilespmem:s8+$0xC00] =	vst v7;
	s8 =	smov.u32 s1  }
.Ltmp0:
0x1bc: {  	v8 =	vld.idx.msk [tilespmem:v4+s16+$0x0], $0xffff;
	(pc) =	sbr.rel @p0 .LBB2_2-.Ltmp0, $2  }
0x1bd: {  	v7 =	vld.idx.msk [tilespmem:v11+s16+$0x0], $0xffff;
	_ =	sdelay $0x2  }
0x1be: {  	s1 =	sshra.s32 s9, $0x2;
	s9 =	sadd.s32 $0x40, s9  }
0x1bf: {  	v9 =	vld [tilespmem:s1+$0x1000]  }
0x1c0: {  	vm0 =	vgt.u32 v6, $0x7FFFFFFE  }
0x1c1: {  	vm12 =	vgt.s32 v5, $0x3E7;
	v6 =	vsel vm0, $0xFF800000, v8  }
0x1c2: {  	v5 =	vsel vm12, $0x7F800000, v7;
	vm13 =	vlt.f32 v1, v6  }
0x1c3: {  	vm14 =	vge.f32 v1, v5;
	v6 =	vsel vm13, $0xFFFFFFFF, v0  }
0x1c4: {  	v5 =	vsel vm14, $0x1, v0;
	v4 =	vadd.s32 v6, v4;
	v2 =	vsub.f32 v9, v2  }
0x1c5: {  	v4 =	vadd.s32 v5, v4  }
0x1c6: {  	v5 =	vadd.s32 $0x1, v4;
	v2 =	vmul.f32 v2, v3;
	_ =	sdelay $0x1  }
0x1c7: {  	v2 =	vmax.f32 v2, $-2.000000000e+00  }
0x1c8: {  	v2 =	vmin.f32 v2, $1.001000000e+03  }
0x1c9: {  	v3 =	vld.idx.msk [tilespmem:v4+s16+$0x0], $0xffff;
	v2 =	vtrunc.f32 v2  }
0x1ca: {  	v5 =	vld.idx.msk [tilespmem:v5+s16+$0x0], $0xffff;
	v2 =	vcvt.f32.s32 v2;
	_ =	sdelay $0x1  }
0x1cb: {  	v6 =	vadd.s32 $0x1, v2  }
0x1cc: {  	vm1 =	veq.s32 v4, $0x0;
	vm15 =	vgt.s32 v6, $0x0  }
0x1cd: {  	vm4 =	veq.s32 v4, $0x3E8;
	v3 =	vsel vm1, $0xFF800000, v3;
	v7 =	vnsel vm15, $0x0, v6  }
0x1ce: {  	v5 =	vsel vm4, $0x7F800000, v5;
	vm5 =	vlt.f32 v1, v3;
	v7 =	vmin.u32 v7, $0x3E8  }
0x1cf: {  	v8 =	vsel vm5, $0xFFFFFFFF, v0;
	vm6 =	vge.f32 v1, v5;
	v3 =	vadd.s32 $0x1, v7  }
0x1d0: {  	v1 =	vadd.s32 v8, v4;
	v4 =	vsel vm6, $0x1, v0  }
0x1d1: {  	v1 =	vadd.s32 v4, v1  }
0x1d2: {  	[tilespmem:s8+$0xC00] =	vst v1  }
0x1d3: {  	v1 =	vld.idx.msk [tilespmem:v7+s16+$0x0], $0xffff  }
0x1d4: {  	v3 =	vld.idx.msk [tilespmem:v3+s16+$0x0], $0xffff;
	_ =	sdelay $0x2  }
0x1d5: {  	vm7 =	vgt.u32 v2, $0x7FFFFFFE  }
0x1d6: {  	vm8 =	vgt.s32 v6, $0x3E7;
	v1 =	vsel vm7, $0xFF800000, v1  }
0x1d7: {  	v2 =	vsel vm8, $0x7F800000, v3;
	vm9 =	vlt.f32 v9, v1  }
0x1d8: {  	v1 =	vsel vm9, $0xFFFFFFFF, v0;
	vm10 =	vge.f32 v9, v2  }
0x1d9: {  	v1 =	vadd.s32 v1, v7;
	v2 =	vsel vm10, $0x1, v0  }
0x1da: {  	v1 =	vadd.s32 v2, v1  }
0x1db: {  	v2 =	vadd.s32 $0x1, v1;
	_ =	sdelay $0x3  }
0x1dc: {  	v3 =	vld.idx.msk [tilespmem:v1+s16+$0x0], $0xffff  }
0x1dd: {  	v2 =	vld.idx.msk [tilespmem:v2+s16+$0x0], $0xffff;
	_ =	sdelay $0x2  }
0x1de: {  	vm11 =	veq.s32 v1, $0x0  }
0x1df: {  	vm12 =	veq.s32 v1, $0x3E8;
	v3 =	vsel vm11, $0xFF800000, v3  }
0x1e0: {  	v2 =	vsel vm12, $0x7F800000, v2;
	vm13 =	vlt.f32 v9, v3  }
0x1e1: {  	v3 =	vsel vm13, $0xFFFFFFFF, v0;
	vm14 =	vge.f32 v9, v2  }
0x1e2: {  	v1 =	vadd.s32 v3, v1;
	v2 =	vsel vm14, $0x1, v0  }
0x1e3: {  	v1 =	vadd.s32 v2, v1  }
0x1e4: {  	[tilespmem:s1+$0xC00] =	vst v1  }
0x1e5: {  	s8 =	simm.s32 $0x0;
	v2 =	vld [tilespmem:$0x1C10]  }
0x1e6: {  	v1 =	vld [tilespmem:s8+$0x1200];
	_ =	sdelay $0x1  }
0x1e7: {  	v3 =	vld [tilespmem:$0x1C30];
	_ =	sdelay $0x2  }
0x1e8: {  	v4 =	vsub.f32 v1, v2;
	_ =	sdelay $0x1  }
0x1e9: {  	v4 =	vmul.f32 v4, v3;
	_ =	sdelay $0x1  }
0x1ea: {  	v4 =	vmax.f32 v4, $-2.000000000e+00  }
0x1eb: {  	v4 =	vmin.f32 v4, $1.001000000e+03  }
0x1ec: {  	v4 =	vtrunc.f32 v4  }
0x1ed: {  	v5 =	vcvt.f32.s32 v4;
	_ =	sdelay $0x1  }
0x1ee: {  	v6 =	vadd.s32 $0x1, v5  }
0x1ef: {  	vm15 =	vgt.s32 v6, $0x0  }
0x1f0: {  	v4 =	vnsel vm15, $0x0, v6  }
0x1f1: {  	v4 =	vmin.u32 v4, $0x3E8  }
0x1f2: {  	v7 =	vor.u32 $0x400, v4  }
0x1f3: {  	v9 =	vadd.s32 $0x401, v4;
	_ =	sdelay $0x3  }
0x1f4: {  	v8 =	vld.idx.msk [tilespmem:v7+s16+$0x0], $0xffff  }
0x1f5: {  	v7 =	vld.idx.msk [tilespmem:v9+s16+$0x0], $0xffff;
	_ =	sdelay $0x1  }
0x1f6: {  	s9 =	simm.s32 $0x80;
	s1 =	simm.s32 $0x10  }
.LBB2_4:
0x1f7: {  	p0 =	sne.s32 s9, $0x7C0;
	v9 =	vld [tilespmem:s1+$0x1200];
	vm0 =	vgt.u32 v5, $0x7FFFFFFE  }
0x1f8: {  	v5 =	vsel vm0, $0xFF800000, v8;
	vm0 =	vgt.s32 v6, $0x3E7  }
0x1f9: {  	v6 =	vsel vm0, $0x7F800000, v7;
	vm0 =	vlt.f32 v1, v5  }
0x1fa: {  	v5 =	vsel vm0, $0xFFFFFFFF, v0;
	vm0 =	vge.f32 v1, v6  }
0x1fb: {  	v4 =	vadd.s32 v5, v4;
	v5 =	vsel vm0, $0x1, v0  }
0x1fc: {  	v6 =	vsub.f32 v9, v2;
	v7 =	vadd.s32 v5, v4  }
0x1fd: {  	v4 =	vadd.s32 $0x400, v7  }
0x1fe: {  	v5 =	vmul.f32 v6, v3;
	v6 =	vadd.s32 $0x401, v7;
	_ =	sdelay $0x1  }
0x1ff: {  	v5 =	vmax.f32 v5, $-2.000000000e+00  }
0x200: {  	v5 =	vmin.f32 v5, $1.001000000e+03  }
0x201: {  	v5 =	vtrunc.f32 v5;
	v8 =	vld.idx.msk [tilespmem:v4+s16+$0x0], $0xffff  }
0x202: {  	v5 =	vcvt.f32.s32 v5;
	v10 =	vld.idx.msk [tilespmem:v6+s16+$0x0], $0xffff;
	_ =	sdelay $0x1  }
0x203: {  	v6 =	vadd.s32 $0x1, v5  }
0x204: {  	vm0 =	vgt.s32 v6, $0x0  }
0x205: {  	v4 =	vnsel vm0, $0x0, v6;
	vm0 =	veq.s32 v7, $0x0  }
0x206: {  	v4 =	vmin.u32 v4, $0x3E8;
	v8 =	vsel vm0, $0xFF800000, v8;
	vm0 =	veq.s32 v7, $0x3E8  }
0x207: {  	v11 =	vor.u32 $0x400, v4;
	v10 =	vsel vm0, $0x7F800000, v10;
	vm0 =	vlt.f32 v1, v8  }
0x208: {  	v12 =	vadd.s32 $0x401, v4;
	v8 =	vsel vm0, $0xFFFFFFFF, v0;
	vm0 =	vge.f32 v1, v10;
	v1 =	vmovc v9  }
0x209: {  	v7 =	vadd.s32 v8, v7;
	v8 =	vsel vm0, $0x1, v0  }
0x20a: {  	v7 =	vadd.s32 v8, v7  }
0x20b: {  	[tilespmem:s8+$0xE00] =	vst v7;
	s8 =	smov.u32 s1  }
.Ltmp1:
0x20c: {  	v8 =	vld.idx.msk [tilespmem:v11+s16+$0x0], $0xffff;
	(pc) =	sbr.rel @p0 .LBB2_4-.Ltmp1, $2  }
0x20d: {  	v7 =	vld.idx.msk [tilespmem:v12+s16+$0x0], $0xffff;
	_ =	sdelay $0x2  }
0x20e: {  	s1 =	sshra.s32 s9, $0x2;
	s9 =	sadd.s32 $0x40, s9  }
0x20f: {  	v9 =	vld [tilespmem:s1+$0x1200]  }
0x210: {  	vm0 =	vgt.u32 v5, $0x7FFFFFFE  }
0x211: {  	vm4 =	vgt.s32 v6, $0x3E7;
	v5 =	vsel vm0, $0xFF800000, v8  }
0x212: {  	v6 =	vsel vm4, $0x7F800000, v7;
	vm5 =	vlt.f32 v1, v5  }
0x213: {  	vm6 =	vge.f32 v1, v6;
	v5 =	vsel vm5, $0xFFFFFFFF, v0  }
0x214: {  	v10 =	vsel vm6, $0x1, v0;
	v4 =	vadd.s32 v5, v4;
	v2 =	vsub.f32 v9, v2  }
0x215: {  	v4 =	vadd.s32 v10, v4  }
0x216: {  	v5 =	vadd.s32 $0x400, v4;
	v2 =	vmul.f32 v2, v3  }
0x217: {  	v3 =	vadd.s32 $0x401, v4  }
0x218: {  	v2 =	vmax.f32 v2, $-2.000000000e+00  }
0x219: {  	v2 =	vmin.f32 v2, $1.001000000e+03  }
0x21a: {  	v2 =	vtrunc.f32 v2  }
0x21b: {  	v5 =	vld.idx.msk [tilespmem:v5+s16+$0x0], $0xffff;
	v2 =	vcvt.f32.s32 v2  }
0x21c: {  	v3 =	vld.idx.msk [tilespmem:v3+s16+$0x0], $0xffff  }
0x21d: {  	v6 =	vadd.s32 $0x1, v2  }
0x21e: {  	vm7 =	vgt.s32 v6, $0x0  }
0x21f: {  	vm8 =	veq.s32 v4, $0x0;
	v11 =	vnsel vm7, $0x0, v6  }
0x220: {  	vm9 =	veq.s32 v4, $0x3E8;
	v5 =	vsel vm8, $0xFF800000, v5;
	v7 =	vmin.u32 v11, $0x3E8  }
0x221: {  	vm1 =	vlt.f32 v1, v5;
	v3 =	vsel vm9, $0x7F800000, v3;
	v8 =	vor.u32 $0x400, v7  }
0x222: {  	vm0 =	vge.f32 v1, v3;
	v1 =	vadd.s32 $0x401, v7;
	v3 =	vsel vm1, $0xFFFFFFFF, v0  }
0x223: {  	v3 =	vadd.s32 v3, v4;
	v10 =	vsel vm0, $0x1, v0  }
0x224: {  	v3 =	vadd.s32 v10, v3  }
0x225: {  	[tilespmem:s8+$0xE00] =	vst v3  }
0x226: {  	v3 =	vld.idx.msk [tilespmem:v8+s16+$0x0], $0xffff  }
0x227: {  	v1 =	vld.idx.msk [tilespmem:v1+s16+$0x0], $0xffff;
	_ =	sdelay $0x2  }
0x228: {  	vm10 =	vgt.u32 v2, $0x7FFFFFFE  }
0x229: {  	vm11 =	vgt.s32 v6, $0x3E7;
	v2 =	vsel vm10, $0xFF800000, v3  }
0x22a: {  	v1 =	vsel vm11, $0x7F800000, v1;
	vm0 =	vlt.f32 v9, v2  }
0x22b: {  	vm12 =	vge.f32 v9, v1;
	v2 =	vsel vm0, $0xFFFFFFFF, v0  }
0x22c: {  	v1 =	vadd.s32 v2, v7;
	v2 =	vsel vm12, $0x1, v0  }
0x22d: {  	v1 =	vadd.s32 v2, v1  }
0x22e: {  	v2 =	vadd.s32 $0x400, v1  }
0x22f: {  	v3 =	vadd.s32 $0x401, v1;
	_ =	sdelay $0x3  }
0x230: {  	v2 =	vld.idx.msk [tilespmem:v2+s16+$0x0], $0xffff  }
0x231: {  	v3 =	vld.idx.msk [tilespmem:v3+s16+$0x0], $0xffff;
	_ =	sdelay $0x2  }
0x232: {  	vm13 =	veq.s32 v1, $0x0  }
0x233: {  	vm14 =	veq.s32 v1, $0x3E8;
	v2 =	vsel vm13, $0xFF800000, v2  }
0x234: {  	vm15 =	vlt.f32 v9, v2;
	v2 =	vsel vm14, $0x7F800000, v3  }
0x235: {  	vm0 =	vge.f32 v9, v2;
	v2 =	vsel vm15, $0xFFFFFFFF, v0  }
0x236: {  	v1 =	vadd.s32 v2, v1;
	v2 =	vsel vm0, $0x1, v0  }
0x237: {  	v1 =	vadd.s32 v2, v1  }
0x238: {  	[tilespmem:s1+$0xE00] =	vst v1  }
0x239: {  	_ =	swait.ge [sflag:s17], $0x4000  }
0x23a: {  	[sflag:s17] =	ssyncset.done $0x0  }
0x23b: {  	[sflag:s17] =	ssyncadd.s32 $0xFFFFC000  }
0x23c: {  	[hbm4b:s21+s18] =	stream.strided.scatter [tilespmem:s5], [sflag:$0x7], $0x4000, s19, s18, $0x38;
	[tilespmem:$0x1AC60] =	vst v63  }
0x23d: {  	_ =	swait.ge [sflag:s20], $0x4000  }
0x23e: {  	[sflag:s20] =	ssyncset.done $0x0  }
0x23f: {  	s9 =	simm.s32 $0xC00;
	s8 =	rddreg [dreg:$0x5];
	[sflag:s20] =	ssyncadd.s32 $0xFFFFC000  }
0x240: {  	[tilespmem:s5], [sflag:$0x1] =	stream.indirect.gather [hbm4b:s8+s4], $0x20, s9, s4, $0xb8;
	[tilespmem:$0x1AC60] =	vst v63  }
0x241: {  	_ =	swait.ge [sflag:s22], $0x4000  }
0x242: {  	[sflag:s22] =	ssyncset.done $0x0  }
0x243: {  	s9 =	rddreg [dreg:$0x15];
	[sflag:s22] =	ssyncadd.s32 $0xFFFFC000  }
0x244: {  	[hbm4b:s9+s18] =	stream.strided.scatter [tilespmem:s6], [sflag:$0x8], $0x4000, s19, s18, $0x38;
	[tilespmem:$0x1AC60] =	vst v63  }
0x245: {  	_ =	swait.ge [sflag:s23], $0x4000  }
0x246: {  	[sflag:s23] =	ssyncset.done $0x0  }
0x247: {  	s9 =	simm.s32 $0xE00;
	s8 =	rddreg [dreg:$0x16];
	[sflag:s23] =	ssyncadd.s32 $0xFFFFC000  }
0x248: {  	[tilespmem:s6], [sflag:$0x2] =	stream.indirect.gather [hbm4b:s8+s4], $0x20, s9, s4, $0xb8;
	[tilespmem:$0x1AC60] =	vst v63  }
0x249: {  	_ =	swait.ge [sflag:s24], $0x4000  }
0x24a: {  	[sflag:s24] =	ssyncset.done $0x0  }
0x24b: {  	s9 =	simm.s32 $0xAC60;
	s8 =	rddreg [dreg:$0x19];
	[sflag:s24] =	ssyncadd.s32 $0xFFFFC000  }
0x24c: {  	[hbm4b:s8+s18] =	stream.strided.scatter [tilespmem:s9], [sflag:$0x9], $0x4000, s19, s18, $0x38;
	[tilespmem:$0x1AC60] =	vst v63  }
0x24d: {  	_ =	swait.ge [sflag:s25], $0x4000  }
0x24e: {  	[sflag:s25] =	ssyncset.done $0x0  }
0x24f: {  	s8 =	rddreg [dreg:$0x1a];
	[sflag:s25] =	ssyncadd.s32 $0xFFFFC000  }
0x250: {  	[hbm4b:s8+s18] =	stream.strided.scatter [tilespmem:s10], [sflag:$0xA], $0x4000, s19, s18, $0x38;
	[tilespmem:$0x1AC60] =	vst v63  }
0x251: {  	s8 =	rddreg [dreg:$0x17]  }
0x252: {  	[tilespmem:s15], [sflag:$0xE] =	stream.linear.gather [hbm4b:s8+s2], $0x400, $0x38;
	[tilespmem:$0x1AC60] =	vst v63  }
0x253: {  	_ =	swait.ge [sflag:s3], $0x400  }
0x254: {  	[sflag:s3] =	ssyncset.done $0x0  }
0x255: {  	[sflag:s3] =	ssyncadd.s32 $0xFFFFFC00  }
0x256: {  	v1 =	vld [tilespmem:$0x1C50];
	_ =	sdelay $0x4  }
0x257: {  	(erf) = vrcp.f32 v1;
	_ =	sdelay $0x1  }
0x258: {  	v2 =	vld [tilespmem:$0x1000]  }
0x259: {  	v1 =	vld [tilespmem:$0x1C40]  }
0x25a: {  	v11 =	vld [tilespmem:$0x1FF30];
	_ =	sdelay $0x3  }
0x25b: {  	v3 =	vsub.f32 v2, v1  }
0x25c: {  	v2 =	vpop (erf)  }
0x25d: {  	v3 =	vmul.f32 v3, v2;
	_ =	sdelay $0x1  }
0x25e: {  	[tilespmem:v11+s26+$0x0] =	vst.idx.msk $0xffff, v3  }
0x25f: {  	v3 =	vld [tilespmem:$0x1010]  }
0x260: {  	v8 =	vld [tilespmem:$0x1FF40];
	_ =	sdelay $0x3  }
0x261: {  	v3 =	vsub.f32 v3, v1;
	_ =	sdelay $0x1  }
0x262: {  	v3 =	vmul.f32 v3, v2;
	_ =	sdelay $0x1  }
0x263: {  	[tilespmem:v8+s26+$0x0] =	vst.idx.msk $0xffff, v3  }
0x264: {  	v3 =	vld [tilespmem:$0x1020]  }
0x265: {  	v9 =	vld [tilespmem:$0x1FF50];
	_ =	sdelay $0x3  }
0x266: {  	v3 =	vsub.f32 v3, v1;
	_ =	sdelay $0x1  }
0x267: {  	v3 =	vmul.f32 v3, v2;
	_ =	sdelay $0x1  }
0x268: {  	[tilespmem:v9+s26+$0x0] =	vst.idx.msk $0xffff, v3  }
0x269: {  	v3 =	vld [tilespmem:$0x1030]  }
0x26a: {  	v10 =	vld [tilespmem:$0x1FF60];
	_ =	sdelay $0x3  }
0x26b: {  	v3 =	vsub.f32 v3, v1;
	_ =	sdelay $0x1  }
0x26c: {  	v3 =	vmul.f32 v3, v2;
	_ =	sdelay $0x1  }
0x26d: {  	[tilespmem:v10+s26+$0x0] =	vst.idx.msk $0xffff, v3  }
0x26e: {  	v3 =	vld [tilespmem:$0x1040]  }
0x26f: {  	v11 =	vld [tilespmem:$0x1FF70];
	_ =	sdelay $0x3  }
0x270: {  	v3 =	vsub.f32 v3, v1;
	_ =	sdelay $0x1  }
0x271: {  	v3 =	vmul.f32 v3, v2;
	_ =	sdelay $0x1  }
0x272: {  	[tilespmem:v11+s26+$0x0] =	vst.idx.msk $0xffff, v3  }
0x273: {  	v3 =	vld [tilespmem:$0x1050]  }
0x274: {  	v8 =	vld [tilespmem:$0x1FF80];
	_ =	sdelay $0x3  }
0x275: {  	v3 =	vsub.f32 v3, v1;
	_ =	sdelay $0x1  }
0x276: {  	v3 =	vmul.f32 v3, v2;
	_ =	sdelay $0x1  }
0x277: {  	[tilespmem:v8+s26+$0x0] =	vst.idx.msk $0xffff, v3  }
0x278: {  	v3 =	vld [tilespmem:$0x1060]  }
0x279: {  	v9 =	vld [tilespmem:$0x1FF90];
	_ =	sdelay $0x3  }
0x27a: {  	v3 =	vsub.f32 v3, v1;
	_ =	sdelay $0x1  }
0x27b: {  	v3 =	vmul.f32 v3, v2;
	_ =	sdelay $0x1  }
0x27c: {  	[tilespmem:v9+s26+$0x0] =	vst.idx.msk $0xffff, v3  }
0x27d: {  	v3 =	vld [tilespmem:$0x1070]  }
0x27e: {  	v10 =	vld [tilespmem:$0x1FFA0];
	_ =	sdelay $0x3  }
0x27f: {  	v3 =	vsub.f32 v3, v1;
	_ =	sdelay $0x1  }
0x280: {  	v3 =	vmul.f32 v3, v2;
	_ =	sdelay $0x1  }
0x281: {  	[tilespmem:v10+s26+$0x0] =	vst.idx.msk $0xffff, v3  }
0x282: {  	v3 =	vld [tilespmem:$0x1080]  }
0x283: {  	v11 =	vld [tilespmem:$0x1FFB0];
	_ =	sdelay $0x3  }
0x284: {  	v3 =	vsub.f32 v3, v1;
	_ =	sdelay $0x1  }
0x285: {  	v3 =	vmul.f32 v3, v2;
	_ =	sdelay $0x1  }
0x286: {  	[tilespmem:v11+s26+$0x0] =	vst.idx.msk $0xffff, v3  }
0x287: {  	v3 =	vld [tilespmem:$0x1090]  }
0x288: {  	v8 =	vld [tilespmem:$0x1FFC0];
	_ =	sdelay $0x3  }
0x289: {  	v3 =	vsub.f32 v3, v1;
	_ =	sdelay $0x1  }
0x28a: {  	v3 =	vmul.f32 v3, v2;
	_ =	sdelay $0x1  }
0x28b: {  	[tilespmem:v8+s26+$0x0] =	vst.idx.msk $0xffff, v3  }
0x28c: {  	v3 =	vld [tilespmem:$0x10A0]  }
0x28d: {  	v9 =	vld [tilespmem:$0x1FFD0];
	_ =	sdelay $0x3  }
0x28e: {  	v3 =	vsub.f32 v3, v1;
	_ =	sdelay $0x1  }
0x28f: {  	v3 =	vmul.f32 v3, v2;
	_ =	sdelay $0x1  }
0x290: {  	[tilespmem:v9+s26+$0x0] =	vst.idx.msk $0xffff, v3  }
0x291: {  	v3 =	vld [tilespmem:$0x10B0]  }
0x292: {  	v10 =	vld [tilespmem:$0x1FFE0];
	_ =	sdelay $0x3  }
0x293: {  	v3 =	vsub.f32 v3, v1;
	_ =	sdelay $0x1  }
0x294: {  	v3 =	vmul.f32 v3, v2;
	_ =	sdelay $0x1  }
0x295: {  	[tilespmem:v10+s26+$0x0] =	vst.idx.msk $0xffff, v3  }
0x296: {  	v3 =	vld [tilespmem:$0x10C0]  }
0x297: {  	v11 =	vld [tilespmem:$0x1FFF0];
	_ =	sdelay $0x3  }
0x298: {  	v3 =	vsub.f32 v3, v1;
	_ =	sdelay $0x1  }
0x299: {  	v3 =	vmul.f32 v3, v2;
	_ =	sdelay $0x1  }
0x29a: {  	[tilespmem:v11+s26+$0x0] =	vst.idx.msk $0xffff, v3  }
0x29b: {  	v3 =	vld [tilespmem:$0x10D0];
	_ =	sdelay $0x4  }
0x29c: {  	v3 =	vsub.f32 v3, v1;
	_ =	sdelay $0x1  }
0x29d: {  	v3 =	vmul.f32 v3, v2;
	_ =	sdelay $0x1  }
0x29e: {  	[tilespmem:v13+s26+$0x0] =	vst.idx.msk $0xffff, v3  }
0x29f: {  	v3 =	vld [tilespmem:$0x10E0];
	_ =	sdelay $0x4  }
0x2a0: {  	v3 =	vsub.f32 v3, v1;
	_ =	sdelay $0x1  }
0x2a1: {  	v3 =	vmul.f32 v3, v2;
	_ =	sdelay $0x1  }
0x2a2: {  	[tilespmem:v14+s26+$0x0] =	vst.idx.msk $0xffff, v3  }
0x2a3: {  	v3 =	vld [tilespmem:$0x10F0];
	_ =	sdelay $0x4  }
0x2a4: {  	v3 =	vsub.f32 v3, v1;
	_ =	sdelay $0x1  }
0x2a5: {  	v3 =	vmul.f32 v3, v2;
	_ =	sdelay $0x1  }
0x2a6: {  	[tilespmem:v15+s26+$0x0] =	vst.idx.msk $0xffff, v3  }
0x2a7: {  	v3 =	vld [tilespmem:$0x1100];
	_ =	sdelay $0x4  }
0x2a8: {  	v3 =	vsub.f32 v3, v1;
	_ =	sdelay $0x1  }
0x2a9: {  	v3 =	vmul.f32 v3, v2;
	_ =	sdelay $0x1  }
0x2aa: {  	[tilespmem:v16+s26+$0x0] =	vst.idx.msk $0xffff, v3  }
0x2ab: {  	v3 =	vld [tilespmem:$0x1110];
	_ =	sdelay $0x4  }
0x2ac: {  	v3 =	vsub.f32 v3, v1;
	_ =	sdelay $0x1  }
0x2ad: {  	v3 =	vmul.f32 v3, v2;
	_ =	sdelay $0x1  }
0x2ae: {  	[tilespmem:v17+s26+$0x0] =	vst.idx.msk $0xffff, v3  }
0x2af: {  	v3 =	vld [tilespmem:$0x1120];
	_ =	sdelay $0x4  }
0x2b0: {  	v3 =	vsub.f32 v3, v1;
	_ =	sdelay $0x1  }
0x2b1: {  	v3 =	vmul.f32 v3, v2;
	_ =	sdelay $0x1  }
0x2b2: {  	[tilespmem:v18+s26+$0x0] =	vst.idx.msk $0xffff, v3  }
0x2b3: {  	v3 =	vld [tilespmem:$0x1130];
	_ =	sdelay $0x4  }
0x2b4: {  	v3 =	vsub.f32 v3, v1;
	_ =	sdelay $0x1  }
0x2b5: {  	v3 =	vmul.f32 v3, v2;
	_ =	sdelay $0x1  }
0x2b6: {  	[tilespmem:v19+s26+$0x0] =	vst.idx.msk $0xffff, v3  }
0x2b7: {  	v3 =	vld [tilespmem:$0x1140];
	_ =	sdelay $0x4  }
0x2b8: {  	v3 =	vsub.f32 v3, v1;
	_ =	sdelay $0x1  }
0x2b9: {  	v3 =	vmul.f32 v3, v2;
	_ =	sdelay $0x1  }
0x2ba: {  	[tilespmem:v20+s26+$0x0] =	vst.idx.msk $0xffff, v3  }
0x2bb: {  	v3 =	vld [tilespmem:$0x1150];
	_ =	sdelay $0x4  }
0x2bc: {  	v3 =	vsub.f32 v3, v1;
	_ =	sdelay $0x1  }
0x2bd: {  	v3 =	vmul.f32 v3, v2;
	_ =	sdelay $0x1  }
0x2be: {  	[tilespmem:v21+s26+$0x0] =	vst.idx.msk $0xffff, v3  }
0x2bf: {  	v3 =	vld [tilespmem:$0x1160];
	_ =	sdelay $0x4  }
0x2c0: {  	v3 =	vsub.f32 v3, v1;
	_ =	sdelay $0x1  }
0x2c1: {  	v3 =	vmul.f32 v3, v2;
	_ =	sdelay $0x1  }
0x2c2: {  	[tilespmem:v22+s26+$0x0] =	vst.idx.msk $0xffff, v3  }
0x2c3: {  	v3 =	vld [tilespmem:$0x1170];
	_ =	sdelay $0x4  }
0x2c4: {  	v3 =	vsub.f32 v3, v1;
	_ =	sdelay $0x1  }
0x2c5: {  	v3 =	vmul.f32 v3, v2;
	_ =	sdelay $0x1  }
0x2c6: {  	[tilespmem:v23+s26+$0x0] =	vst.idx.msk $0xffff, v3  }
0x2c7: {  	v3 =	vld [tilespmem:$0x1180];
	_ =	sdelay $0x4  }
0x2c8: {  	v3 =	vsub.f32 v3, v1;
	_ =	sdelay $0x1  }
0x2c9: {  	v3 =	vmul.f32 v3, v2;
	_ =	sdelay $0x1  }
0x2ca: {  	[tilespmem:v24+s26+$0x0] =	vst.idx.msk $0xffff, v3  }
0x2cb: {  	v3 =	vld [tilespmem:$0x1190];
	_ =	sdelay $0x4  }
0x2cc: {  	v3 =	vsub.f32 v3, v1;
	_ =	sdelay $0x1  }
0x2cd: {  	v3 =	vmul.f32 v3, v2;
	_ =	sdelay $0x1  }
0x2ce: {  	[tilespmem:v25+s26+$0x0] =	vst.idx.msk $0xffff, v3  }
0x2cf: {  	v3 =	vld [tilespmem:$0x11A0];
	_ =	sdelay $0x4  }
0x2d0: {  	v3 =	vsub.f32 v3, v1;
	_ =	sdelay $0x1  }
0x2d1: {  	v3 =	vmul.f32 v3, v2;
	_ =	sdelay $0x1  }
0x2d2: {  	[tilespmem:v26+s26+$0x0] =	vst.idx.msk $0xffff, v3  }
0x2d3: {  	v3 =	vld [tilespmem:$0x11B0];
	_ =	sdelay $0x4  }
0x2d4: {  	v3 =	vsub.f32 v3, v1;
	_ =	sdelay $0x1  }
0x2d5: {  	v3 =	vmul.f32 v3, v2;
	_ =	sdelay $0x1  }
0x2d6: {  	[tilespmem:v27+s26+$0x0] =	vst.idx.msk $0xffff, v3  }
0x2d7: {  	v3 =	vld [tilespmem:$0x11C0];
	_ =	sdelay $0x4  }
0x2d8: {  	v3 =	vsub.f32 v3, v1;
	_ =	sdelay $0x1  }
0x2d9: {  	v3 =	vmul.f32 v3, v2;
	_ =	sdelay $0x1  }
0x2da: {  	[tilespmem:v28+s26+$0x0] =	vst.idx.msk $0xffff, v3  }
0x2db: {  	v3 =	vld [tilespmem:$0x11D0];
	_ =	sdelay $0x4  }
0x2dc: {  	v3 =	vsub.f32 v3, v1;
	_ =	sdelay $0x1  }
0x2dd: {  	v3 =	vmul.f32 v3, v2;
	_ =	sdelay $0x1  }
0x2de: {  	[tilespmem:v29+s26+$0x0] =	vst.idx.msk $0xffff, v3  }
0x2df: {  	v3 =	vld [tilespmem:$0x11E0];
	_ =	sdelay $0x4  }
0x2e0: {  	v3 =	vsub.f32 v3, v1;
	_ =	sdelay $0x1  }
0x2e1: {  	v3 =	vmul.f32 v3, v2;
	_ =	sdelay $0x1  }
0x2e2: {  	[tilespmem:v30+s26+$0x0] =	vst.idx.msk $0xffff, v3  }
0x2e3: {  	v3 =	vld [tilespmem:$0x11F0];
	_ =	sdelay $0x4  }
0x2e4: {  	v3 =	vsub.f32 v3, v1;
	_ =	sdelay $0x1  }
0x2e5: {  	v3 =	vmul.f32 v3, v2;
	_ =	sdelay $0x1  }
0x2e6: {  	[tilespmem:v31+s26+$0x0] =	vst.idx.msk $0xffff, v3  }
0x2e7: {  	v3 =	vld [tilespmem:$0x1200];
	_ =	sdelay $0x4  }
0x2e8: {  	v3 =	vsub.f32 v3, v1;
	_ =	sdelay $0x1  }
0x2e9: {  	v3 =	vmul.f32 v3, v2;
	_ =	sdelay $0x1  }
0x2ea: {  	[tilespmem:v32+s26+$0x0] =	vst.idx.msk $0xffff, v3  }
0x2eb: {  	v3 =	vld [tilespmem:$0x1210];
	_ =	sdelay $0x4  }
0x2ec: {  	v3 =	vsub.f32 v3, v1;
	_ =	sdelay $0x1  }
0x2ed: {  	v3 =	vmul.f32 v3, v2;
	_ =	sdelay $0x1  }
0x2ee: {  	[tilespmem:v33+s26+$0x0] =	vst.idx.msk $0xffff, v3  }
0x2ef: {  	v3 =	vld [tilespmem:$0x1220];
	_ =	sdelay $0x4  }
0x2f0: {  	v3 =	vsub.f32 v3, v1;
	_ =	sdelay $0x1  }
0x2f1: {  	v3 =	vmul.f32 v3, v2;
	_ =	sdelay $0x1  }
0x2f2: {  	[tilespmem:v34+s26+$0x0] =	vst.idx.msk $0xffff, v3  }
0x2f3: {  	v3 =	vld [tilespmem:$0x1230];
	_ =	sdelay $0x4  }
0x2f4: {  	v3 =	vsub.f32 v3, v1;
	_ =	sdelay $0x1  }
0x2f5: {  	v3 =	vmul.f32 v3, v2;
	_ =	sdelay $0x1  }
0x2f6: {  	[tilespmem:v35+s26+$0x0] =	vst.idx.msk $0xffff, v3  }
0x2f7: {  	v3 =	vld [tilespmem:$0x1240];
	_ =	sdelay $0x4  }
0x2f8: {  	v3 =	vsub.f32 v3, v1;
	_ =	sdelay $0x1  }
0x2f9: {  	v3 =	vmul.f32 v3, v2;
	_ =	sdelay $0x1  }
0x2fa: {  	[tilespmem:v36+s26+$0x0] =	vst.idx.msk $0xffff, v3  }
0x2fb: {  	v3 =	vld [tilespmem:$0x1250];
	_ =	sdelay $0x4  }
0x2fc: {  	v3 =	vsub.f32 v3, v1;
	_ =	sdelay $0x1  }
0x2fd: {  	v3 =	vmul.f32 v3, v2;
	_ =	sdelay $0x1  }
0x2fe: {  	[tilespmem:v37+s26+$0x0] =	vst.idx.msk $0xffff, v3  }
0x2ff: {  	v3 =	vld [tilespmem:$0x1260];
	_ =	sdelay $0x4  }
0x300: {  	v3 =	vsub.f32 v3, v1;
	_ =	sdelay $0x1  }
0x301: {  	v3 =	vmul.f32 v3, v2;
	_ =	sdelay $0x1  }
0x302: {  	[tilespmem:v38+s26+$0x0] =	vst.idx.msk $0xffff, v3  }
0x303: {  	v3 =	vld [tilespmem:$0x1270];
	_ =	sdelay $0x4  }
0x304: {  	v3 =	vsub.f32 v3, v1;
	_ =	sdelay $0x1  }
0x305: {  	v3 =	vmul.f32 v3, v2;
	_ =	sdelay $0x1  }
0x306: {  	[tilespmem:v39+s26+$0x0] =	vst.idx.msk $0xffff, v3  }
0x307: {  	v3 =	vld [tilespmem:$0x1280];
	_ =	sdelay $0x4  }
0x308: {  	v3 =	vsub.f32 v3, v1;
	_ =	sdelay $0x1  }
0x309: {  	v3 =	vmul.f32 v3, v2;
	_ =	sdelay $0x1  }
0x30a: {  	[tilespmem:v40+s26+$0x0] =	vst.idx.msk $0xffff, v3  }
0x30b: {  	v3 =	vld [tilespmem:$0x1290];
	_ =	sdelay $0x4  }
0x30c: {  	v3 =	vsub.f32 v3, v1;
	_ =	sdelay $0x1  }
0x30d: {  	v3 =	vmul.f32 v3, v2;
	_ =	sdelay $0x1  }
0x30e: {  	[tilespmem:v41+s26+$0x0] =	vst.idx.msk $0xffff, v3  }
0x30f: {  	v3 =	vld [tilespmem:$0x12A0];
	_ =	sdelay $0x4  }
0x310: {  	v3 =	vsub.f32 v3, v1;
	_ =	sdelay $0x1  }
0x311: {  	v3 =	vmul.f32 v3, v2;
	_ =	sdelay $0x1  }
0x312: {  	[tilespmem:v42+s26+$0x0] =	vst.idx.msk $0xffff, v3  }
0x313: {  	v3 =	vld [tilespmem:$0x12B0];
	_ =	sdelay $0x4  }
0x314: {  	v3 =	vsub.f32 v3, v1;
	_ =	sdelay $0x1  }
0x315: {  	v3 =	vmul.f32 v3, v2;
	_ =	sdelay $0x1  }
0x316: {  	[tilespmem:v43+s26+$0x0] =	vst.idx.msk $0xffff, v3  }
0x317: {  	v3 =	vld [tilespmem:$0x12C0];
	_ =	sdelay $0x4  }
0x318: {  	v3 =	vsub.f32 v3, v1;
	_ =	sdelay $0x1  }
0x319: {  	v3 =	vmul.f32 v3, v2;
	_ =	sdelay $0x1  }
0x31a: {  	[tilespmem:v44+s26+$0x0] =	vst.idx.msk $0xffff, v3  }
0x31b: {  	v3 =	vld [tilespmem:$0x12D0];
	_ =	sdelay $0x4  }
0x31c: {  	v3 =	vsub.f32 v3, v1;
	_ =	sdelay $0x1  }
0x31d: {  	v3 =	vmul.f32 v3, v2;
	_ =	sdelay $0x1  }
0x31e: {  	[tilespmem:v45+s26+$0x0] =	vst.idx.msk $0xffff, v3  }
0x31f: {  	v3 =	vld [tilespmem:$0x12E0];
	_ =	sdelay $0x4  }
0x320: {  	v3 =	vsub.f32 v3, v1;
	_ =	sdelay $0x1  }
0x321: {  	v3 =	vmul.f32 v3, v2;
	_ =	sdelay $0x1  }
0x322: {  	[tilespmem:v46+s26+$0x0] =	vst.idx.msk $0xffff, v3  }
0x323: {  	v3 =	vld [tilespmem:$0x12F0];
	_ =	sdelay $0x4  }
0x324: {  	v3 =	vsub.f32 v3, v1;
	_ =	sdelay $0x1  }
0x325: {  	v3 =	vmul.f32 v3, v2;
	_ =	sdelay $0x1  }
0x326: {  	[tilespmem:v47+s26+$0x0] =	vst.idx.msk $0xffff, v3  }
0x327: {  	v3 =	vld [tilespmem:$0x1300];
	_ =	sdelay $0x4  }
0x328: {  	v3 =	vsub.f32 v3, v1;
	_ =	sdelay $0x1  }
0x329: {  	v3 =	vmul.f32 v3, v2;
	_ =	sdelay $0x1  }
0x32a: {  	[tilespmem:v48+s26+$0x0] =	vst.idx.msk $0xffff, v3  }
0x32b: {  	v3 =	vld [tilespmem:$0x1310];
	_ =	sdelay $0x4  }
0x32c: {  	v3 =	vsub.f32 v3, v1;
	_ =	sdelay $0x1  }
0x32d: {  	v3 =	vmul.f32 v3, v2;
	_ =	sdelay $0x1  }
0x32e: {  	[tilespmem:v49+s26+$0x0] =	vst.idx.msk $0xffff, v3  }
0x32f: {  	v3 =	vld [tilespmem:$0x1320];
	_ =	sdelay $0x4  }
0x330: {  	v3 =	vsub.f32 v3, v1;
	_ =	sdelay $0x1  }
0x331: {  	v3 =	vmul.f32 v3, v2;
	_ =	sdelay $0x1  }
0x332: {  	[tilespmem:v50+s26+$0x0] =	vst.idx.msk $0xffff, v3  }
0x333: {  	v3 =	vld [tilespmem:$0x1330];
	_ =	sdelay $0x4  }
0x334: {  	v3 =	vsub.f32 v3, v1;
	_ =	sdelay $0x1  }
0x335: {  	v3 =	vmul.f32 v3, v2;
	_ =	sdelay $0x1  }
0x336: {  	[tilespmem:v51+s26+$0x0] =	vst.idx.msk $0xffff, v3  }
0x337: {  	v3 =	vld [tilespmem:$0x1340];
	_ =	sdelay $0x4  }
0x338: {  	v3 =	vsub.f32 v3, v1;
	_ =	sdelay $0x1  }
0x339: {  	v3 =	vmul.f32 v3, v2;
	_ =	sdelay $0x1  }
0x33a: {  	[tilespmem:v52+s26+$0x0] =	vst.idx.msk $0xffff, v3  }
0x33b: {  	v3 =	vld [tilespmem:$0x1350];
	_ =	sdelay $0x4  }
0x33c: {  	v3 =	vsub.f32 v3, v1;
	_ =	sdelay $0x1  }
0x33d: {  	v3 =	vmul.f32 v3, v2;
	_ =	sdelay $0x1  }
0x33e: {  	[tilespmem:v53+s26+$0x0] =	vst.idx.msk $0xffff, v3  }
0x33f: {  	v3 =	vld [tilespmem:$0x1360];
	_ =	sdelay $0x4  }
0x340: {  	v3 =	vsub.f32 v3, v1;
	_ =	sdelay $0x1  }
0x341: {  	v3 =	vmul.f32 v3, v2;
	_ =	sdelay $0x1  }
0x342: {  	[tilespmem:v54+s26+$0x0] =	vst.idx.msk $0xffff, v3  }
0x343: {  	v3 =	vld [tilespmem:$0x1370];
	_ =	sdelay $0x4  }
0x344: {  	v3 =	vsub.f32 v3, v1;
	_ =	sdelay $0x1  }
0x345: {  	v3 =	vmul.f32 v3, v2;
	_ =	sdelay $0x1  }
0x346: {  	[tilespmem:v55+s26+$0x0] =	vst.idx.msk $0xffff, v3  }
0x347: {  	v3 =	vld [tilespmem:$0x1380];
	_ =	sdelay $0x4  }
0x348: {  	v3 =	vsub.f32 v3, v1;
	_ =	sdelay $0x1  }
0x349: {  	v3 =	vmul.f32 v3, v2;
	_ =	sdelay $0x1  }
0x34a: {  	[tilespmem:v56+s26+$0x0] =	vst.idx.msk $0xffff, v3  }
0x34b: {  	v3 =	vld [tilespmem:$0x1390];
	_ =	sdelay $0x4  }
0x34c: {  	v3 =	vsub.f32 v3, v1;
	_ =	sdelay $0x1  }
0x34d: {  	v3 =	vmul.f32 v3, v2;
	_ =	sdelay $0x1  }
0x34e: {  	[tilespmem:v57+s26+$0x0] =	vst.idx.msk $0xffff, v3  }
0x34f: {  	v3 =	vld [tilespmem:$0x13A0];
	_ =	sdelay $0x4  }
0x350: {  	v3 =	vsub.f32 v3, v1;
	_ =	sdelay $0x1  }
0x351: {  	v3 =	vmul.f32 v3, v2;
	_ =	sdelay $0x1  }
0x352: {  	[tilespmem:v58+s26+$0x0] =	vst.idx.msk $0xffff, v3  }
0x353: {  	v3 =	vld [tilespmem:$0x13B0];
	_ =	sdelay $0x4  }
0x354: {  	v3 =	vsub.f32 v3, v1;
	_ =	sdelay $0x1  }
0x355: {  	v3 =	vmul.f32 v3, v2;
	_ =	sdelay $0x1  }
0x356: {  	[tilespmem:v59+s26+$0x0] =	vst.idx.msk $0xffff, v3  }
0x357: {  	v3 =	vld [tilespmem:$0x13C0];
	_ =	sdelay $0x4  }
0x358: {  	v3 =	vsub.f32 v3, v1;
	_ =	sdelay $0x1  }
0x359: {  	v3 =	vmul.f32 v3, v2;
	_ =	sdelay $0x1  }
0x35a: {  	[tilespmem:v60+s26+$0x0] =	vst.idx.msk $0xffff, v3  }
0x35b: {  	v3 =	vld [tilespmem:$0x13D0];
	_ =	sdelay $0x4  }
0x35c: {  	v3 =	vsub.f32 v3, v1;
	_ =	sdelay $0x1  }
0x35d: {  	v3 =	vmul.f32 v3, v2;
	_ =	sdelay $0x1  }
0x35e: {  	[tilespmem:v61+s26+$0x0] =	vst.idx.msk $0xffff, v3  }
0x35f: {  	v3 =	vld [tilespmem:$0x13E0];
	_ =	sdelay $0x4  }
0x360: {  	v3 =	vsub.f32 v3, v1;
	_ =	sdelay $0x1  }
0x361: {  	v3 =	vmul.f32 v3, v2;
	_ =	sdelay $0x1  }
0x362: {  	[tilespmem:v62+s26+$0x0] =	vst.idx.msk $0xffff, v3  }
0x363: {  	v3 =	vld [tilespmem:$0x13F0];
	_ =	sdelay $0x4  }
0x364: {  	v1 =	vsub.f32 v3, v1;
	_ =	sdelay $0x1  }
0x365: {  	v1 =	vmul.f32 v1, v2;
	_ =	sdelay $0x1  }
0x366: {  	s8 =	rddreg [dreg:$0x1b];
	[tilespmem:v63+s26+$0x0] =	vst.idx.msk $0xffff, v1  }
0x367: {  	[hbm4b:s8+s23] =	stream.strided.scatter [tilespmem:s26], [sflag:$0xD], $0x1000, s19, s23, $0x38;
	[tilespmem:$0x1AC60] =	vst v63  }
0x368: {  	_ =	swait.ge [sflag:s28], $0x4000  }
0x369: {  	[sflag:s28] =	ssyncset.done $0x0  }
0x36a: {  	s8 =	rddreg [dreg:$0x1c];
	[sflag:s28] =	ssyncadd.s32 $0xFFFFC000  }
0x36b: {  	[hbm4b:s8+s18] =	stream.strided.scatter [tilespmem:s12], [sflag:$0xB], $0x4000, s19, s18, $0x38;
	[tilespmem:$0x1AC60] =	vst v63  }
0x36c: {  	_ =	swait.ge [sflag:s29], $0x4000  }
0x36d: {  	[sflag:s29] =	ssyncset.done $0x0  }
0x36e: {  	s8 =	rddreg [dreg:$0x1d];
	[sflag:s29] =	ssyncadd.s32 $0xFFFFC000  }
0x36f: {  	[hbm4b:s8+s18] =	stream.strided.scatter [tilespmem:s14], [sflag:$0xC], $0x4000, s19, s18, $0x38;
	[tilespmem:$0x1AC60] =	vst v63  }
0x370: {  	_ =	swait.ge [sflag:s17], $0x4000  }
0x371: {  	[sflag:s17] =	ssyncset.done $0x0  }
0x372: {  	s8 =	rddreg [dreg:$0x1e];
	[sflag:s17] =	ssyncadd.s32 $0xFFFFC000  }
0x373: {  	[hbm4b:s8+s18] =	stream.strided.scatter [tilespmem:s5], [sflag:$0x7], $0x4000, s19, s18, $0x38;
	[tilespmem:$0x1AC60] =	vst v63  }
0x374: {  	_ =	swait.ge [sflag:s22], $0x4000  }
0x375: {  	[sflag:s22] =	ssyncset.done $0x0  }
0x376: {  	s8 =	rddreg [dreg:$0x1f];
	[sflag:s22] =	ssyncadd.s32 $0xFFFFC000  }
0x377: {  	[hbm4b:s8+s18] =	stream.strided.scatter [tilespmem:s6], [sflag:$0x8], $0x4000, s19, s18, $0x38;
	[tilespmem:$0x1AC60] =	vst v63  }
0x378: {  	_ =	swait.ge [sflag:s30], $0x4000  }
0x379: {  	[sflag:s30] =	ssyncset.done $0x0  }
0x37a: {  	[sflag:s30] =	ssyncadd.s32 $0xFFFFC000  }
0x37b: {  	_ =	swait.ge [sflag:s31], $0x4000  }
0x37c: {  	[sflag:s31] =	ssyncset.done $0x0  }
0x37d: {  	[sflag:s31] =	ssyncadd.s32 $0xFFFFC000  }
0x37e: {  	_ =	swait.ge [sflag:s20], $0x4000  }
0x37f: {  	[sflag:s20] =	ssyncset.done $0x0  }
0x380: {  	[sflag:s20] =	ssyncadd.s32 $0xFFFFC000  }
0x381: {  	_ =	swait.ge [sflag:s23], $0x4000  }
0x382: {  	[sflag:s23] =	ssyncset.done $0x0  }
0x383: {  	[sflag:s23] =	ssyncadd.s32 $0xFFFFC000  }
0x384: {  	_ =	swait.ge [sflag:s0], $0x1000  }
0x385: {  	s7 =	sadd.s32 $0x1, s7;
	s8 =	rddreg [dreg:$0x18]  }
0x386: {  	p0 =	sne.s32 s7, s8  }
.Ltmp2:
0x387: {  	_ = 	snop;
	(pc) =	sbr.rel @p0 .LBB2_1-.Ltmp2, $3  }
0x388: {  	_ =	sdelay $0x1  }
0x389: {  	[sflag:s0] =	ssyncset.done $0x0  }
0x38a: {  	[sflag:s0] =	ssyncadd.s32 $0xFFFFF000  }
0x38b: {  	_ =	sfence.sel $0x180000  }
0x38c: {  	[bflag:$0x0] =	sbarrier.arrive $0xFFFF  }
0x38d: {  	_ =	strace $0x90000047  }
0x38e: {  	s0 =	stileid.u32;
	[bflag:$0x2] =	sbarrier.arrive $0xFFFF  }
0x38f: {  	p0 =	sne.s32 s0, $0x0;
	s0 =	rddreg [dreg:$0x2]  }
0x390: {  	s0 =	sadd.s32 @!p0 $0x100000, s0  }
0x391: {  	[sflag:s0] =	ssyncadd.tile.s32 @!p0 $0x1;
	_ =	shalt  }
.Lfunc_end2:
_tile_overlayer_lowered:
.L_overlay_start_2:
0x392: {  	(tag) =	ssettag $0x2  }
0x393: {  	s0 =	rddreg [dreg:$0x0];
	s2 =	stileid.u32  }
0x394: {  	s1 =	rddreg [dreg:$0x1];
	p0 =	sne.s32 s2, $0x0  }
0x395: {  	s3 =	rddreg [dreg:$0x2];
	[bflag:$0x3] =	sbarrier.arrive $0xFFFF;
	s2 =	simm.s32 @!p0 $0x1C0E  }
0x396: {  	[timem:s3], [sflag:s2] =	dma.local @!p0 [hbm:s0], s1  }
0x397: {  	s0 =	simm.s32 @!p0 $0xE  }
0x398: {  	_ =	swait.ge @!p0 [sflag:s0], s1  }
0x399: {  	s1 =	ssub.s32 @!p0 $0x0, s1;
	[sflag:s0] =	ssyncset.done @!p0 $0x0  }
0x39a: {  	[sflag:s0] =	ssyncadd.s32 @!p0 s1  }
0x39b: {  	[bflag:$0x3] =	sbarrier.arrive $0xFFFF  }
0x39c: {  	_ =	shalt  }

</sc_bundles>
